<compile_context>
chip_gen: v7x
topology: tpu7x:2x2x1
jax: 0.10.2.dev20260603
libtpu: 0.0.44.dev20260713+nightly
codegen_flags: <defaults>
</compile_context>

<pallas_src>
import functools

import jax
import jax.numpy as jnp
from jax import lax
from jax.experimental import pallas as pl
from jax.experimental.pallas import tpu as pltpu
from jax.experimental.pallas import tpu_sc as plsc

N_NODES = 10000
E_TOTAL = 320000
DIM = 128
HALF = DIM // 2

NC = 2
NS = 16
NW = NC * NS
E_PER_S = E_TOTAL // NS
CHUNK = 80
N_CHUNK_S = E_PER_S // CHUNK
N_PAIR_S = N_CHUNK_S // 2
CHUNK_G = 125
N_CHUNK_G = E_PER_S // CHUNK_G
N_PAIR_G = N_CHUNK_G // 2
ROWS_PER_TILE = N_NODES // NS
ACC_ROWS = N_NODES


def _mm_body(xs_ref, xd_ref, ws_ref, wd_ref, b_ref, wself_ref, wmsg_ref,
             hst_ref, hwt_ref):
    hp = (jnp.dot(xs_ref[...], ws_ref[...], preferred_element_type=jnp.float32)
          + jnp.dot(xd_ref[...], wd_ref[...], preferred_element_type=jnp.float32)
          + b_ref[...])
    hs = jnp.dot(hp, wself_ref[...], preferred_element_type=jnp.float32)
    hst_ref[...] = jnp.stack([hs[:, :HALF], hs[:, HALF:]], axis=0)
    hw = jnp.dot(hp, wmsg_ref[...], preferred_element_type=jnp.float32)
    hwt_ref[...] = jnp.stack([hw[:, :HALF], hw[:, HALF:]], axis=0)


def _seg_body(hwt_hbm, hst_hbm, src_hbm, dst_hbm, ht_hbm,
              sidx, didx, rows_a, rows_b, table, acc,
              g_a, g_b, sc_a, sc_b):
    c = lax.axis_index("c")
    s = lax.axis_index("s")
    stripe = s * ROWS_PER_TILE
    pltpu.sync_copy(hst_hbm.at[c].at[pl.ds(stripe, ROWS_PER_TILE)],
                    acc.at[pl.ds(stripe, ROWS_PER_TILE)])
    pltpu.sync_copy(hwt_hbm.at[c].at[pl.ds(stripe, ROWS_PER_TILE)],
                    table.at[pl.ds(stripe, ROWS_PER_TILE)])
    pltpu.sync_copy(src_hbm.at[s], sidx)
    pltpu.sync_copy(dst_hbm.at[s], didx)
    plsc.subcore_barrier()

    pltpu.async_copy(table.at[sidx.at[0]], rows_a, g_a)

    def pair(i, carry):
        a, b = 2 * i, 2 * i + 1

        @pl.when(i >= 1)
        def _():
            pltpu.make_async_copy(rows_b, acc.at[didx.at[0]], sc_b).wait()

        gb = pltpu.async_copy(table.at[sidx.at[b]], rows_b, g_b)
        pltpu.make_async_copy(table.at[sidx.at[a]], rows_a, g_a).wait()
        sca = pltpu.async_copy(rows_a, acc.at[didx.at[a]], sc_a, add=True)
        sca.wait()

        @pl.when(i < N_PAIR_S - 1)
        def _():
            pltpu.async_copy(table.at[sidx.at[a + 2]], rows_a, g_a)

        gb.wait()
        pltpu.async_copy(rows_b, acc.at[didx.at[b]], sc_b, add=True)
        return carry

    lax.fori_loop(0, N_PAIR_S, pair, 0)
    pltpu.make_async_copy(rows_b, acc.at[didx.at[0]], sc_b).wait()

    plsc.subcore_barrier()
    def relu_chunk(buf, row0, nrows):
        pltpu.sync_copy(acc.at[pl.ds(row0, nrows)], buf.at[pl.ds(0, nrows)])

        def relu_row(r, carry):
            for k in range(HALF // 16):
                cols = pl.ds(k * 16, 16)
                buf[r, cols] = jnp.maximum(buf[r, cols], 0.0)
            return carry

        lax.fori_loop(0, nrows, relu_row, 0)
        pltpu.sync_copy(buf.at[pl.ds(0, nrows)],
                        ht_hbm.at[c].at[pl.ds(row0, nrows)])

    for j in range(7):
        relu_chunk(rows_a if j % 2 == 0 else rows_b,
                   stripe + j * CHUNK, CHUNK)
    relu_chunk(rows_b, stripe + 7 * CHUNK, ROWS_PER_TILE - 7 * CHUNK)


def _gather_body(ht_hbm, src_hbm, dst_hbm, hsrc_hbm, hdst_hbm,
                 sidx, didx, srows_a, srows_b, drows_a, drows_b, table,
                 g_sa, g_sb, g_da, g_db, st_sa, st_sb, st_da, st_db):
    c = lax.axis_index("c")
    s = lax.axis_index("s")
    base = s * E_PER_S
    col = c * HALF
    stripe = s * ROWS_PER_TILE
    pltpu.sync_copy(ht_hbm.at[c].at[pl.ds(stripe, ROWS_PER_TILE)],
                    table.at[pl.ds(stripe, ROWS_PER_TILE)])
    pltpu.sync_copy(src_hbm.at[s], sidx)
    pltpu.sync_copy(dst_hbm.at[s], didx)
    plsc.subcore_barrier()
    pltpu.async_copy(table.at[sidx.at[0]], srows_a, g_sa)
    pltpu.async_copy(table.at[didx.at[0]], drows_a, g_da)

    def pair(i, carry):
        a, b = 2 * i, 2 * i + 1
        off_a = base + a * CHUNK_G
        off_b = base + b * CHUNK_G

        @pl.when(i >= 1)
        def _():
            pltpu.make_async_copy(
                srows_b, hsrc_hbm.at[pl.ds(off_b, CHUNK_G), pl.ds(col, HALF)],
                st_sb).wait()
            pltpu.make_async_copy(
                drows_b, hdst_hbm.at[pl.ds(off_b, CHUNK_G), pl.ds(col, HALF)],
                st_db).wait()

        gsb = pltpu.async_copy(table.at[sidx.at[b]], srows_b, g_sb)
        gdb = pltpu.async_copy(table.at[didx.at[b]], drows_b, g_db)

        pltpu.make_async_copy(table.at[sidx.at[a]], srows_a, g_sa).wait()
        ssa = pltpu.async_copy(
            srows_a, hsrc_hbm.at[pl.ds(off_a, CHUNK_G), pl.ds(col, HALF)], st_sa)
        pltpu.make_async_copy(table.at[didx.at[a]], drows_a, g_da).wait()
        sda = pltpu.async_copy(
            drows_a, hdst_hbm.at[pl.ds(off_a, CHUNK_G), pl.ds(col, HALF)], st_da)

        ssa.wait()

        @pl.when(i < N_PAIR_G - 1)
        def _():
            pltpu.async_copy(table.at[sidx.at[a + 2]], srows_a, g_sa)

        sda.wait()

        @pl.when(i < N_PAIR_G - 1)
        def _():
            pltpu.async_copy(table.at[didx.at[a + 2]], drows_a, g_da)

        gsb.wait()
        pltpu.async_copy(srows_b, hsrc_hbm.at[pl.ds(off_b, CHUNK_G),
                                              pl.ds(col, HALF)], st_sb)
        gdb.wait()
        pltpu.async_copy(drows_b, hdst_hbm.at[pl.ds(off_b, CHUNK_G),
                                              pl.ds(col, HALF)], st_db)
        return carry

    lax.fori_loop(0, N_PAIR_G, pair, 0)
    off_b = base + (N_CHUNK_G - 1) * CHUNK_G
    pltpu.make_async_copy(
        srows_b, hsrc_hbm.at[pl.ds(off_b, CHUNK_G), pl.ds(col, HALF)],
        st_sb).wait()
    pltpu.make_async_copy(
        drows_b, hdst_hbm.at[pl.ds(off_b, CHUNK_G), pl.ds(col, HALF)],
        st_db).wait()


@functools.lru_cache(maxsize=1)
def _sc_kernels():
    mesh = plsc.VectorSubcoreMesh(
        core_axis_name="c", subcore_axis_name="s",
        num_cores=NC, num_subcores=NS)
    seg = functools.partial(
        pl.kernel,
        out_type=jax.ShapeDtypeStruct((NC, N_NODES, HALF), jnp.float32),
        mesh=mesh,
        compiler_params=pltpu.CompilerParams(use_tc_tiling_on_sc=False),
        scratch_types=[
            pltpu.VMEM((N_CHUNK_S, CHUNK), jnp.int32),
            pltpu.VMEM((N_CHUNK_S, CHUNK), jnp.int32),
            pltpu.VMEM((CHUNK, HALF), jnp.float32),
            pltpu.VMEM((CHUNK, HALF), jnp.float32),
            pltpu.VMEM_SHARED((ACC_ROWS, HALF), jnp.float32),
            pltpu.VMEM_SHARED((ACC_ROWS, HALF), jnp.float32),
            pltpu.SemaphoreType.DMA,
            pltpu.SemaphoreType.DMA,
            pltpu.SemaphoreType.DMA,
            pltpu.SemaphoreType.DMA,
        ],
    )(_seg_body)
    gather = functools.partial(
        pl.kernel,
        out_type=[
            jax.ShapeDtypeStruct((E_TOTAL, DIM), jnp.float32),
            jax.ShapeDtypeStruct((E_TOTAL, DIM), jnp.float32),
        ],
        mesh=mesh,
        compiler_params=pltpu.CompilerParams(use_tc_tiling_on_sc=False),
        scratch_types=[
            pltpu.VMEM((N_CHUNK_G, CHUNK_G), jnp.int32),
            pltpu.VMEM((N_CHUNK_G, CHUNK_G), jnp.int32),
            pltpu.VMEM((CHUNK_G, HALF), jnp.float32),
            pltpu.VMEM((CHUNK_G, HALF), jnp.float32),
            pltpu.VMEM((CHUNK_G, HALF), jnp.float32),
            pltpu.VMEM((CHUNK_G, HALF), jnp.float32),
            pltpu.VMEM_SHARED((N_NODES, HALF), jnp.float32),
            pltpu.SemaphoreType.DMA,
            pltpu.SemaphoreType.DMA,
            pltpu.SemaphoreType.DMA,
            pltpu.SemaphoreType.DMA,
            pltpu.SemaphoreType.DMA,
            pltpu.SemaphoreType.DMA,
            pltpu.SemaphoreType.DMA,
            pltpu.SemaphoreType.DMA,
        ],
    )(_gather_body)
    return seg, gather


_ROW_BLK = 1000
_N_BLK = N_NODES // _ROW_BLK


def _relu_body(pre_ref, ht_ref):
    ht_ref[...] = jnp.maximum(pre_ref[...], 0.0)


_relu_call = pl.pallas_call(
    _relu_body,
    grid=(_N_BLK,),
    in_specs=[pl.BlockSpec((NC, _ROW_BLK, HALF), lambda i: (0, i, 0))],
    out_specs=pl.BlockSpec((NC, _ROW_BLK, HALF), lambda i: (0, i, 0)),
    out_shape=jax.ShapeDtypeStruct((NC, N_NODES, HALF), jnp.float32),
)

_mm_call = pl.pallas_call(
    _mm_body,
    grid=(_N_BLK,),
    in_specs=[
        pl.BlockSpec((_ROW_BLK, DIM), lambda i: (i, 0)),
        pl.BlockSpec((_ROW_BLK, DIM), lambda i: (i, 0)),
        pl.BlockSpec((DIM, DIM), lambda i: (0, 0)),
        pl.BlockSpec((DIM, DIM), lambda i: (0, 0)),
        pl.BlockSpec((1, DIM), lambda i: (0, 0)),
        pl.BlockSpec((DIM, DIM), lambda i: (0, 0)),
        pl.BlockSpec((DIM, DIM), lambda i: (0, 0)),
    ],
    out_specs=[
        pl.BlockSpec((NC, _ROW_BLK, HALF), lambda i: (0, i, 0)),
        pl.BlockSpec((NC, _ROW_BLK, HALF), lambda i: (0, i, 0)),
    ],
    out_shape=[
        jax.ShapeDtypeStruct((NC, N_NODES, HALF), jnp.float32),
        jax.ShapeDtypeStruct((NC, N_NODES, HALF), jnp.float32),
    ],
)



def kernel(edge_index, t, msg, x_src, x_dst, W_src, b_src, W_dst, b_dst,
           W_self, W_msg):
    del t, msg
    src3s = edge_index[0].reshape(NS, N_CHUNK_S, CHUNK)
    dst3s = edge_index[1].reshape(NS, N_CHUNK_S, CHUNK)
    src3g = edge_index[0].reshape(NS, N_CHUNK_G, CHUNK_G)
    dst3g = edge_index[1].reshape(NS, N_CHUNK_G, CHUNK_G)
    bias = (b_src + b_dst).reshape(1, DIM)
    seg_kernel, gather_kernel = _sc_kernels()
    hst, hwt = _mm_call(x_src, x_dst, W_src, W_dst, bias, W_self, W_msg)
    ht = seg_kernel(hwt, hst, src3s, dst3s)
    h_src, h_dst = gather_kernel(ht, src3g, dst3g)
    return (h_src, h_dst)

# --- scband reference (transcript-rebuilt; emitter-appended) ---
"""Pipeline reference for scband-orthrus-encoder-69793218560124 (READ-ONLY COPY).

The authoritative reference and input builder live on the scoring server;
editing this copy changes nothing except your own understanding.
"""

import jax, jax.numpy as jnp
import numpy as np

NUM_NODES = 10000
E = 320000
IN_DIM = 128
T_DIM = 128
EDGE_DIM = 16


def setup_inputs(seed: int = 0) -> dict:
    key = jax.random.key(seed)
    ks = jax.random.split(key, 12)
    edge_index = jax.random.randint(ks[0], (2, E), 0, NUM_NODES)
    t = jnp.sort(jax.random.randint(ks[1], (E,), 0, 1000000))
    msg = jax.random.normal(ks[2], (E, EDGE_DIM), dtype=jnp.float32)
    x_src = jax.random.normal(ks[3], (NUM_NODES, IN_DIM), dtype=jnp.float32)
    x_dst = jax.random.normal(ks[4], (NUM_NODES, IN_DIM), dtype=jnp.float32)
    # Learned parameters: src_linear / dst_linear (in_dim -> temporal_dim)
    W_src = jax.random.normal(ks[5], (IN_DIM, T_DIM), dtype=jnp.float32) * 0.02
    b_src = jnp.zeros((T_DIM,), dtype=jnp.float32)
    W_dst = jax.random.normal(ks[6], (IN_DIM, T_DIM), dtype=jnp.float32) * 0.02
    b_dst = jnp.zeros((T_DIM,), dtype=jnp.float32)
    # Base encoder: one message-passing layer h' = relu(h @ W_self + scatter_add_dst(h[src] @ W_msg))
    W_self = jax.random.normal(ks[7], (T_DIM, T_DIM), dtype=jnp.float32) * 0.02
    W_msg = jax.random.normal(ks[8], (T_DIM, T_DIM), dtype=jnp.float32) * 0.02
    return {
        "edge_index": edge_index,
        "t": t,
        "msg": msg,
        "x_src": x_src,
        "x_dst": x_dst,
        "W_src": W_src,
        "b_src": b_src,
        "W_dst": W_dst,
        "b_dst": b_dst,
        "W_self": W_self,
        "W_msg": W_msg,
    }


def reference(edge_index, t, msg, x_src, x_dst, W_src, b_src, W_dst, b_dst, W_self, W_msg):
    # neighbor_loader is None, graph_reindexer is None, full_data is None,
    # use_node_feats_in_gnn is True -> edge_feats is None.
    src = edge_index[0]
    dst = edge_index[1]
    # x_proj = src_linear(x_src) + dst_linear(x_dst)
    x_proj = (x_src @ W_src + b_src) + (x_dst @ W_dst + b_dst)
    h = x_proj
    # encoder(h, edge_index, edge_feats=None): one MP layer over global edges
    m = h[src] @ W_msg
    agg = jax.ops.segment_sum(m, dst, num_segments=NUM_NODES)
    h = jax.nn.relu(h @ W_self + agg)
    h_src = h[src]
    h_dst = h[dst]
    return (h_src, h_dst)

if __name__ == "__main__":
    import jax
    _d = setup_inputs()
    print(jax.jit(kernel)(*tuple(_d.values())))

</pallas_src>

<mosaic_0001>
#map = affine_map<(d0, d1) -> (0, 0, 0)>
module attributes {stable_mosaic.version = 14 : i64} {
  func.func @_seg_body(%arg0: i32, %arg1: i32, %arg2: memref<2x10000x64xf32, #tpu.memory_space<hbm>>, %arg3: memref<2x10000x64xf32, #tpu.memory_space<hbm>>, %arg4: memref<16x250x80xi32, #tpu.memory_space<hbm>>, %arg5: memref<16x250x80xi32, #tpu.memory_space<hbm>>, %arg6: memref<2x10000x64xf32, #tpu.memory_space<hbm>>, %arg7: memref<250x80xi32, #tpu.memory_space<vmem>>, %arg8: memref<250x80xi32, #tpu.memory_space<vmem>>, %arg9: memref<80x64xf32, #tpu.memory_space<vmem>>, %arg10: memref<80x64xf32, #tpu.memory_space<vmem>>, %arg11: memref<10000x64xf32, #tpu.memory_space<vmem_shared>>, %arg12: memref<10000x64xf32, #tpu.memory_space<vmem_shared>>, %arg13: memref<!tpu.dma_semaphore, #tpu.memory_space<semaphore_mem>>, %arg14: memref<!tpu.dma_semaphore, #tpu.memory_space<semaphore_mem>>, %arg15: memref<!tpu.dma_semaphore, #tpu.memory_space<semaphore_mem>>, %arg16: memref<!tpu.dma_semaphore, #tpu.memory_space<semaphore_mem>>) attributes {dimension_semantics = [#tpu.dimension_semantics<core_parallel>, #tpu.dimension_semantics<subcore_parallel>], iteration_bounds = array<i64: 2, 16>, scalar_prefetch = 0 : i64, scratch_operands = 10 : i64, tpu.core_type = #tpu.core_type<sc_vector_subcore>, window_params = [{transform_indices = #map}, {transform_indices = #map}, {transform_indices = #map}, {transform_indices = #map}, {transform_indices = #map}]} {
    %mul3A = arith.constant 625 : i32
    %mul3A_0 = arith.muli %arg1, %mul3A : i32
    "tpu.region"() ({
      %run_scoped3A = tpu.sem_alloc : memref<!tpu.dma_semaphore, #tpu.memory_space<semaphore_mem>>
      %dma_start3A_82 = arith.constant 0 : i32
      %dma_start3A_83 = tpu.memref_slice %arg12[%mul3A_0, %dma_start3A_82] : memref<10000x64xf32, #tpu.memory_space<vmem_shared>> -> memref<625x64xf32, #tpu.memory_space<vmem_shared>>
      %dma_start3A_84 = arith.constant 0 : i32
      %dma_start3A_85 = arith.constant 0 : i32
      %dma_start3A_86 = tpu.memref_slice %arg3[%arg0, %dma_start3A_84, %dma_start3A_85] : memref<2x10000x64xf32, #tpu.memory_space<hbm>> -> memref<1x10000x64xf32, #tpu.memory_space<hbm>>
      %dma_start3A_87 = tpu.memref_squeeze %dma_start3A_86 : memref<1x10000x64xf32, #tpu.memory_space<hbm>> -> memref<10000x64xf32, #tpu.memory_space<hbm>>
      %dma_start3A_88 = arith.constant 0 : i32
      %dma_start3A_89 = tpu.memref_slice %dma_start3A_87[%mul3A_0, %dma_start3A_88] : memref<10000x64xf32, #tpu.memory_space<hbm>> -> memref<625x64xf32, #tpu.memory_space<hbm>>
      tpu.enqueue_dma source(%dma_start3A_89 : memref<625x64xf32, #tpu.memory_space<hbm>>) target(%dma_start3A_83 : memref<625x64xf32, #tpu.memory_space<vmem_shared>>) target_semaphore(%run_scoped3A : memref<!tpu.dma_semaphore, #tpu.memory_space<semaphore_mem>>)
      %dma_wait3A_90 = arith.constant 0 : i32
      %dma_wait3A_91 = tpu.memref_slice %arg12[%mul3A_0, %dma_wait3A_90] : memref<10000x64xf32, #tpu.memory_space<vmem_shared>> -> memref<625x64xf32, #tpu.memory_space<vmem_shared>>
      %dma_wait3A_92 = arith.constant 0 : i32
      %dma_wait3A_93 = arith.constant 0 : i32
      %dma_wait3A_94 = tpu.memref_slice %arg3[%arg0, %dma_wait3A_92, %dma_wait3A_93] : memref<2x10000x64xf32, #tpu.memory_space<hbm>> -> memref<1x10000x64xf32, #tpu.memory_space<hbm>>
      %dma_wait3A_95 = tpu.memref_squeeze %dma_wait3A_94 : memref<1x10000x64xf32, #tpu.memory_space<hbm>> -> memref<10000x64xf32, #tpu.memory_space<hbm>>
      %dma_wait3A_96 = arith.constant 0 : i32
      %dma_wait3A_97 = tpu.memref_slice %dma_wait3A_95[%mul3A_0, %dma_wait3A_96] : memref<10000x64xf32, #tpu.memory_space<hbm>> -> memref<625x64xf32, #tpu.memory_space<hbm>>
      tpu.wait_dma2 semaphore(%run_scoped3A : memref<!tpu.dma_semaphore, #tpu.memory_space<semaphore_mem>>) src(%dma_wait3A_97 : memref<625x64xf32, #tpu.memory_space<hbm>>) dst(%dma_wait3A_91 : memref<625x64xf32, #tpu.memory_space<vmem_shared>>)
      tpu.yield
    }) : () -> ()
    "tpu.region"() ({
      %run_scoped3A = tpu.sem_alloc : memref<!tpu.dma_semaphore, #tpu.memory_space<semaphore_mem>>
      %dma_start3A_82 = arith.constant 0 : i32
      %dma_start3A_83 = tpu.memref_slice %arg11[%mul3A_0, %dma_start3A_82] : memref<10000x64xf32, #tpu.memory_space<vmem_shared>> -> memref<625x64xf32, #tpu.memory_space<vmem_shared>>
      %dma_start3A_84 = arith.constant 0 : i32
      %dma_start3A_85 = arith.constant 0 : i32
      %dma_start3A_86 = tpu.memref_slice %arg2[%arg0, %dma_start3A_84, %dma_start3A_85] : memref<2x10000x64xf32, #tpu.memory_space<hbm>> -> memref<1x10000x64xf32, #tpu.memory_space<hbm>>
      %dma_start3A_87 = tpu.memref_squeeze %dma_start3A_86 : memref<1x10000x64xf32, #tpu.memory_space<hbm>> -> memref<10000x64xf32, #tpu.memory_space<hbm>>
      %dma_start3A_88 = arith.constant 0 : i32
      %dma_start3A_89 = tpu.memref_slice %dma_start3A_87[%mul3A_0, %dma_start3A_88] : memref<10000x64xf32, #tpu.memory_space<hbm>> -> memref<625x64xf32, #tpu.memory_space<hbm>>
      tpu.enqueue_dma source(%dma_start3A_89 : memref<625x64xf32, #tpu.memory_space<hbm>>) target(%dma_start3A_83 : memref<625x64xf32, #tpu.memory_space<vmem_shared>>) target_semaphore(%run_scoped3A : memref<!tpu.dma_semaphore, #tpu.memory_space<semaphore_mem>>)
      %dma_wait3A_90 = arith.constant 0 : i32
      %dma_wait3A_91 = tpu.memref_slice %arg11[%mul3A_0, %dma_wait3A_90] : memref<10000x64xf32, #tpu.memory_space<vmem_shared>> -> memref<625x64xf32, #tpu.memory_space<vmem_shared>>
      %dma_wait3A_92 = arith.constant 0 : i32
      %dma_wait3A_93 = arith.constant 0 : i32
      %dma_wait3A_94 = tpu.memref_slice %arg2[%arg0, %dma_wait3A_92, %dma_wait3A_93] : memref<2x10000x64xf32, #tpu.memory_space<hbm>> -> memref<1x10000x64xf32, #tpu.memory_space<hbm>>
      %dma_wait3A_95 = tpu.memref_squeeze %dma_wait3A_94 : memref<1x10000x64xf32, #tpu.memory_space<hbm>> -> memref<10000x64xf32, #tpu.memory_space<hbm>>
      %dma_wait3A_96 = arith.constant 0 : i32
      %dma_wait3A_97 = tpu.memref_slice %dma_wait3A_95[%mul3A_0, %dma_wait3A_96] : memref<10000x64xf32, #tpu.memory_space<hbm>> -> memref<625x64xf32, #tpu.memory_space<hbm>>
      tpu.wait_dma2 semaphore(%run_scoped3A : memref<!tpu.dma_semaphore, #tpu.memory_space<semaphore_mem>>) src(%dma_wait3A_97 : memref<625x64xf32, #tpu.memory_space<hbm>>) dst(%dma_wait3A_91 : memref<625x64xf32, #tpu.memory_space<vmem_shared>>)
      tpu.yield
    }) : () -> ()
    "tpu.region"() ({
      %run_scoped3A = tpu.sem_alloc : memref<!tpu.dma_semaphore, #tpu.memory_space<semaphore_mem>>
      %dma_start3A_82 = arith.constant 0 : i32
      %dma_start3A_83 = arith.constant 0 : i32
      %dma_start3A_84 = tpu.memref_slice %arg4[%arg1, %dma_start3A_82, %dma_start3A_83] : memref<16x250x80xi32, #tpu.memory_space<hbm>> -> memref<1x250x80xi32, #tpu.memory_space<hbm>>
      %dma_start3A_85 = tpu.memref_squeeze %dma_start3A_84 : memref<1x250x80xi32, #tpu.memory_space<hbm>> -> memref<250x80xi32, #tpu.memory_space<hbm>>
      %dma_start3A_86 = arith.constant 0 : i32
      %dma_start3A_87 = arith.constant 0 : i32
      %dma_start3A_88 = tpu.memref_slice %arg4[%arg1, %dma_start3A_86, %dma_start3A_87] : memref<16x250x80xi32, #tpu.memory_space<hbm>> -> memref<1x250x80xi32, #tpu.memory_space<hbm>>
      %dma_start3A_89 = tpu.memref_squeeze %dma_start3A_88 : memref<1x250x80xi32, #tpu.memory_space<hbm>> -> memref<250x80xi32, #tpu.memory_space<hbm>>
      tpu.enqueue_dma source(%dma_start3A_89 : memref<250x80xi32, #tpu.memory_space<hbm>>) target(%arg7 : memref<250x80xi32, #tpu.memory_space<vmem>>) target_semaphore(%run_scoped3A : memref<!tpu.dma_semaphore, #tpu.memory_space<semaphore_mem>>)
      %dma_wait3A_90 = arith.constant 0 : i32
      %dma_wait3A_91 = arith.constant 0 : i32
      %dma_wait3A_92 = tpu.memref_slice %arg4[%arg1, %dma_wait3A_90, %dma_wait3A_91] : memref<16x250x80xi32, #tpu.memory_space<hbm>> -> memref<1x250x80xi32, #tpu.memory_space<hbm>>
      %dma_wait3A_93 = tpu.memref_squeeze %dma_wait3A_92 : memref<1x250x80xi32, #tpu.memory_space<hbm>> -> memref<250x80xi32, #tpu.memory_space<hbm>>
      %dma_wait3A_94 = arith.constant 0 : i32
      %dma_wait3A_95 = arith.constant 0 : i32
      %dma_wait3A_96 = tpu.memref_slice %arg4[%arg1, %dma_wait3A_94, %dma_wait3A_95] : memref<16x250x80xi32, #tpu.memory_space<hbm>> -> memref<1x250x80xi32, #tpu.memory_space<hbm>>
      %dma_wait3A_97 = tpu.memref_squeeze %dma_wait3A_96 : memref<1x250x80xi32, #tpu.memory_space<hbm>> -> memref<250x80xi32, #tpu.memory_space<hbm>>
      tpu.wait_dma2 semaphore(%run_scoped3A : memref<!tpu.dma_semaphore, #tpu.memory_space<semaphore_mem>>) src(%dma_wait3A_97 : memref<250x80xi32, #tpu.memory_space<hbm>>) dst(%arg7 : memref<250x80xi32, #tpu.memory_space<vmem>>)
      tpu.yield
    }) : () -> ()
    "tpu.region"() ({
      %run_scoped3A = tpu.sem_alloc : memref<!tpu.dma_semaphore, #tpu.memory_space<semaphore_mem>>
      %dma_start3A_82 = arith.constant 0 : i32
      %dma_start3A_83 = arith.constant 0 : i32
      %dma_start3A_84 = tpu.memref_slice %arg5[%arg1, %dma_start3A_82, %dma_start3A_83] : memref<16x250x80xi32, #tpu.memory_space<hbm>> -> memref<1x250x80xi32, #tpu.memory_space<hbm>>
      %dma_start3A_85 = tpu.memref_squeeze %dma_start3A_84 : memref<1x250x80xi32, #tpu.memory_space<hbm>> -> memref<250x80xi32, #tpu.memory_space<hbm>>
      %dma_start3A_86 = arith.constant 0 : i32
      %dma_start3A_87 = arith.constant 0 : i32
      %dma_start3A_88 = tpu.memref_slice %arg5[%arg1, %dma_start3A_86, %dma_start3A_87] : memref<16x250x80xi32, #tpu.memory_space<hbm>> -> memref<1x250x80xi32, #tpu.memory_space<hbm>>
      %dma_start3A_89 = tpu.memref_squeeze %dma_start3A_88 : memref<1x250x80xi32, #tpu.memory_space<hbm>> -> memref<250x80xi32, #tpu.memory_space<hbm>>
      tpu.enqueue_dma source(%dma_start3A_89 : memref<250x80xi32, #tpu.memory_space<hbm>>) target(%arg8 : memref<250x80xi32, #tpu.memory_space<vmem>>) target_semaphore(%run_scoped3A : memref<!tpu.dma_semaphore, #tpu.memory_space<semaphore_mem>>)
      %dma_wait3A_90 = arith.constant 0 : i32
      %dma_wait3A_91 = arith.constant 0 : i32
      %dma_wait3A_92 = tpu.memref_slice %arg5[%arg1, %dma_wait3A_90, %dma_wait3A_91] : memref<16x250x80xi32, #tpu.memory_space<hbm>> -> memref<1x250x80xi32, #tpu.memory_space<hbm>>
      %dma_wait3A_93 = tpu.memref_squeeze %dma_wait3A_92 : memref<1x250x80xi32, #tpu.memory_space<hbm>> -> memref<250x80xi32, #tpu.memory_space<hbm>>
      %dma_wait3A_94 = arith.constant 0 : i32
      %dma_wait3A_95 = arith.constant 0 : i32
      %dma_wait3A_96 = tpu.memref_slice %arg5[%arg1, %dma_wait3A_94, %dma_wait3A_95] : memref<16x250x80xi32, #tpu.memory_space<hbm>> -> memref<1x250x80xi32, #tpu.memory_space<hbm>>
      %dma_wait3A_97 = tpu.memref_squeeze %dma_wait3A_96 : memref<1x250x80xi32, #tpu.memory_space<hbm>> -> memref<250x80xi32, #tpu.memory_space<hbm>>
      tpu.wait_dma2 semaphore(%run_scoped3A : memref<!tpu.dma_semaphore, #tpu.memory_space<semaphore_mem>>) src(%dma_wait3A_97 : memref<250x80xi32, #tpu.memory_space<hbm>>) dst(%arg8 : memref<250x80xi32, #tpu.memory_space<vmem>>)
      tpu.yield
    }) : () -> ()
    %barrier3A = arith.constant 0 : index
    tpu.barrier barrier_id(%barrier3A)
    %dma_start3A = arith.constant 0 : i32
    %dma_start3A_1 = arith.constant 0 : i32
    %dma_start3A_2 = tpu.memref_slice %arg7[%dma_start3A, %dma_start3A_1] : memref<250x80xi32, #tpu.memory_space<vmem>> -> memref<1x80xi32, #tpu.memory_space<vmem>>
    %dma_start3A_3 = tpu.memref_squeeze %dma_start3A_2 : memref<1x80xi32, #tpu.memory_space<vmem>> -> memref<80xi32, #tpu.memory_space<vmem>>
    %dma_start3A_4 = arith.constant 0 : i32
    %dma_start3A_5 = arith.constant 0 : i32
    %dma_start3A_6 = tpu.memref_slice %arg11[%dma_start3A_4, %dma_start3A_5] : memref<10000x64xf32, #tpu.memory_space<vmem_shared>> -> memref<10000x64xf32, #tpu.memory_space<vmem_shared>>
    tpu.enqueue_indirect_dma source(%dma_start3A_6 : memref<10000x64xf32, #tpu.memory_space<vmem_shared>>) target(%arg9 : memref<80x64xf32, #tpu.memory_space<vmem>>) offsets(%dma_start3A_3 : memref<80xi32, #tpu.memory_space<vmem>>) semaphore(%arg13 : memref<!tpu.dma_semaphore, #tpu.memory_space<semaphore_mem>>)
    %scan3A = arith.constant 0 : i32
    %scan3A_7 = arith.constant 0 : i32
    %scan3A_8 = arith.constant 125 : i32
    %scan3A_9 = arith.addi %scan3A_7, %scan3A_8 : i32
    %scan3A_10 = arith.constant 1 : i32
    scf.for %scan3A_82 = %scan3A_7 to %scan3A_9 step %scan3A_10  : i32 {
      %mul3A_83 = arith.constant 2 : i32
      %mul3A_84 = arith.muli %mul3A_83, %scan3A_82 : i32
      %mul3A_85 = arith.constant 2 : i32
      %mul3A_86 = arith.muli %mul3A_85, %scan3A_82 : i32
      %add3A_87 = arith.constant 1 : i32
      %add3A_88 = arith.addi %mul3A_86, %add3A_87 : i32
      %ge3A = arith.constant 1 : i32
      %ge3A_89 = arith.cmpi sge, %scan3A_82, %ge3A : i32
      %convert_element_type3A = arith.extui %ge3A_89 : i1 to i32
      %cond3A = arith.constant 0 : i32
      %cond3A_90 = arith.cmpi ne, %convert_element_type3A, %cond3A : i32
      scf.if %cond3A_90 {
        %dma_wait3A_131 = arith.constant 0 : i32
        %dma_wait3A_132 = arith.constant 0 : i32
        %dma_wait3A_133 = tpu.memref_slice %arg8[%dma_wait3A_131, %dma_wait3A_132] : memref<250x80xi32, #tpu.memory_space<vmem>> -> memref<1x80xi32, #tpu.memory_space<vmem>>
        %dma_wait3A_134 = tpu.memref_squeeze %dma_wait3A_133 : memref<1x80xi32, #tpu.memory_space<vmem>> -> memref<80xi32, #tpu.memory_space<vmem>>
        %dma_wait3A_135 = arith.constant 0 : i32
        %dma_wait3A_136 = arith.constant 0 : i32
        %dma_wait3A_137 = tpu.memref_slice %arg12[%dma_wait3A_135, %dma_wait3A_136] : memref<10000x64xf32, #tpu.memory_space<vmem_shared>> -> memref<10000x64xf32, #tpu.memory_space<vmem_shared>>
        tpu.wait_indirect_dma semaphore(%arg16 : memref<!tpu.dma_semaphore, #tpu.memory_space<semaphore_mem>>) src(%arg10 : memref<80x64xf32, #tpu.memory_space<vmem>>) dst(%dma_wait3A_137 : memref<10000x64xf32, #tpu.memory_space<vmem_shared>>)
      } else {
      }
      %dma_start3A_91 = arith.constant 0 : i32
      %dma_start3A_92 = tpu.memref_slice %arg7[%add3A_88, %dma_start3A_91] : memref<250x80xi32, #tpu.memory_space<vmem>> -> memref<1x80xi32, #tpu.memory_space<vmem>>
      %dma_start3A_93 = tpu.memref_squeeze %dma_start3A_92 : memref<1x80xi32, #tpu.memory_space<vmem>> -> memref<80xi32, #tpu.memory_space<vmem>>
      %dma_start3A_94 = arith.constant 0 : i32
      %dma_start3A_95 = arith.constant 0 : i32
      %dma_start3A_96 = tpu.memref_slice %arg11[%dma_start3A_94, %dma_start3A_95] : memref<10000x64xf32, #tpu.memory_space<vmem_shared>> -> memref<10000x64xf32, #tpu.memory_space<vmem_shared>>
      tpu.enqueue_indirect_dma source(%dma_start3A_96 : memref<10000x64xf32, #tpu.memory_space<vmem_shared>>) target(%arg10 : memref<80x64xf32, #tpu.memory_space<vmem>>) offsets(%dma_start3A_93 : memref<80xi32, #tpu.memory_space<vmem>>) semaphore(%arg14 : memref<!tpu.dma_semaphore, #tpu.memory_space<semaphore_mem>>)
      %dma_wait3A_97 = arith.constant 0 : i32
      %dma_wait3A_98 = tpu.memref_slice %arg7[%mul3A_84, %dma_wait3A_97] : memref<250x80xi32, #tpu.memory_space<vmem>> -> memref<1x80xi32, #tpu.memory_space<vmem>>
      %dma_wait3A_99 = tpu.memref_squeeze %dma_wait3A_98 : memref<1x80xi32, #tpu.memory_space<vmem>> -> memref<80xi32, #tpu.memory_space<vmem>>
      %dma_wait3A_100 = arith.constant 0 : i32
      %dma_wait3A_101 = arith.constant 0 : i32
      %dma_wait3A_102 = tpu.memref_slice %arg11[%dma_wait3A_100, %dma_wait3A_101] : memref<10000x64xf32, #tpu.memory_space<vmem_shared>> -> memref<10000x64xf32, #tpu.memory_space<vmem_shared>>
      tpu.wait_indirect_dma semaphore(%arg13 : memref<!tpu.dma_semaphore, #tpu.memory_space<semaphore_mem>>) src(%dma_wait3A_102 : memref<10000x64xf32, #tpu.memory_space<vmem_shared>>) dst(%arg9 : memref<80x64xf32, #tpu.memory_space<vmem>>)
      %dma_start3A_103 = arith.constant 0 : i32
      %dma_start3A_104 = tpu.memref_slice %arg8[%mul3A_84, %dma_start3A_103] : memref<250x80xi32, #tpu.memory_space<vmem>> -> memref<1x80xi32, #tpu.memory_space<vmem>>
      %dma_start3A_105 = tpu.memref_squeeze %dma_start3A_104 : memref<1x80xi32, #tpu.memory_space<vmem>> -> memref<80xi32, #tpu.memory_space<vmem>>
      %dma_start3A_106 = arith.constant 0 : i32
      %dma_start3A_107 = arith.constant 0 : i32
      %dma_start3A_108 = tpu.memref_slice %arg12[%dma_start3A_106, %dma_start3A_107] : memref<10000x64xf32, #tpu.memory_space<vmem_shared>> -> memref<10000x64xf32, #tpu.memory_space<vmem_shared>>
      tpu.enqueue_indirect_dma source(%arg9 : memref<80x64xf32, #tpu.memory_space<vmem>>) target(%dma_start3A_108 : memref<10000x64xf32, #tpu.memory_space<vmem_shared>>) offsets(%dma_start3A_105 : memref<80xi32, #tpu.memory_space<vmem>>) semaphore(%arg15 : memref<!tpu.dma_semaphore, #tpu.memory_space<semaphore_mem>>) {add = true}
      %dma_wait3A_109 = arith.constant 0 : i32
      %dma_wait3A_110 = tpu.memref_slice %arg8[%mul3A_84, %dma_wait3A_109] : memref<250x80xi32, #tpu.memory_space<vmem>> -> memref<1x80xi32, #tpu.memory_space<vmem>>
      %dma_wait3A_111 = tpu.memref_squeeze %dma_wait3A_110 : memref<1x80xi32, #tpu.memory_space<vmem>> -> memref<80xi32, #tpu.memory_space<vmem>>
      %dma_wait3A_112 = arith.constant 0 : i32
      %dma_wait3A_113 = arith.constant 0 : i32
      %dma_wait3A_114 = tpu.memref_slice %arg12[%dma_wait3A_112, %dma_wait3A_113] : memref<10000x64xf32, #tpu.memory_space<vmem_shared>> -> memref<10000x64xf32, #tpu.memory_space<vmem_shared>>
      tpu.wait_indirect_dma semaphore(%arg15 : memref<!tpu.dma_semaphore, #tpu.memory_space<semaphore_mem>>) src(%arg9 : memref<80x64xf32, #tpu.memory_space<vmem>>) dst(%dma_wait3A_114 : memref<10000x64xf32, #tpu.memory_space<vmem_shared>>)
      %lt3A = arith.constant 124 : i32
      %lt3A_115 = arith.cmpi slt, %scan3A_82, %lt3A : i32
      %convert_element_type3A_116 = arith.extui %lt3A_115 : i1 to i32
      %cond3A_117 = arith.constant 0 : i32
      %cond3A_118 = arith.cmpi ne, %convert_element_type3A_116, %cond3A_117 : i32
      scf.if %cond3A_118 {
        %add3A_131 = arith.constant 2 : i32
        %add3A_132 = arith.addi %mul3A_84, %add3A_131 : i32
        %dma_start3A_133 = arith.constant 0 : i32
        %dma_start3A_134 = tpu.memref_slice %arg7[%add3A_132, %dma_start3A_133] : memref<250x80xi32, #tpu.memory_space<vmem>> -> memref<1x80xi32, #tpu.memory_space<vmem>>
        %dma_start3A_135 = tpu.memref_squeeze %dma_start3A_134 : memref<1x80xi32, #tpu.memory_space<vmem>> -> memref<80xi32, #tpu.memory_space<vmem>>
        %dma_start3A_136 = arith.constant 0 : i32
        %dma_start3A_137 = arith.constant 0 : i32
        %dma_start3A_138 = tpu.memref_slice %arg11[%dma_start3A_136, %dma_start3A_137] : memref<10000x64xf32, #tpu.memory_space<vmem_shared>> -> memref<10000x64xf32, #tpu.memory_space<vmem_shared>>
        tpu.enqueue_indirect_dma source(%dma_start3A_138 : memref<10000x64xf32, #tpu.memory_space<vmem_shared>>) target(%arg9 : memref<80x64xf32, #tpu.memory_space<vmem>>) offsets(%dma_start3A_135 : memref<80xi32, #tpu.memory_space<vmem>>) semaphore(%arg13 : memref<!tpu.dma_semaphore, #tpu.memory_space<semaphore_mem>>)
      } else {
      }
      %dma_wait3A_119 = arith.constant 0 : i32
      %dma_wait3A_120 = tpu.memref_slice %arg7[%add3A_88, %dma_wait3A_119] : memref<250x80xi32, #tpu.memory_space<vmem>> -> memref<1x80xi32, #tpu.memory_space<vmem>>
      %dma_wait3A_121 = tpu.memref_squeeze %dma_wait3A_120 : memref<1x80xi32, #tpu.memory_space<vmem>> -> memref<80xi32, #tpu.memory_space<vmem>>
      %dma_wait3A_122 = arith.constant 0 : i32
      %dma_wait3A_123 = arith.constant 0 : i32
      %dma_wait3A_124 = tpu.memref_slice %arg11[%dma_wait3A_122, %dma_wait3A_123] : memref<10000x64xf32, #tpu.memory_space<vmem_shared>> -> memref<10000x64xf32, #tpu.memory_space<vmem_shared>>
      tpu.wait_indirect_dma semaphore(%arg14 : memref<!tpu.dma_semaphore, #tpu.memory_space<semaphore_mem>>) src(%dma_wait3A_124 : memref<10000x64xf32, #tpu.memory_space<vmem_shared>>) dst(%arg10 : memref<80x64xf32, #tpu.memory_space<vmem>>)
      %dma_start3A_125 = arith.constant 0 : i32
      %dma_start3A_126 = tpu.memref_slice %arg8[%add3A_88, %dma_start3A_125] : memref<250x80xi32, #tpu.memory_space<vmem>> -> memref<1x80xi32, #tpu.memory_space<vmem>>
      %dma_start3A_127 = tpu.memref_squeeze %dma_start3A_126 : memref<1x80xi32, #tpu.memory_space<vmem>> -> memref<80xi32, #tpu.memory_space<vmem>>
      %dma_start3A_128 = arith.constant 0 : i32
      %dma_start3A_129 = arith.constant 0 : i32
      %dma_start3A_130 = tpu.memref_slice %arg12[%dma_start3A_128, %dma_start3A_129] : memref<10000x64xf32, #tpu.memory_space<vmem_shared>> -> memref<10000x64xf32, #tpu.memory_space<vmem_shared>>
      tpu.enqueue_indirect_dma source(%arg10 : memref<80x64xf32, #tpu.memory_space<vmem>>) target(%dma_start3A_130 : memref<10000x64xf32, #tpu.memory_space<vmem_shared>>) offsets(%dma_start3A_127 : memref<80xi32, #tpu.memory_space<vmem>>) semaphore(%arg16 : memref<!tpu.dma_semaphore, #tpu.memory_space<semaphore_mem>>) {add = true}
    }
    %scan3A_11 = arith.constant 125 : i32
    %dma_wait3A = arith.constant 0 : i32
    %dma_wait3A_12 = arith.constant 0 : i32
    %dma_wait3A_13 = tpu.memref_slice %arg8[%dma_wait3A, %dma_wait3A_12] : memref<250x80xi32, #tpu.memory_space<vmem>> -> memref<1x80xi32, #tpu.memory_space<vmem>>
    %dma_wait3A_14 = tpu.memref_squeeze %dma_wait3A_13 : memref<1x80xi32, #tpu.memory_space<vmem>> -> memref<80xi32, #tpu.memory_space<vmem>>
    %dma_wait3A_15 = arith.constant 0 : i32
    %dma_wait3A_16 = arith.constant 0 : i32
    %dma_wait3A_17 = tpu.memref_slice %arg12[%dma_wait3A_15, %dma_wait3A_16] : memref<10000x64xf32, #tpu.memory_space<vmem_shared>> -> memref<10000x64xf32, #tpu.memory_space<vmem_shared>>
    tpu.wait_indirect_dma semaphore(%arg16 : memref<!tpu.dma_semaphore, #tpu.memory_space<semaphore_mem>>) src(%arg10 : memref<80x64xf32, #tpu.memory_space<vmem>>) dst(%dma_wait3A_17 : memref<10000x64xf32, #tpu.memory_space<vmem_shared>>)
    %barrier3A_18 = arith.constant 0 : index
    tpu.barrier barrier_id(%barrier3A_18)
    %add3A = arith.constant 0 : i32
    %add3A_19 = arith.addi %mul3A_0, %add3A : i32
    "tpu.region"() ({
      %run_scoped3A = tpu.sem_alloc : memref<!tpu.dma_semaphore, #tpu.memory_space<semaphore_mem>>
      %dma_start3A_82 = arith.constant 0 : i32
      %dma_start3A_83 = arith.constant 0 : i32
      %dma_start3A_84 = tpu.memref_slice %arg9[%dma_start3A_82, %dma_start3A_83] : memref<80x64xf32, #tpu.memory_space<vmem>> -> memref<80x64xf32, #tpu.memory_space<vmem>>
      %dma_start3A_85 = arith.constant 0 : i32
      %dma_start3A_86 = tpu.memref_slice %arg12[%add3A_19, %dma_start3A_85] : memref<10000x64xf32, #tpu.memory_space<vmem_shared>> -> memref<80x64xf32, #tpu.memory_space<vmem_shared>>
      %dma_start3A_87 = arith.constant 0 : i32
      %dma_start3A_88 = arith.constant 0 : i32
      %dma_start3A_89 = tpu.memref_slice %arg9[%dma_start3A_87, %dma_start3A_88] : memref<80x64xf32, #tpu.memory_space<vmem>> -> memref<80x64xf32, #tpu.memory_space<vmem>>
      %dma_start3A_90 = arith.constant 0 : i32
      %dma_start3A_91 = tpu.memref_slice %arg12[%add3A_19, %dma_start3A_90] : memref<10000x64xf32, #tpu.memory_space<vmem_shared>> -> memref<80x64xf32, #tpu.memory_space<vmem_shared>>
      tpu.enqueue_dma source(%dma_start3A_91 : memref<80x64xf32, #tpu.memory_space<vmem_shared>>) target(%dma_start3A_89 : memref<80x64xf32, #tpu.memory_space<vmem>>) target_semaphore(%run_scoped3A : memref<!tpu.dma_semaphore, #tpu.memory_space<semaphore_mem>>)
      %dma_wait3A_92 = arith.constant 0 : i32
      %dma_wait3A_93 = arith.constant 0 : i32
      %dma_wait3A_94 = tpu.memref_slice %arg9[%dma_wait3A_92, %dma_wait3A_93] : memref<80x64xf32, #tpu.memory_space<vmem>> -> memref<80x64xf32, #tpu.memory_space<vmem>>
      %dma_wait3A_95 = arith.constant 0 : i32
      %dma_wait3A_96 = tpu.memref_slice %arg12[%add3A_19, %dma_wait3A_95] : memref<10000x64xf32, #tpu.memory_space<vmem_shared>> -> memref<80x64xf32, #tpu.memory_space<vmem_shared>>
      %dma_wait3A_97 = arith.constant 0 : i32
      %dma_wait3A_98 = arith.constant 0 : i32
      %dma_wait3A_99 = tpu.memref_slice %arg9[%dma_wait3A_97, %dma_wait3A_98] : memref<80x64xf32, #tpu.memory_space<vmem>> -> memref<80x64xf32, #tpu.memory_space<vmem>>
      %dma_wait3A_100 = arith.constant 0 : i32
      %dma_wait3A_101 = tpu.memref_slice %arg12[%add3A_19, %dma_wait3A_100] : memref<10000x64xf32, #tpu.memory_space<vmem_shared>> -> memref<80x64xf32, #tpu.memory_space<vmem_shared>>
      tpu.wait_dma2 semaphore(%run_scoped3A : memref<!tpu.dma_semaphore, #tpu.memory_space<semaphore_mem>>) src(%dma_wait3A_101 : memref<80x64xf32, #tpu.memory_space<vmem_shared>>) dst(%dma_wait3A_99 : memref<80x64xf32, #tpu.memory_space<vmem>>)
      tpu.yield
    }) : () -> ()
    %scan3A_20 = arith.constant 0 : i32
    %scan3A_21 = arith.constant 0 : i32
    %scan3A_22 = arith.constant 80 : i32
    %scan3A_23 = arith.addi %scan3A_21, %scan3A_22 : i32
    %scan3A_24 = arith.constant 1 : i32
    scf.for %scan3A_82 = %scan3A_21 to %scan3A_23 step %scan3A_24  : i32 {
      %get3A = arith.index_cast %scan3A_82 : i32 to index
      %get3A_83 = arith.constant 0 : index
      %get3A_84 = tpu.vector_load %arg9[%get3A, %get3A_83] {strides = array<i32>} : memref<80x64xf32, #tpu.memory_space<vmem>>, vector<1x16xf32>,
      %get3A_85 = vector.shape_cast %get3A_84 : vector<1x16xf32> to vector<16xf32>
      %max3A = arith.constant 0.000000e+00 : f32
      %max3A_86 = vector.broadcast %max3A : f32 to vector<16xf32>
      %max3A_87 = arith.maximumf %get3A_85, %max3A_86 : vector<16xf32>
      %swap3A = arith.index_cast %scan3A_82 : i32 to index
      %swap3A_88 = arith.constant 0 : index
      %swap3A_89 = tpu.vector_load %arg9[%swap3A, %swap3A_88] {strides = array<i32>} : memref<80x64xf32, #tpu.memory_space<vmem>>, vector<1x16xf32>,
      %swap3A_90 = vector.shape_cast %swap3A_89 : vector<1x16xf32> to vector<16xf32>
      %swap3A_91 = vector.shape_cast %max3A_87 : vector<16xf32> to vector<1x16xf32>
      tpu.vector_store %arg9[%swap3A, %swap3A_88], %swap3A_91 {strides = array<i32>} : memref<80x64xf32, #tpu.memory_space<vmem>>, vector<1x16xf32>,
      %get3A_92 = arith.index_cast %scan3A_82 : i32 to index
      %get3A_93 = arith.constant 16 : index
      %get3A_94 = tpu.vector_load %arg9[%get3A_92, %get3A_93] {strides = array<i32>} : memref<80x64xf32, #tpu.memory_space<vmem>>, vector<1x16xf32>,
      %get3A_95 = vector.shape_cast %get3A_94 : vector<1x16xf32> to vector<16xf32>
      %max3A_96 = arith.constant 0.000000e+00 : f32
      %max3A_97 = vector.broadcast %max3A_96 : f32 to vector<16xf32>
      %max3A_98 = arith.maximumf %get3A_95, %max3A_97 : vector<16xf32>
      %swap3A_99 = arith.index_cast %scan3A_82 : i32 to index
      %swap3A_100 = arith.constant 16 : index
      %swap3A_101 = tpu.vector_load %arg9[%swap3A_99, %swap3A_100] {strides = array<i32>} : memref<80x64xf32, #tpu.memory_space<vmem>>, vector<1x16xf32>,
      %swap3A_102 = vector.shape_cast %swap3A_101 : vector<1x16xf32> to vector<16xf32>
      %swap3A_103 = vector.shape_cast %max3A_98 : vector<16xf32> to vector<1x16xf32>
      tpu.vector_store %arg9[%swap3A_99, %swap3A_100], %swap3A_103 {strides = array<i32>} : memref<80x64xf32, #tpu.memory_space<vmem>>, vector<1x16xf32>,
      %get3A_104 = arith.index_cast %scan3A_82 : i32 to index
      %get3A_105 = arith.constant 32 : index
      %get3A_106 = tpu.vector_load %arg9[%get3A_104, %get3A_105] {strides = array<i32>} : memref<80x64xf32, #tpu.memory_space<vmem>>, vector<1x16xf32>,
      %get3A_107 = vector.shape_cast %get3A_106 : vector<1x16xf32> to vector<16xf32>
      %max3A_108 = arith.constant 0.000000e+00 : f32
      %max3A_109 = vector.broadcast %max3A_108 : f32 to vector<16xf32>
      %max3A_110 = arith.maximumf %get3A_107, %max3A_109 : vector<16xf32>
      %swap3A_111 = arith.index_cast %scan3A_82 : i32 to index
      %swap3A_112 = arith.constant 32 : index
      %swap3A_113 = tpu.vector_load %arg9[%swap3A_111, %swap3A_112] {strides = array<i32>} : memref<80x64xf32, #tpu.memory_space<vmem>>, vector<1x16xf32>,
      %swap3A_114 = vector.shape_cast %swap3A_113 : vector<1x16xf32> to vector<16xf32>
      %swap3A_115 = vector.shape_cast %max3A_110 : vector<16xf32> to vector<1x16xf32>
      tpu.vector_store %arg9[%swap3A_111, %swap3A_112], %swap3A_115 {strides = array<i32>} : memref<80x64xf32, #tpu.memory_space<vmem>>, vector<1x16xf32>,
      %get3A_116 = arith.index_cast %scan3A_82 : i32 to index
      %get3A_117 = arith.constant 48 : index
      %get3A_118 = tpu.vector_load %arg9[%get3A_116, %get3A_117] {strides = array<i32>} : memref<80x64xf32, #tpu.memory_space<vmem>>, vector<1x16xf32>,
      %get3A_119 = vector.shape_cast %get3A_118 : vector<1x16xf32> to vector<16xf32>
      %max3A_120 = arith.constant 0.000000e+00 : f32
      %max3A_121 = vector.broadcast %max3A_120 : f32 to vector<16xf32>
      %max3A_122 = arith.maximumf %get3A_119, %max3A_121 : vector<16xf32>
      %swap3A_123 = arith.index_cast %scan3A_82 : i32 to index
      %swap3A_124 = arith.constant 48 : index
      %swap3A_125 = tpu.vector_load %arg9[%swap3A_123, %swap3A_124] {strides = array<i32>} : memref<80x64xf32, #tpu.memory_space<vmem>>, vector<1x16xf32>,
      %swap3A_126 = vector.shape_cast %swap3A_125 : vector<1x16xf32> to vector<16xf32>
      %swap3A_127 = vector.shape_cast %max3A_122 : vector<16xf32> to vector<1x16xf32>
      tpu.vector_store %arg9[%swap3A_123, %swap3A_124], %swap3A_127 {strides = array<i32>} : memref<80x64xf32, #tpu.memory_space<vmem>>, vector<1x16xf32>,
    }
    %scan3A_25 = arith.constant 80 : i32
    "tpu.region"() ({
      %run_scoped3A = tpu.sem_alloc : memref<!tpu.dma_semaphore, #tpu.memory_space<semaphore_mem>>
      %dma_start3A_82 = arith.constant 0 : i32
      %dma_start3A_83 = arith.constant 0 : i32
      %dma_start3A_84 = tpu.memref_slice %arg9[%dma_start3A_82, %dma_start3A_83] : memref<80x64xf32, #tpu.memory_space<vmem>> -> memref<80x64xf32, #tpu.memory_space<vmem>>
      %dma_start3A_85 = arith.constant 0 : i32
      %dma_start3A_86 = arith.constant 0 : i32
      %dma_start3A_87 = tpu.memref_slice %arg6[%arg0, %dma_start3A_85, %dma_start3A_86] : memref<2x10000x64xf32, #tpu.memory_space<hbm>> -> memref<1x10000x64xf32, #tpu.memory_space<hbm>>
      %dma_start3A_88 = tpu.memref_squeeze %dma_start3A_87 : memref<1x10000x64xf32, #tpu.memory_space<hbm>> -> memref<10000x64xf32, #tpu.memory_space<hbm>>
      %dma_start3A_89 = arith.constant 0 : i32
      %dma_start3A_90 = tpu.memref_slice %dma_start3A_88[%add3A_19, %dma_start3A_89] : memref<10000x64xf32, #tpu.memory_space<hbm>> -> memref<80x64xf32, #tpu.memory_space<hbm>>
      %dma_start3A_91 = arith.constant 0 : i32
      %dma_start3A_92 = arith.constant 0 : i32
      %dma_start3A_93 = tpu.memref_slice %arg6[%arg0, %dma_start3A_91, %dma_start3A_92] : memref<2x10000x64xf32, #tpu.memory_space<hbm>> -> memref<1x10000x64xf32, #tpu.memory_space<hbm>>
      %dma_start3A_94 = tpu.memref_squeeze %dma_start3A_93 : memref<1x10000x64xf32, #tpu.memory_space<hbm>> -> memref<10000x64xf32, #tpu.memory_space<hbm>>
      %dma_start3A_95 = arith.constant 0 : i32
      %dma_start3A_96 = tpu.memref_slice %dma_start3A_94[%add3A_19, %dma_start3A_95] : memref<10000x64xf32, #tpu.memory_space<hbm>> -> memref<80x64xf32, #tpu.memory_space<hbm>>
      %dma_start3A_97 = arith.constant 0 : i32
      %dma_start3A_98 = arith.constant 0 : i32
      %dma_start3A_99 = tpu.memref_slice %arg9[%dma_start3A_97, %dma_start3A_98] : memref<80x64xf32, #tpu.memory_space<vmem>> -> memref<80x64xf32, #tpu.memory_space<vmem>>
      tpu.enqueue_dma source(%dma_start3A_99 : memref<80x64xf32, #tpu.memory_space<vmem>>) target(%dma_start3A_96 : memref<80x64xf32, #tpu.memory_space<hbm>>) target_semaphore(%run_scoped3A : memref<!tpu.dma_semaphore, #tpu.memory_space<semaphore_mem>>)
      %dma_wait3A_100 = arith.constant 0 : i32
      %dma_wait3A_101 = arith.constant 0 : i32
      %dma_wait3A_102 = tpu.memref_slice %arg9[%dma_wait3A_100, %dma_wait3A_101] : memref<80x64xf32, #tpu.memory_space<vmem>> -> memref<80x64xf32, #tpu.memory_space<vmem>>
      %dma_wait3A_103 = arith.constant 0 : i32
      %dma_wait3A_104 = arith.constant 0 : i32
      %dma_wait3A_105 = tpu.memref_slice %arg6[%arg0, %dma_wait3A_103, %dma_wait3A_104] : memref<2x10000x64xf32, #tpu.memory_space<hbm>> -> memref<1x10000x64xf32, #tpu.memory_space<hbm>>
      %dma_wait3A_106 = tpu.memref_squeeze %dma_wait3A_105 : memref<1x10000x64xf32, #tpu.memory_space<hbm>> -> memref<10000x64xf32, #tpu.memory_space<hbm>>
      %dma_wait3A_107 = arith.constant 0 : i32
      %dma_wait3A_108 = tpu.memref_slice %dma_wait3A_106[%add3A_19, %dma_wait3A_107] : memref<10000x64xf32, #tpu.memory_space<hbm>> -> memref<80x64xf32, #tpu.memory_space<hbm>>
      %dma_wait3A_109 = arith.constant 0 : i32
      %dma_wait3A_110 = arith.constant 0 : i32
      %dma_wait3A_111 = tpu.memref_slice %arg6[%arg0, %dma_wait3A_109, %dma_wait3A_110] : memref<2x10000x64xf32, #tpu.memory_space<hbm>> -> memref<1x10000x64xf32, #tpu.memory_space<hbm>>
      %dma_wait3A_112 = tpu.memref_squeeze %dma_wait3A_111 : memref<1x10000x64xf32, #tpu.memory_space<hbm>> -> memref<10000x64xf32, #tpu.memory_space<hbm>>
      %dma_wait3A_113 = arith.constant 0 : i32
      %dma_wait3A_114 = tpu.memref_slice %dma_wait3A_112[%add3A_19, %dma_wait3A_113] : memref<10000x64xf32, #tpu.memory_space<hbm>> -> memref<80x64xf32, #tpu.memory_space<hbm>>
      %dma_wait3A_115 = arith.constant 0 : i32
      %dma_wait3A_116 = arith.constant 0 : i32
      %dma_wait3A_117 = tpu.memref_slice %arg9[%dma_wait3A_115, %dma_wait3A_116] : memref<80x64xf32, #tpu.memory_space<vmem>> -> memref<80x64xf32, #tpu.memory_space<vmem>>
      tpu.wait_dma2 semaphore(%run_scoped3A : memref<!tpu.dma_semaphore, #tpu.memory_space<semaphore_mem>>) src(%dma_wait3A_117 : memref<80x64xf32, #tpu.memory_space<vmem>>) dst(%dma_wait3A_114 : memref<80x64xf32, #tpu.memory_space<hbm>>)
      tpu.yield
    }) : () -> ()
    %add3A_26 = arith.constant 80 : i32
    %add3A_27 = arith.addi %mul3A_0, %add3A_26 : i32
    "tpu.region"() ({
      %run_scoped3A = tpu.sem_alloc : memref<!tpu.dma_semaphore, #tpu.memory_space<semaphore_mem>>
      %dma_start3A_82 = arith.constant 0 : i32
      %dma_start3A_83 = arith.constant 0 : i32
      %dma_start3A_84 = tpu.memref_slice %arg10[%dma_start3A_82, %dma_start3A_83] : memref<80x64xf32, #tpu.memory_space<vmem>> -> memref<80x64xf32, #tpu.memory_space<vmem>>
      %dma_start3A_85 = arith.constant 0 : i32
      %dma_start3A_86 = tpu.memref_slice %arg12[%add3A_27, %dma_start3A_85] : memref<10000x64xf32, #tpu.memory_space<vmem_shared>> -> memref<80x64xf32, #tpu.memory_space<vmem_shared>>
      %dma_start3A_87 = arith.constant 0 : i32
      %dma_start3A_88 = arith.constant 0 : i32
      %dma_start3A_89 = tpu.memref_slice %arg10[%dma_start3A_87, %dma_start3A_88] : memref<80x64xf32, #tpu.memory_space<vmem>> -> memref<80x64xf32, #tpu.memory_space<vmem>>
      %dma_start3A_90 = arith.constant 0 : i32
      %dma_start3A_91 = tpu.memref_slice %arg12[%add3A_27, %dma_start3A_90] : memref<10000x64xf32, #tpu.memory_space<vmem_shared>> -> memref<80x64xf32, #tpu.memory_space<vmem_shared>>
      tpu.enqueue_dma source(%dma_start3A_91 : memref<80x64xf32, #tpu.memory_space<vmem_shared>>) target(%dma_start3A_89 : memref<80x64xf32, #tpu.memory_space<vmem>>) target_semaphore(%run_scoped3A : memref<!tpu.dma_semaphore, #tpu.memory_space<semaphore_mem>>)
      %dma_wait3A_92 = arith.constant 0 : i32
      %dma_wait3A_93 = arith.constant 0 : i32
      %dma_wait3A_94 = tpu.memref_slice %arg10[%dma_wait3A_92, %dma_wait3A_93] : memref<80x64xf32, #tpu.memory_space<vmem>> -> memref<80x64xf32, #tpu.memory_space<vmem>>
      %dma_wait3A_95 = arith.constant 0 : i32
      %dma_wait3A_96 = tpu.memref_slice %arg12[%add3A_27, %dma_wait3A_95] : memref<10000x64xf32, #tpu.memory_space<vmem_shared>> -> memref<80x64xf32, #tpu.memory_space<vmem_shared>>
      %dma_wait3A_97 = arith.constant 0 : i32
      %dma_wait3A_98 = arith.constant 0 : i32
      %dma_wait3A_99 = tpu.memref_slice %arg10[%dma_wait3A_97, %dma_wait3A_98] : memref<80x64xf32, #tpu.memory_space<vmem>> -> memref<80x64xf32, #tpu.memory_space<vmem>>
      %dma_wait3A_100 = arith.constant 0 : i32
      %dma_wait3A_101 = tpu.memref_slice %arg12[%add3A_27, %dma_wait3A_100] : memref<10000x64xf32, #tpu.memory_space<vmem_shared>> -> memref<80x64xf32, #tpu.memory_space<vmem_shared>>
      tpu.wait_dma2 semaphore(%run_scoped3A : memref<!tpu.dma_semaphore, #tpu.memory_space<semaphore_mem>>) src(%dma_wait3A_101 : memref<80x64xf32, #tpu.memory_space<vmem_shared>>) dst(%dma_wait3A_99 : memref<80x64xf32, #tpu.memory_space<vmem>>)
      tpu.yield
    }) : () -> ()
    %scan3A_28 = arith.constant 0 : i32
    %scan3A_29 = arith.constant 0 : i32
    %scan3A_30 = arith.constant 80 : i32
    %scan3A_31 = arith.addi %scan3A_29, %scan3A_30 : i32
    %scan3A_32 = arith.constant 1 : i32
    scf.for %scan3A_82 = %scan3A_29 to %scan3A_31 step %scan3A_32  : i32 {
      %get3A = arith.index_cast %scan3A_82 : i32 to index
      %get3A_83 = arith.constant 0 : index
      %get3A_84 = tpu.vector_load %arg10[%get3A, %get3A_83] {strides = array<i32>} : memref<80x64xf32, #tpu.memory_space<vmem>>, vector<1x16xf32>,
      %get3A_85 = vector.shape_cast %get3A_84 : vector<1x16xf32> to vector<16xf32>
      %max3A = arith.constant 0.000000e+00 : f32
      %max3A_86 = vector.broadcast %max3A : f32 to vector<16xf32>
      %max3A_87 = arith.maximumf %get3A_85, %max3A_86 : vector<16xf32>
      %swap3A = arith.index_cast %scan3A_82 : i32 to index
      %swap3A_88 = arith.constant 0 : index
      %swap3A_89 = tpu.vector_load %arg10[%swap3A, %swap3A_88] {strides = array<i32>} : memref<80x64xf32, #tpu.memory_space<vmem>>, vector<1x16xf32>,
      %swap3A_90 = vector.shape_cast %swap3A_89 : vector<1x16xf32> to vector<16xf32>
      %swap3A_91 = vector.shape_cast %max3A_87 : vector<16xf32> to vector<1x16xf32>
      tpu.vector_store %arg10[%swap3A, %swap3A_88], %swap3A_91 {strides = array<i32>} : memref<80x64xf32, #tpu.memory_space<vmem>>, vector<1x16xf32>,
      %get3A_92 = arith.index_cast %scan3A_82 : i32 to index
      %get3A_93 = arith.constant 16 : index
      %get3A_94 = tpu.vector_load %arg10[%get3A_92, %get3A_93] {strides = array<i32>} : memref<80x64xf32, #tpu.memory_space<vmem>>, vector<1x16xf32>,
      %get3A_95 = vector.shape_cast %get3A_94 : vector<1x16xf32> to vector<16xf32>
      %max3A_96 = arith.constant 0.000000e+00 : f32
      %max3A_97 = vector.broadcast %max3A_96 : f32 to vector<16xf32>
      %max3A_98 = arith.maximumf %get3A_95, %max3A_97 : vector<16xf32>
      %swap3A_99 = arith.index_cast %scan3A_82 : i32 to index
      %swap3A_100 = arith.constant 16 : index
      %swap3A_101 = tpu.vector_load %arg10[%swap3A_99, %swap3A_100] {strides = array<i32>} : memref<80x64xf32, #tpu.memory_space<vmem>>, vector<1x16xf32>,
      %swap3A_102 = vector.shape_cast %swap3A_101 : vector<1x16xf32> to vector<16xf32>
      %swap3A_103 = vector.shape_cast %max3A_98 : vector<16xf32> to vector<1x16xf32>
      tpu.vector_store %arg10[%swap3A_99, %swap3A_100], %swap3A_103 {strides = array<i32>} : memref<80x64xf32, #tpu.memory_space<vmem>>, vector<1x16xf32>,
      %get3A_104 = arith.index_cast %scan3A_82 : i32 to index
      %get3A_105 = arith.constant 32 : index
      %get3A_106 = tpu.vector_load %arg10[%get3A_104, %get3A_105] {strides = array<i32>} : memref<80x64xf32, #tpu.memory_space<vmem>>, vector<1x16xf32>,
      %get3A_107 = vector.shape_cast %get3A_106 : vector<1x16xf32> to vector<16xf32>
      %max3A_108 = arith.constant 0.000000e+00 : f32
      %max3A_109 = vector.broadcast %max3A_108 : f32 to vector<16xf32>
      %max3A_110 = arith.maximumf %get3A_107, %max3A_109 : vector<16xf32>
      %swap3A_111 = arith.index_cast %scan3A_82 : i32 to index
      %swap3A_112 = arith.constant 32 : index
      %swap3A_113 = tpu.vector_load %arg10[%swap3A_111, %swap3A_112] {strides = array<i32>} : memref<80x64xf32, #tpu.memory_space<vmem>>, vector<1x16xf32>,
      %swap3A_114 = vector.shape_cast %swap3A_113 : vector<1x16xf32> to vector<16xf32>
      %swap3A_115 = vector.shape_cast %max3A_110 : vector<16xf32> to vector<1x16xf32>
      tpu.vector_store %arg10[%swap3A_111, %swap3A_112], %swap3A_115 {strides = array<i32>} : memref<80x64xf32, #tpu.memory_space<vmem>>, vector<1x16xf32>,
      %get3A_116 = arith.index_cast %scan3A_82 : i32 to index
      %get3A_117 = arith.constant 48 : index
      %get3A_118 = tpu.vector_load %arg10[%get3A_116, %get3A_117] {strides = array<i32>} : memref<80x64xf32, #tpu.memory_space<vmem>>, vector<1x16xf32>,
      %get3A_119 = vector.shape_cast %get3A_118 : vector<1x16xf32> to vector<16xf32>
      %max3A_120 = arith.constant 0.000000e+00 : f32
      %max3A_121 = vector.broadcast %max3A_120 : f32 to vector<16xf32>
      %max3A_122 = arith.maximumf %get3A_119, %max3A_121 : vector<16xf32>
      %swap3A_123 = arith.index_cast %scan3A_82 : i32 to index
      %swap3A_124 = arith.constant 48 : index
      %swap3A_125 = tpu.vector_load %arg10[%swap3A_123, %swap3A_124] {strides = array<i32>} : memref<80x64xf32, #tpu.memory_space<vmem>>, vector<1x16xf32>,
      %swap3A_126 = vector.shape_cast %swap3A_125 : vector<1x16xf32> to vector<16xf32>
      %swap3A_127 = vector.shape_cast %max3A_122 : vector<16xf32> to vector<1x16xf32>
      tpu.vector_store %arg10[%swap3A_123, %swap3A_124], %swap3A_127 {strides = array<i32>} : memref<80x64xf32, #tpu.memory_space<vmem>>, vector<1x16xf32>,
    }
    %scan3A_33 = arith.constant 80 : i32
    "tpu.region"() ({
      %run_scoped3A = tpu.sem_alloc : memref<!tpu.dma_semaphore, #tpu.memory_space<semaphore_mem>>
      %dma_start3A_82 = arith.constant 0 : i32
      %dma_start3A_83 = arith.constant 0 : i32
      %dma_start3A_84 = tpu.memref_slice %arg10[%dma_start3A_82, %dma_start3A_83] : memref<80x64xf32, #tpu.memory_space<vmem>> -> memref<80x64xf32, #tpu.memory_space<vmem>>
      %dma_start3A_85 = arith.constant 0 : i32
      %dma_start3A_86 = arith.constant 0 : i32
      %dma_start3A_87 = tpu.memref_slice %arg6[%arg0, %dma_start3A_85, %dma_start3A_86] : memref<2x10000x64xf32, #tpu.memory_space<hbm>> -> memref<1x10000x64xf32, #tpu.memory_space<hbm>>
      %dma_start3A_88 = tpu.memref_squeeze %dma_start3A_87 : memref<1x10000x64xf32, #tpu.memory_space<hbm>> -> memref<10000x64xf32, #tpu.memory_space<hbm>>
      %dma_start3A_89 = arith.constant 0 : i32
      %dma_start3A_90 = tpu.memref_slice %dma_start3A_88[%add3A_27, %dma_start3A_89] : memref<10000x64xf32, #tpu.memory_space<hbm>> -> memref<80x64xf32, #tpu.memory_space<hbm>>
      %dma_start3A_91 = arith.constant 0 : i32
      %dma_start3A_92 = arith.constant 0 : i32
      %dma_start3A_93 = tpu.memref_slice %arg6[%arg0, %dma_start3A_91, %dma_start3A_92] : memref<2x10000x64xf32, #tpu.memory_space<hbm>> -> memref<1x10000x64xf32, #tpu.memory_space<hbm>>
      %dma_start3A_94 = tpu.memref_squeeze %dma_start3A_93 : memref<1x10000x64xf32, #tpu.memory_space<hbm>> -> memref<10000x64xf32, #tpu.memory_space<hbm>>
      %dma_start3A_95 = arith.constant 0 : i32
      %dma_start3A_96 = tpu.memref_slice %dma_start3A_94[%add3A_27, %dma_start3A_95] : memref<10000x64xf32, #tpu.memory_space<hbm>> -> memref<80x64xf32, #tpu.memory_space<hbm>>
      %dma_start3A_97 = arith.constant 0 : i32
      %dma_start3A_98 = arith.constant 0 : i32
      %dma_start3A_99 = tpu.memref_slice %arg10[%dma_start3A_97, %dma_start3A_98] : memref<80x64xf32, #tpu.memory_space<vmem>> -> memref<80x64xf32, #tpu.memory_space<vmem>>
      tpu.enqueue_dma source(%dma_start3A_99 : memref<80x64xf32, #tpu.memory_space<vmem>>) target(%dma_start3A_96 : memref<80x64xf32, #tpu.memory_space<hbm>>) target_semaphore(%run_scoped3A : memref<!tpu.dma_semaphore, #tpu.memory_space<semaphore_mem>>)
      %dma_wait3A_100 = arith.constant 0 : i32
      %dma_wait3A_101 = arith.constant 0 : i32
      %dma_wait3A_102 = tpu.memref_slice %arg10[%dma_wait3A_100, %dma_wait3A_101] : memref<80x64xf32, #tpu.memory_space<vmem>> -> memref<80x64xf32, #tpu.memory_space<vmem>>
      %dma_wait3A_103 = arith.constant 0 : i32
      %dma_wait3A_104 = arith.constant 0 : i32
      %dma_wait3A_105 = tpu.memref_slice %arg6[%arg0, %dma_wait3A_103, %dma_wait3A_104] : memref<2x10000x64xf32, #tpu.memory_space<hbm>> -> memref<1x10000x64xf32, #tpu.memory_space<hbm>>
      %dma_wait3A_106 = tpu.memref_squeeze %dma_wait3A_105 : memref<1x10000x64xf32, #tpu.memory_space<hbm>> -> memref<10000x64xf32, #tpu.memory_space<hbm>>
      %dma_wait3A_107 = arith.constant 0 : i32
      %dma_wait3A_108 = tpu.memref_slice %dma_wait3A_106[%add3A_27, %dma_wait3A_107] : memref<10000x64xf32, #tpu.memory_space<hbm>> -> memref<80x64xf32, #tpu.memory_space<hbm>>
      %dma_wait3A_109 = arith.constant 0 : i32
      %dma_wait3A_110 = arith.constant 0 : i32
      %dma_wait3A_111 = tpu.memref_slice %arg6[%arg0, %dma_wait3A_109, %dma_wait3A_110] : memref<2x10000x64xf32, #tpu.memory_space<hbm>> -> memref<1x10000x64xf32, #tpu.memory_space<hbm>>
      %dma_wait3A_112 = tpu.memref_squeeze %dma_wait3A_111 : memref<1x10000x64xf32, #tpu.memory_space<hbm>> -> memref<10000x64xf32, #tpu.memory_space<hbm>>
      %dma_wait3A_113 = arith.constant 0 : i32
      %dma_wait3A_114 = tpu.memref_slice %dma_wait3A_112[%add3A_27, %dma_wait3A_113] : memref<10000x64xf32, #tpu.memory_space<hbm>> -> memref<80x64xf32, #tpu.memory_space<hbm>>
      %dma_wait3A_115 = arith.constant 0 : i32
      %dma_wait3A_116 = arith.constant 0 : i32
      %dma_wait3A_117 = tpu.memref_slice %arg10[%dma_wait3A_115, %dma_wait3A_116] : memref<80x64xf32, #tpu.memory_space<vmem>> -> memref<80x64xf32, #tpu.memory_space<vmem>>
      tpu.wait_dma2 semaphore(%run_scoped3A : memref<!tpu.dma_semaphore, #tpu.memory_space<semaphore_mem>>) src(%dma_wait3A_117 : memref<80x64xf32, #tpu.memory_space<vmem>>) dst(%dma_wait3A_114 : memref<80x64xf32, #tpu.memory_space<hbm>>)
      tpu.yield
    }) : () -> ()
    %add3A_34 = arith.constant 160 : i32
    %add3A_35 = arith.addi %mul3A_0, %add3A_34 : i32
    "tpu.region"() ({
      %run_scoped3A = tpu.sem_alloc : memref<!tpu.dma_semaphore, #tpu.memory_space<semaphore_mem>>
      %dma_start3A_82 = arith.constant 0 : i32
      %dma_start3A_83 = arith.constant 0 : i32
      %dma_start3A_84 = tpu.memref_slice %arg9[%dma_start3A_82, %dma_start3A_83] : memref<80x64xf32, #tpu.memory_space<vmem>> -> memref<80x64xf32, #tpu.memory_space<vmem>>
      %dma_start3A_85 = arith.constant 0 : i32
      %dma_start3A_86 = tpu.memref_slice %arg12[%add3A_35, %dma_start3A_85] : memref<10000x64xf32, #tpu.memory_space<vmem_shared>> -> memref<80x64xf32, #tpu.memory_space<vmem_shared>>
      %dma_start3A_87 = arith.constant 0 : i32
      %dma_start3A_88 = arith.constant 0 : i32
      %dma_start3A_89 = tpu.memref_slice %arg9[%dma_start3A_87, %dma_start3A_88] : memref<80x64xf32, #tpu.memory_space<vmem>> -> memref<80x64xf32, #tpu.memory_space<vmem>>
      %dma_start3A_90 = arith.constant 0 : i32
      %dma_start3A_91 = tpu.memref_slice %arg12[%add3A_35, %dma_start3A_90] : memref<10000x64xf32, #tpu.memory_space<vmem_shared>> -> memref<80x64xf32, #tpu.memory_space<vmem_shared>>
      tpu.enqueue_dma source(%dma_start3A_91 : memref<80x64xf32, #tpu.memory_space<vmem_shared>>) target(%dma_start3A_89 : memref<80x64xf32, #tpu.memory_space<vmem>>) target_semaphore(%run_scoped3A : memref<!tpu.dma_semaphore, #tpu.memory_space<semaphore_mem>>)
      %dma_wait3A_92 = arith.constant 0 : i32
      %dma_wait3A_93 = arith.constant 0 : i32
      %dma_wait3A_94 = tpu.memref_slice %arg9[%dma_wait3A_92, %dma_wait3A_93] : memref<80x64xf32, #tpu.memory_space<vmem>> -> memref<80x64xf32, #tpu.memory_space<vmem>>
      %dma_wait3A_95 = arith.constant 0 : i32
      %dma_wait3A_96 = tpu.memref_slice %arg12[%add3A_35, %dma_wait3A_95] : memref<10000x64xf32, #tpu.memory_space<vmem_shared>> -> memref<80x64xf32, #tpu.memory_space<vmem_shared>>
      %dma_wait3A_97 = arith.constant 0 : i32
      %dma_wait3A_98 = arith.constant 0 : i32
      %dma_wait3A_99 = tpu.memref_slice %arg9[%dma_wait3A_97, %dma_wait3A_98] : memref<80x64xf32, #tpu.memory_space<vmem>> -> memref<80x64xf32, #tpu.memory_space<vmem>>
      %dma_wait3A_100 = arith.constant 0 : i32
      %dma_wait3A_101 = tpu.memref_slice %arg12[%add3A_35, %dma_wait3A_100] : memref<10000x64xf32, #tpu.memory_space<vmem_shared>> -> memref<80x64xf32, #tpu.memory_space<vmem_shared>>
      tpu.wait_dma2 semaphore(%run_scoped3A : memref<!tpu.dma_semaphore, #tpu.memory_space<semaphore_mem>>) src(%dma_wait3A_101 : memref<80x64xf32, #tpu.memory_space<vmem_shared>>) dst(%dma_wait3A_99 : memref<80x64xf32, #tpu.memory_space<vmem>>)
      tpu.yield
    }) : () -> ()
    %scan3A_36 = arith.constant 0 : i32
    %scan3A_37 = arith.constant 0 : i32
    %scan3A_38 = arith.constant 80 : i32
    %scan3A_39 = arith.addi %scan3A_37, %scan3A_38 : i32
    %scan3A_40 = arith.constant 1 : i32
    scf.for %scan3A_82 = %scan3A_37 to %scan3A_39 step %scan3A_40  : i32 {
      %get3A = arith.index_cast %scan3A_82 : i32 to index
      %get3A_83 = arith.constant 0 : index
      %get3A_84 = tpu.vector_load %arg9[%get3A, %get3A_83] {strides = array<i32>} : memref<80x64xf32, #tpu.memory_space<vmem>>, vector<1x16xf32>,
      %get3A_85 = vector.shape_cast %get3A_84 : vector<1x16xf32> to vector<16xf32>
      %max3A = arith.constant 0.000000e+00 : f32
      %max3A_86 = vector.broadcast %max3A : f32 to vector<16xf32>
      %max3A_87 = arith.maximumf %get3A_85, %max3A_86 : vector<16xf32>
      %swap3A = arith.index_cast %scan3A_82 : i32 to index
      %swap3A_88 = arith.constant 0 : index
      %swap3A_89 = tpu.vector_load %arg9[%swap3A, %swap3A_88] {strides = array<i32>} : memref<80x64xf32, #tpu.memory_space<vmem>>, vector<1x16xf32>,
      %swap3A_90 = vector.shape_cast %swap3A_89 : vector<1x16xf32> to vector<16xf32>
      %swap3A_91 = vector.shape_cast %max3A_87 : vector<16xf32> to vector<1x16xf32>
      tpu.vector_store %arg9[%swap3A, %swap3A_88], %swap3A_91 {strides = array<i32>} : memref<80x64xf32, #tpu.memory_space<vmem>>, vector<1x16xf32>,
      %get3A_92 = arith.index_cast %scan3A_82 : i32 to index
      %get3A_93 = arith.constant 16 : index
      %get3A_94 = tpu.vector_load %arg9[%get3A_92, %get3A_93] {strides = array<i32>} : memref<80x64xf32, #tpu.memory_space<vmem>>, vector<1x16xf32>,
      %get3A_95 = vector.shape_cast %get3A_94 : vector<1x16xf32> to vector<16xf32>
      %max3A_96 = arith.constant 0.000000e+00 : f32
      %max3A_97 = vector.broadcast %max3A_96 : f32 to vector<16xf32>
      %max3A_98 = arith.maximumf %get3A_95, %max3A_97 : vector<16xf32>
      %swap3A_99 = arith.index_cast %scan3A_82 : i32 to index
      %swap3A_100 = arith.constant 16 : index
      %swap3A_101 = tpu.vector_load %arg9[%swap3A_99, %swap3A_100] {strides = array<i32>} : memref<80x64xf32, #tpu.memory_space<vmem>>, vector<1x16xf32>,
      %swap3A_102 = vector.shape_cast %swap3A_101 : vector<1x16xf32> to vector<16xf32>
      %swap3A_103 = vector.shape_cast %max3A_98 : vector<16xf32> to vector<1x16xf32>
      tpu.vector_store %arg9[%swap3A_99, %swap3A_100], %swap3A_103 {strides = array<i32>} : memref<80x64xf32, #tpu.memory_space<vmem>>, vector<1x16xf32>,
      %get3A_104 = arith.index_cast %scan3A_82 : i32 to index
      %get3A_105 = arith.constant 32 : index
      %get3A_106 = tpu.vector_load %arg9[%get3A_104, %get3A_105] {strides = array<i32>} : memref<80x64xf32, #tpu.memory_space<vmem>>, vector<1x16xf32>,
      %get3A_107 = vector.shape_cast %get3A_106 : vector<1x16xf32> to vector<16xf32>
      %max3A_108 = arith.constant 0.000000e+00 : f32
      %max3A_109 = vector.broadcast %max3A_108 : f32 to vector<16xf32>
      %max3A_110 = arith.maximumf %get3A_107, %max3A_109 : vector<16xf32>
      %swap3A_111 = arith.index_cast %scan3A_82 : i32 to index
      %swap3A_112 = arith.constant 32 : index
      %swap3A_113 = tpu.vector_load %arg9[%swap3A_111, %swap3A_112] {strides = array<i32>} : memref<80x64xf32, #tpu.memory_space<vmem>>, vector<1x16xf32>,
      %swap3A_114 = vector.shape_cast %swap3A_113 : vector<1x16xf32> to vector<16xf32>
      %swap3A_115 = vector.shape_cast %max3A_110 : vector<16xf32> to vector<1x16xf32>
      tpu.vector_store %arg9[%swap3A_111, %swap3A_112], %swap3A_115 {strides = array<i32>} : memref<80x64xf32, #tpu.memory_space<vmem>>, vector<1x16xf32>,
      %get3A_116 = arith.index_cast %scan3A_82 : i32 to index
      %get3A_117 = arith.constant 48 : index
      %get3A_118 = tpu.vector_load %arg9[%get3A_116, %get3A_117] {strides = array<i32>} : memref<80x64xf32, #tpu.memory_space<vmem>>, vector<1x16xf32>,
      %get3A_119 = vector.shape_cast %get3A_118 : vector<1x16xf32> to vector<16xf32>
      %max3A_120 = arith.constant 0.000000e+00 : f32
      %max3A_121 = vector.broadcast %max3A_120 : f32 to vector<16xf32>
      %max3A_122 = arith.maximumf %get3A_119, %max3A_121 : vector<16xf32>
      %swap3A_123 = arith.index_cast %scan3A_82 : i32 to index
      %swap3A_124 = arith.constant 48 : index
      %swap3A_125 = tpu.vector_load %arg9[%swap3A_123, %swap3A_124] {strides = array<i32>} : memref<80x64xf32, #tpu.memory_space<vmem>>, vector<1x16xf32>,
      %swap3A_126 = vector.shape_cast %swap3A_125 : vector<1x16xf32> to vector<16xf32>
      %swap3A_127 = vector.shape_cast %max3A_122 : vector<16xf32> to vector<1x16xf32>
      tpu.vector_store %arg9[%swap3A_123, %swap3A_124], %swap3A_127 {strides = array<i32>} : memref<80x64xf32, #tpu.memory_space<vmem>>, vector<1x16xf32>,
    }
    %scan3A_41 = arith.constant 80 : i32
    "tpu.region"() ({
      %run_scoped3A = tpu.sem_alloc : memref<!tpu.dma_semaphore, #tpu.memory_space<semaphore_mem>>
      %dma_start3A_82 = arith.constant 0 : i32
      %dma_start3A_83 = arith.constant 0 : i32
      %dma_start3A_84 = tpu.memref_slice %arg9[%dma_start3A_82, %dma_start3A_83] : memref<80x64xf32, #tpu.memory_space<vmem>> -> memref<80x64xf32, #tpu.memory_space<vmem>>
      %dma_start3A_85 = arith.constant 0 : i32
      %dma_start3A_86 = arith.constant 0 : i32
      %dma_start3A_87 = tpu.memref_slice %arg6[%arg0, %dma_start3A_85, %dma_start3A_86] : memref<2x10000x64xf32, #tpu.memory_space<hbm>> -> memref<1x10000x64xf32, #tpu.memory_space<hbm>>
      %dma_start3A_88 = tpu.memref_squeeze %dma_start3A_87 : memref<1x10000x64xf32, #tpu.memory_space<hbm>> -> memref<10000x64xf32, #tpu.memory_space<hbm>>
      %dma_start3A_89 = arith.constant 0 : i32
      %dma_start3A_90 = tpu.memref_slice %dma_start3A_88[%add3A_35, %dma_start3A_89] : memref<10000x64xf32, #tpu.memory_space<hbm>> -> memref<80x64xf32, #tpu.memory_space<hbm>>
      %dma_start3A_91 = arith.constant 0 : i32
      %dma_start3A_92 = arith.constant 0 : i32
      %dma_start3A_93 = tpu.memref_slice %arg6[%arg0, %dma_start3A_91, %dma_start3A_92] : memref<2x10000x64xf32, #tpu.memory_space<hbm>> -> memref<1x10000x64xf32, #tpu.memory_space<hbm>>
      %dma_start3A_94 = tpu.memref_squeeze %dma_start3A_93 : memref<1x10000x64xf32, #tpu.memory_space<hbm>> -> memref<10000x64xf32, #tpu.memory_space<hbm>>
      %dma_start3A_95 = arith.constant 0 : i32
      %dma_start3A_96 = tpu.memref_slice %dma_start3A_94[%add3A_35, %dma_start3A_95] : memref<10000x64xf32, #tpu.memory_space<hbm>> -> memref<80x64xf32, #tpu.memory_space<hbm>>
      %dma_start3A_97 = arith.constant 0 : i32
      %dma_start3A_98 = arith.constant 0 : i32
      %dma_start3A_99 = tpu.memref_slice %arg9[%dma_start3A_97, %dma_start3A_98] : memref<80x64xf32, #tpu.memory_space<vmem>> -> memref<80x64xf32, #tpu.memory_space<vmem>>
      tpu.enqueue_dma source(%dma_start3A_99 : memref<80x64xf32, #tpu.memory_space<vmem>>) target(%dma_start3A_96 : memref<80x64xf32, #tpu.memory_space<hbm>>) target_semaphore(%run_scoped3A : memref<!tpu.dma_semaphore, #tpu.memory_space<semaphore_mem>>)
      %dma_wait3A_100 = arith.constant 0 : i32
      %dma_wait3A_101 = arith.constant 0 : i32
      %dma_wait3A_102 = tpu.memref_slice %arg9[%dma_wait3A_100, %dma_wait3A_101] : memref<80x64xf32, #tpu.memory_space<vmem>> -> memref<80x64xf32, #tpu.memory_space<vmem>>
      %dma_wait3A_103 = arith.constant 0 : i32
      %dma_wait3A_104 = arith.constant 0 : i32
      %dma_wait3A_105 = tpu.memref_slice %arg6[%arg0, %dma_wait3A_103, %dma_wait3A_104] : memref<2x10000x64xf32, #tpu.memory_space<hbm>> -> memref<1x10000x64xf32, #tpu.memory_space<hbm>>
      %dma_wait3A_106 = tpu.memref_squeeze %dma_wait3A_105 : memref<1x10000x64xf32, #tpu.memory_space<hbm>> -> memref<10000x64xf32, #tpu.memory_space<hbm>>
      %dma_wait3A_107 = arith.constant 0 : i32
      %dma_wait3A_108 = tpu.memref_slice %dma_wait3A_106[%add3A_35, %dma_wait3A_107] : memref<10000x64xf32, #tpu.memory_space<hbm>> -> memref<80x64xf32, #tpu.memory_space<hbm>>
      %dma_wait3A_109 = arith.constant 0 : i32
      %dma_wait3A_110 = arith.constant 0 : i32
      %dma_wait3A_111 = tpu.memref_slice %arg6[%arg0, %dma_wait3A_109, %dma_wait3A_110] : memref<2x10000x64xf32, #tpu.memory_space<hbm>> -> memref<1x10000x64xf32, #tpu.memory_space<hbm>>
      %dma_wait3A_112 = tpu.memref_squeeze %dma_wait3A_111 : memref<1x10000x64xf32, #tpu.memory_space<hbm>> -> memref<10000x64xf32, #tpu.memory_space<hbm>>
      %dma_wait3A_113 = arith.constant 0 : i32
      %dma_wait3A_114 = tpu.memref_slice %dma_wait3A_112[%add3A_35, %dma_wait3A_113] : memref<10000x64xf32, #tpu.memory_space<hbm>> -> memref<80x64xf32, #tpu.memory_space<hbm>>
      %dma_wait3A_115 = arith.constant 0 : i32
      %dma_wait3A_116 = arith.constant 0 : i32
      %dma_wait3A_117 = tpu.memref_slice %arg9[%dma_wait3A_115, %dma_wait3A_116] : memref<80x64xf32, #tpu.memory_space<vmem>> -> memref<80x64xf32, #tpu.memory_space<vmem>>
      tpu.wait_dma2 semaphore(%run_scoped3A : memref<!tpu.dma_semaphore, #tpu.memory_space<semaphore_mem>>) src(%dma_wait3A_117 : memref<80x64xf32, #tpu.memory_space<vmem>>) dst(%dma_wait3A_114 : memref<80x64xf32, #tpu.memory_space<hbm>>)
      tpu.yield
    }) : () -> ()
    %add3A_42 = arith.constant 240 : i32
    %add3A_43 = arith.addi %mul3A_0, %add3A_42 : i32
    "tpu.region"() ({
      %run_scoped3A = tpu.sem_alloc : memref<!tpu.dma_semaphore, #tpu.memory_space<semaphore_mem>>
      %dma_start3A_82 = arith.constant 0 : i32
      %dma_start3A_83 = arith.constant 0 : i32
      %dma_start3A_84 = tpu.memref_slice %arg10[%dma_start3A_82, %dma_start3A_83] : memref<80x64xf32, #tpu.memory_space<vmem>> -> memref<80x64xf32, #tpu.memory_space<vmem>>
      %dma_start3A_85 = arith.constant 0 : i32
      %dma_start3A_86 = tpu.memref_slice %arg12[%add3A_43, %dma_start3A_85] : memref<10000x64xf32, #tpu.memory_space<vmem_shared>> -> memref<80x64xf32, #tpu.memory_space<vmem_shared>>
      %dma_start3A_87 = arith.constant 0 : i32
      %dma_start3A_88 = arith.constant 0 : i32
      %dma_start3A_89 = tpu.memref_slice %arg10[%dma_start3A_87, %dma_start3A_88] : memref<80x64xf32, #tpu.memory_space<vmem>> -> memref<80x64xf32, #tpu.memory_space<vmem>>
      %dma_start3A_90 = arith.constant 0 : i32
      %dma_start3A_91 = tpu.memref_slice %arg12[%add3A_43, %dma_start3A_90] : memref<10000x64xf32, #tpu.memory_space<vmem_shared>> -> memref<80x64xf32, #tpu.memory_space<vmem_shared>>
      tpu.enqueue_dma source(%dma_start3A_91 : memref<80x64xf32, #tpu.memory_space<vmem_shared>>) target(%dma_start3A_89 : memref<80x64xf32, #tpu.memory_space<vmem>>) target_semaphore(%run_scoped3A : memref<!tpu.dma_semaphore, #tpu.memory_space<semaphore_mem>>)
      %dma_wait3A_92 = arith.constant 0 : i32
      %dma_wait3A_93 = arith.constant 0 : i32
      %dma_wait3A_94 = tpu.memref_slice %arg10[%dma_wait3A_92, %dma_wait3A_93] : memref<80x64xf32, #tpu.memory_space<vmem>> -> memref<80x64xf32, #tpu.memory_space<vmem>>
      %dma_wait3A_95 = arith.constant 0 : i32
      %dma_wait3A_96 = tpu.memref_slice %arg12[%add3A_43, %dma_wait3A_95] : memref<10000x64xf32, #tpu.memory_space<vmem_shared>> -> memref<80x64xf32, #tpu.memory_space<vmem_shared>>
      %dma_wait3A_97 = arith.constant 0 : i32
      %dma_wait3A_98 = arith.constant 0 : i32
      %dma_wait3A_99 = tpu.memref_slice %arg10[%dma_wait3A_97, %dma_wait3A_98] : memref<80x64xf32, #tpu.memory_space<vmem>> -> memref<80x64xf32, #tpu.memory_space<vmem>>
      %dma_wait3A_100 = arith.constant 0 : i32
      %dma_wait3A_101 = tpu.memref_slice %arg12[%add3A_43, %dma_wait3A_100] : memref<10000x64xf32, #tpu.memory_space<vmem_shared>> -> memref<80x64xf32, #tpu.memory_space<vmem_shared>>
      tpu.wait_dma2 semaphore(%run_scoped3A : memref<!tpu.dma_semaphore, #tpu.memory_space<semaphore_mem>>) src(%dma_wait3A_101 : memref<80x64xf32, #tpu.memory_space<vmem_shared>>) dst(%dma_wait3A_99 : memref<80x64xf32, #tpu.memory_space<vmem>>)
      tpu.yield
    }) : () -> ()
    %scan3A_44 = arith.constant 0 : i32
    %scan3A_45 = arith.constant 0 : i32
    %scan3A_46 = arith.constant 80 : i32
    %scan3A_47 = arith.addi %scan3A_45, %scan3A_46 : i32
    %scan3A_48 = arith.constant 1 : i32
    scf.for %scan3A_82 = %scan3A_45 to %scan3A_47 step %scan3A_48  : i32 {
      %get3A = arith.index_cast %scan3A_82 : i32 to index
      %get3A_83 = arith.constant 0 : index
      %get3A_84 = tpu.vector_load %arg10[%get3A, %get3A_83] {strides = array<i32>} : memref<80x64xf32, #tpu.memory_space<vmem>>, vector<1x16xf32>,
      %get3A_85 = vector.shape_cast %get3A_84 : vector<1x16xf32> to vector<16xf32>
      %max3A = arith.constant 0.000000e+00 : f32
      %max3A_86 = vector.broadcast %max3A : f32 to vector<16xf32>
      %max3A_87 = arith.maximumf %get3A_85, %max3A_86 : vector<16xf32>
      %swap3A = arith.index_cast %scan3A_82 : i32 to index
      %swap3A_88 = arith.constant 0 : index
      %swap3A_89 = tpu.vector_load %arg10[%swap3A, %swap3A_88] {strides = array<i32>} : memref<80x64xf32, #tpu.memory_space<vmem>>, vector<1x16xf32>,
      %swap3A_90 = vector.shape_cast %swap3A_89 : vector<1x16xf32> to vector<16xf32>
      %swap3A_91 = vector.shape_cast %max3A_87 : vector<16xf32> to vector<1x16xf32>
      tpu.vector_store %arg10[%swap3A, %swap3A_88], %swap3A_91 {strides = array<i32>} : memref<80x64xf32, #tpu.memory_space<vmem>>, vector<1x16xf32>,
      %get3A_92 = arith.index_cast %scan3A_82 : i32 to index
      %get3A_93 = arith.constant 16 : index
      %get3A_94 = tpu.vector_load %arg10[%get3A_92, %get3A_93] {strides = array<i32>} : memref<80x64xf32, #tpu.memory_space<vmem>>, vector<1x16xf32>,
      %get3A_95 = vector.shape_cast %get3A_94 : vector<1x16xf32> to vector<16xf32>
      %max3A_96 = arith.constant 0.000000e+00 : f32
      %max3A_97 = vector.broadcast %max3A_96 : f32 to vector<16xf32>
      %max3A_98 = arith.maximumf %get3A_95, %max3A_97 : vector<16xf32>
      %swap3A_99 = arith.index_cast %scan3A_82 : i32 to index
      %swap3A_100 = arith.constant 16 : index
      %swap3A_101 = tpu.vector_load %arg10[%swap3A_99, %swap3A_100] {strides = array<i32>} : memref<80x64xf32, #tpu.memory_space<vmem>>, vector<1x16xf32>,
      %swap3A_102 = vector.shape_cast %swap3A_101 : vector<1x16xf32> to vector<16xf32>
      %swap3A_103 = vector.shape_cast %max3A_98 : vector<16xf32> to vector<1x16xf32>
      tpu.vector_store %arg10[%swap3A_99, %swap3A_100], %swap3A_103 {strides = array<i32>} : memref<80x64xf32, #tpu.memory_space<vmem>>, vector<1x16xf32>,
      %get3A_104 = arith.index_cast %scan3A_82 : i32 to index
      %get3A_105 = arith.constant 32 : index
      %get3A_106 = tpu.vector_load %arg10[%get3A_104, %get3A_105] {strides = array<i32>} : memref<80x64xf32, #tpu.memory_space<vmem>>, vector<1x16xf32>,
      %get3A_107 = vector.shape_cast %get3A_106 : vector<1x16xf32> to vector<16xf32>
      %max3A_108 = arith.constant 0.000000e+00 : f32
      %max3A_109 = vector.broadcast %max3A_108 : f32 to vector<16xf32>
      %max3A_110 = arith.maximumf %get3A_107, %max3A_109 : vector<16xf32>
      %swap3A_111 = arith.index_cast %scan3A_82 : i32 to index
      %swap3A_112 = arith.constant 32 : index
      %swap3A_113 = tpu.vector_load %arg10[%swap3A_111, %swap3A_112] {strides = array<i32>} : memref<80x64xf32, #tpu.memory_space<vmem>>, vector<1x16xf32>,
      %swap3A_114 = vector.shape_cast %swap3A_113 : vector<1x16xf32> to vector<16xf32>
      %swap3A_115 = vector.shape_cast %max3A_110 : vector<16xf32> to vector<1x16xf32>
      tpu.vector_store %arg10[%swap3A_111, %swap3A_112], %swap3A_115 {strides = array<i32>} : memref<80x64xf32, #tpu.memory_space<vmem>>, vector<1x16xf32>,
      %get3A_116 = arith.index_cast %scan3A_82 : i32 to index
      %get3A_117 = arith.constant 48 : index
      %get3A_118 = tpu.vector_load %arg10[%get3A_116, %get3A_117] {strides = array<i32>} : memref<80x64xf32, #tpu.memory_space<vmem>>, vector<1x16xf32>,
      %get3A_119 = vector.shape_cast %get3A_118 : vector<1x16xf32> to vector<16xf32>
      %max3A_120 = arith.constant 0.000000e+00 : f32
      %max3A_121 = vector.broadcast %max3A_120 : f32 to vector<16xf32>
      %max3A_122 = arith.maximumf %get3A_119, %max3A_121 : vector<16xf32>
      %swap3A_123 = arith.index_cast %scan3A_82 : i32 to index
      %swap3A_124 = arith.constant 48 : index
      %swap3A_125 = tpu.vector_load %arg10[%swap3A_123, %swap3A_124] {strides = array<i32>} : memref<80x64xf32, #tpu.memory_space<vmem>>, vector<1x16xf32>,
      %swap3A_126 = vector.shape_cast %swap3A_125 : vector<1x16xf32> to vector<16xf32>
      %swap3A_127 = vector.shape_cast %max3A_122 : vector<16xf32> to vector<1x16xf32>
      tpu.vector_store %arg10[%swap3A_123, %swap3A_124], %swap3A_127 {strides = array<i32>} : memref<80x64xf32, #tpu.memory_space<vmem>>, vector<1x16xf32>,
    }
    %scan3A_49 = arith.constant 80 : i32
    "tpu.region"() ({
      %run_scoped3A = tpu.sem_alloc : memref<!tpu.dma_semaphore, #tpu.memory_space<semaphore_mem>>
      %dma_start3A_82 = arith.constant 0 : i32
      %dma_start3A_83 = arith.constant 0 : i32
      %dma_start3A_84 = tpu.memref_slice %arg10[%dma_start3A_82, %dma_start3A_83] : memref<80x64xf32, #tpu.memory_space<vmem>> -> memref<80x64xf32, #tpu.memory_space<vmem>>
      %dma_start3A_85 = arith.constant 0 : i32
      %dma_start3A_86 = arith.constant 0 : i32
      %dma_start3A_87 = tpu.memref_slice %arg6[%arg0, %dma_start3A_85, %dma_start3A_86] : memref<2x10000x64xf32, #tpu.memory_space<hbm>> -> memref<1x10000x64xf32, #tpu.memory_space<hbm>>
      %dma_start3A_88 = tpu.memref_squeeze %dma_start3A_87 : memref<1x10000x64xf32, #tpu.memory_space<hbm>> -> memref<10000x64xf32, #tpu.memory_space<hbm>>
      %dma_start3A_89 = arith.constant 0 : i32
      %dma_start3A_90 = tpu.memref_slice %dma_start3A_88[%add3A_43, %dma_start3A_89] : memref<10000x64xf32, #tpu.memory_space<hbm>> -> memref<80x64xf32, #tpu.memory_space<hbm>>
      %dma_start3A_91 = arith.constant 0 : i32
      %dma_start3A_92 = arith.constant 0 : i32
      %dma_start3A_93 = tpu.memref_slice %arg6[%arg0, %dma_start3A_91, %dma_start3A_92] : memref<2x10000x64xf32, #tpu.memory_space<hbm>> -> memref<1x10000x64xf32, #tpu.memory_space<hbm>>
      %dma_start3A_94 = tpu.memref_squeeze %dma_start3A_93 : memref<1x10000x64xf32, #tpu.memory_space<hbm>> -> memref<10000x64xf32, #tpu.memory_space<hbm>>
      %dma_start3A_95 = arith.constant 0 : i32
      %dma_start3A_96 = tpu.memref_slice %dma_start3A_94[%add3A_43, %dma_start3A_95] : memref<10000x64xf32, #tpu.memory_space<hbm>> -> memref<80x64xf32, #tpu.memory_space<hbm>>
      %dma_start3A_97 = arith.constant 0 : i32
      %dma_start3A_98 = arith.constant 0 : i32
      %dma_start3A_99 = tpu.memref_slice %arg10[%dma_start3A_97, %dma_start3A_98] : memref<80x64xf32, #tpu.memory_space<vmem>> -> memref<80x64xf32, #tpu.memory_space<vmem>>
      tpu.enqueue_dma source(%dma_start3A_99 : memref<80x64xf32, #tpu.memory_space<vmem>>) target(%dma_start3A_96 : memref<80x64xf32, #tpu.memory_space<hbm>>) target_semaphore(%run_scoped3A : memref<!tpu.dma_semaphore, #tpu.memory_space<semaphore_mem>>)
      %dma_wait3A_100 = arith.constant 0 : i32
      %dma_wait3A_101 = arith.constant 0 : i32
      %dma_wait3A_102 = tpu.memref_slice %arg10[%dma_wait3A_100, %dma_wait3A_101] : memref<80x64xf32, #tpu.memory_space<vmem>> -> memref<80x64xf32, #tpu.memory_space<vmem>>
      %dma_wait3A_103 = arith.constant 0 : i32
      %dma_wait3A_104 = arith.constant 0 : i32
      %dma_wait3A_105 = tpu.memref_slice %arg6[%arg0, %dma_wait3A_103, %dma_wait3A_104] : memref<2x10000x64xf32, #tpu.memory_space<hbm>> -> memref<1x10000x64xf32, #tpu.memory_space<hbm>>
      %dma_wait3A_106 = tpu.memref_squeeze %dma_wait3A_105 : memref<1x10000x64xf32, #tpu.memory_space<hbm>> -> memref<10000x64xf32, #tpu.memory_space<hbm>>
      %dma_wait3A_107 = arith.constant 0 : i32
      %dma_wait3A_108 = tpu.memref_slice %dma_wait3A_106[%add3A_43, %dma_wait3A_107] : memref<10000x64xf32, #tpu.memory_space<hbm>> -> memref<80x64xf32, #tpu.memory_space<hbm>>
      %dma_wait3A_109 = arith.constant 0 : i32
      %dma_wait3A_110 = arith.constant 0 : i32
      %dma_wait3A_111 = tpu.memref_slice %arg6[%arg0, %dma_wait3A_109, %dma_wait3A_110] : memref<2x10000x64xf32, #tpu.memory_space<hbm>> -> memref<1x10000x64xf32, #tpu.memory_space<hbm>>
      %dma_wait3A_112 = tpu.memref_squeeze %dma_wait3A_111 : memref<1x10000x64xf32, #tpu.memory_space<hbm>> -> memref<10000x64xf32, #tpu.memory_space<hbm>>
      %dma_wait3A_113 = arith.constant 0 : i32
      %dma_wait3A_114 = tpu.memref_slice %dma_wait3A_112[%add3A_43, %dma_wait3A_113] : memref<10000x64xf32, #tpu.memory_space<hbm>> -> memref<80x64xf32, #tpu.memory_space<hbm>>
      %dma_wait3A_115 = arith.constant 0 : i32
      %dma_wait3A_116 = arith.constant 0 : i32
      %dma_wait3A_117 = tpu.memref_slice %arg10[%dma_wait3A_115, %dma_wait3A_116] : memref<80x64xf32, #tpu.memory_space<vmem>> -> memref<80x64xf32, #tpu.memory_space<vmem>>
      tpu.wait_dma2 semaphore(%run_scoped3A : memref<!tpu.dma_semaphore, #tpu.memory_space<semaphore_mem>>) src(%dma_wait3A_117 : memref<80x64xf32, #tpu.memory_space<vmem>>) dst(%dma_wait3A_114 : memref<80x64xf32, #tpu.memory_space<hbm>>)
      tpu.yield
    }) : () -> ()
    %add3A_50 = arith.constant 320 : i32
    %add3A_51 = arith.addi %mul3A_0, %add3A_50 : i32
    "tpu.region"() ({
      %run_scoped3A = tpu.sem_alloc : memref<!tpu.dma_semaphore, #tpu.memory_space<semaphore_mem>>
      %dma_start3A_82 = arith.constant 0 : i32
      %dma_start3A_83 = arith.constant 0 : i32
      %dma_start3A_84 = tpu.memref_slice %arg9[%dma_start3A_82, %dma_start3A_83] : memref<80x64xf32, #tpu.memory_space<vmem>> -> memref<80x64xf32, #tpu.memory_space<vmem>>
      %dma_start3A_85 = arith.constant 0 : i32
      %dma_start3A_86 = tpu.memref_slice %arg12[%add3A_51, %dma_start3A_85] : memref<10000x64xf32, #tpu.memory_space<vmem_shared>> -> memref<80x64xf32, #tpu.memory_space<vmem_shared>>
      %dma_start3A_87 = arith.constant 0 : i32
      %dma_start3A_88 = arith.constant 0 : i32
      %dma_start3A_89 = tpu.memref_slice %arg9[%dma_start3A_87, %dma_start3A_88] : memref<80x64xf32, #tpu.memory_space<vmem>> -> memref<80x64xf32, #tpu.memory_space<vmem>>
      %dma_start3A_90 = arith.constant 0 : i32
      %dma_start3A_91 = tpu.memref_slice %arg12[%add3A_51, %dma_start3A_90] : memref<10000x64xf32, #tpu.memory_space<vmem_shared>> -> memref<80x64xf32, #tpu.memory_space<vmem_shared>>
      tpu.enqueue_dma source(%dma_start3A_91 : memref<80x64xf32, #tpu.memory_space<vmem_shared>>) target(%dma_start3A_89 : memref<80x64xf32, #tpu.memory_space<vmem>>) target_semaphore(%run_scoped3A : memref<!tpu.dma_semaphore, #tpu.memory_space<semaphore_mem>>)
      %dma_wait3A_92 = arith.constant 0 : i32
      %dma_wait3A_93 = arith.constant 0 : i32
      %dma_wait3A_94 = tpu.memref_slice %arg9[%dma_wait3A_92, %dma_wait3A_93] : memref<80x64xf32, #tpu.memory_space<vmem>> -> memref<80x64xf32, #tpu.memory_space<vmem>>
      %dma_wait3A_95 = arith.constant 0 : i32
      %dma_wait3A_96 = tpu.memref_slice %arg12[%add3A_51, %dma_wait3A_95] : memref<10000x64xf32, #tpu.memory_space<vmem_shared>> -> memref<80x64xf32, #tpu.memory_space<vmem_shared>>
      %dma_wait3A_97 = arith.constant 0 : i32
      %dma_wait3A_98 = arith.constant 0 : i32
      %dma_wait3A_99 = tpu.memref_slice %arg9[%dma_wait3A_97, %dma_wait3A_98] : memref<80x64xf32, #tpu.memory_space<vmem>> -> memref<80x64xf32, #tpu.memory_space<vmem>>
      %dma_wait3A_100 = arith.constant 0 : i32
      %dma_wait3A_101 = tpu.memref_slice %arg12[%add3A_51, %dma_wait3A_100] : memref<10000x64xf32, #tpu.memory_space<vmem_shared>> -> memref<80x64xf32, #tpu.memory_space<vmem_shared>>
      tpu.wait_dma2 semaphore(%run_scoped3A : memref<!tpu.dma_semaphore, #tpu.memory_space<semaphore_mem>>) src(%dma_wait3A_101 : memref<80x64xf32, #tpu.memory_space<vmem_shared>>) dst(%dma_wait3A_99 : memref<80x64xf32, #tpu.memory_space<vmem>>)
      tpu.yield
    }) : () -> ()
    %scan3A_52 = arith.constant 0 : i32
    %scan3A_53 = arith.constant 0 : i32
    %scan3A_54 = arith.constant 80 : i32
    %scan3A_55 = arith.addi %scan3A_53, %scan3A_54 : i32
    %scan3A_56 = arith.constant 1 : i32
    scf.for %scan3A_82 = %scan3A_53 to %scan3A_55 step %scan3A_56  : i32 {
      %get3A = arith.index_cast %scan3A_82 : i32 to index
      %get3A_83 = arith.constant 0 : index
      %get3A_84 = tpu.vector_load %arg9[%get3A, %get3A_83] {strides = array<i32>} : memref<80x64xf32, #tpu.memory_space<vmem>>, vector<1x16xf32>,
      %get3A_85 = vector.shape_cast %get3A_84 : vector<1x16xf32> to vector<16xf32>
      %max3A = arith.constant 0.000000e+00 : f32
      %max3A_86 = vector.broadcast %max3A : f32 to vector<16xf32>
      %max3A_87 = arith.maximumf %get3A_85, %max3A_86 : vector<16xf32>
      %swap3A = arith.index_cast %scan3A_82 : i32 to index
      %swap3A_88 = arith.constant 0 : index
      %swap3A_89 = tpu.vector_load %arg9[%swap3A, %swap3A_88] {strides = array<i32>} : memref<80x64xf32, #tpu.memory_space<vmem>>, vector<1x16xf32>,
      %swap3A_90 = vector.shape_cast %swap3A_89 : vector<1x16xf32> to vector<16xf32>
      %swap3A_91 = vector.shape_cast %max3A_87 : vector<16xf32> to vector<1x16xf32>
      tpu.vector_store %arg9[%swap3A, %swap3A_88], %swap3A_91 {strides = array<i32>} : memref<80x64xf32, #tpu.memory_space<vmem>>, vector<1x16xf32>,
      %get3A_92 = arith.index_cast %scan3A_82 : i32 to index
      %get3A_93 = arith.constant 16 : index
      %get3A_94 = tpu.vector_load %arg9[%get3A_92, %get3A_93] {strides = array<i32>} : memref<80x64xf32, #tpu.memory_space<vmem>>, vector<1x16xf32>,
      %get3A_95 = vector.shape_cast %get3A_94 : vector<1x16xf32> to vector<16xf32>
      %max3A_96 = arith.constant 0.000000e+00 : f32
      %max3A_97 = vector.broadcast %max3A_96 : f32 to vector<16xf32>
      %max3A_98 = arith.maximumf %get3A_95, %max3A_97 : vector<16xf32>
      %swap3A_99 = arith.index_cast %scan3A_82 : i32 to index
      %swap3A_100 = arith.constant 16 : index
      %swap3A_101 = tpu.vector_load %arg9[%swap3A_99, %swap3A_100] {strides = array<i32>} : memref<80x64xf32, #tpu.memory_space<vmem>>, vector<1x16xf32>,
      %swap3A_102 = vector.shape_cast %swap3A_101 : vector<1x16xf32> to vector<16xf32>
      %swap3A_103 = vector.shape_cast %max3A_98 : vector<16xf32> to vector<1x16xf32>
      tpu.vector_store %arg9[%swap3A_99, %swap3A_100], %swap3A_103 {strides = array<i32>} : memref<80x64xf32, #tpu.memory_space<vmem>>, vector<1x16xf32>,
      %get3A_104 = arith.index_cast %scan3A_82 : i32 to index
      %get3A_105 = arith.constant 32 : index
      %get3A_106 = tpu.vector_load %arg9[%get3A_104, %get3A_105] {strides = array<i32>} : memref<80x64xf32, #tpu.memory_space<vmem>>, vector<1x16xf32>,
      %get3A_107 = vector.shape_cast %get3A_106 : vector<1x16xf32> to vector<16xf32>
      %max3A_108 = arith.constant 0.000000e+00 : f32
      %max3A_109 = vector.broadcast %max3A_108 : f32 to vector<16xf32>
      %max3A_110 = arith.maximumf %get3A_107, %max3A_109 : vector<16xf32>
      %swap3A_111 = arith.index_cast %scan3A_82 : i32 to index
      %swap3A_112 = arith.constant 32 : index
      %swap3A_113 = tpu.vector_load %arg9[%swap3A_111, %swap3A_112] {strides = array<i32>} : memref<80x64xf32, #tpu.memory_space<vmem>>, vector<1x16xf32>,
      %swap3A_114 = vector.shape_cast %swap3A_113 : vector<1x16xf32> to vector<16xf32>
      %swap3A_115 = vector.shape_cast %max3A_110 : vector<16xf32> to vector<1x16xf32>
      tpu.vector_store %arg9[%swap3A_111, %swap3A_112], %swap3A_115 {strides = array<i32>} : memref<80x64xf32, #tpu.memory_space<vmem>>, vector<1x16xf32>,
      %get3A_116 = arith.index_cast %scan3A_82 : i32 to index
      %get3A_117 = arith.constant 48 : index
      %get3A_118 = tpu.vector_load %arg9[%get3A_116, %get3A_117] {strides = array<i32>} : memref<80x64xf32, #tpu.memory_space<vmem>>, vector<1x16xf32>,
      %get3A_119 = vector.shape_cast %get3A_118 : vector<1x16xf32> to vector<16xf32>
      %max3A_120 = arith.constant 0.000000e+00 : f32
      %max3A_121 = vector.broadcast %max3A_120 : f32 to vector<16xf32>
      %max3A_122 = arith.maximumf %get3A_119, %max3A_121 : vector<16xf32>
      %swap3A_123 = arith.index_cast %scan3A_82 : i32 to index
      %swap3A_124 = arith.constant 48 : index
      %swap3A_125 = tpu.vector_load %arg9[%swap3A_123, %swap3A_124] {strides = array<i32>} : memref<80x64xf32, #tpu.memory_space<vmem>>, vector<1x16xf32>,
      %swap3A_126 = vector.shape_cast %swap3A_125 : vector<1x16xf32> to vector<16xf32>
      %swap3A_127 = vector.shape_cast %max3A_122 : vector<16xf32> to vector<1x16xf32>
      tpu.vector_store %arg9[%swap3A_123, %swap3A_124], %swap3A_127 {strides = array<i32>} : memref<80x64xf32, #tpu.memory_space<vmem>>, vector<1x16xf32>,
    }
    %scan3A_57 = arith.constant 80 : i32
    "tpu.region"() ({
      %run_scoped3A = tpu.sem_alloc : memref<!tpu.dma_semaphore, #tpu.memory_space<semaphore_mem>>
      %dma_start3A_82 = arith.constant 0 : i32
      %dma_start3A_83 = arith.constant 0 : i32
      %dma_start3A_84 = tpu.memref_slice %arg9[%dma_start3A_82, %dma_start3A_83] : memref<80x64xf32, #tpu.memory_space<vmem>> -> memref<80x64xf32, #tpu.memory_space<vmem>>
      %dma_start3A_85 = arith.constant 0 : i32
      %dma_start3A_86 = arith.constant 0 : i32
      %dma_start3A_87 = tpu.memref_slice %arg6[%arg0, %dma_start3A_85, %dma_start3A_86] : memref<2x10000x64xf32, #tpu.memory_space<hbm>> -> memref<1x10000x64xf32, #tpu.memory_space<hbm>>
      %dma_start3A_88 = tpu.memref_squeeze %dma_start3A_87 : memref<1x10000x64xf32, #tpu.memory_space<hbm>> -> memref<10000x64xf32, #tpu.memory_space<hbm>>
      %dma_start3A_89 = arith.constant 0 : i32
      %dma_start3A_90 = tpu.memref_slice %dma_start3A_88[%add3A_51, %dma_start3A_89] : memref<10000x64xf32, #tpu.memory_space<hbm>> -> memref<80x64xf32, #tpu.memory_space<hbm>>
      %dma_start3A_91 = arith.constant 0 : i32
      %dma_start3A_92 = arith.constant 0 : i32
      %dma_start3A_93 = tpu.memref_slice %arg6[%arg0, %dma_start3A_91, %dma_start3A_92] : memref<2x10000x64xf32, #tpu.memory_space<hbm>> -> memref<1x10000x64xf32, #tpu.memory_space<hbm>>
      %dma_start3A_94 = tpu.memref_squeeze %dma_start3A_93 : memref<1x10000x64xf32, #tpu.memory_space<hbm>> -> memref<10000x64xf32, #tpu.memory_space<hbm>>
      %dma_start3A_95 = arith.constant 0 : i32
      %dma_start3A_96 = tpu.memref_slice %dma_start3A_94[%add3A_51, %dma_start3A_95] : memref<10000x64xf32, #tpu.memory_space<hbm>> -> memref<80x64xf32, #tpu.memory_space<hbm>>
      %dma_start3A_97 = arith.constant 0 : i32
      %dma_start3A_98 = arith.constant 0 : i32
      %dma_start3A_99 = tpu.memref_slice %arg9[%dma_start3A_97, %dma_start3A_98] : memref<80x64xf32, #tpu.memory_space<vmem>> -> memref<80x64xf32, #tpu.memory_space<vmem>>
      tpu.enqueue_dma source(%dma_start3A_99 : memref<80x64xf32, #tpu.memory_space<vmem>>) target(%dma_start3A_96 : memref<80x64xf32, #tpu.memory_space<hbm>>) target_semaphore(%run_scoped3A : memref<!tpu.dma_semaphore, #tpu.memory_space<semaphore_mem>>)
      %dma_wait3A_100 = arith.constant 0 : i32
      %dma_wait3A_101 = arith.constant 0 : i32
      %dma_wait3A_102 = tpu.memref_slice %arg9[%dma_wait3A_100, %dma_wait3A_101] : memref<80x64xf32, #tpu.memory_space<vmem>> -> memref<80x64xf32, #tpu.memory_space<vmem>>
      %dma_wait3A_103 = arith.constant 0 : i32
      %dma_wait3A_104 = arith.constant 0 : i32
      %dma_wait3A_105 = tpu.memref_slice %arg6[%arg0, %dma_wait3A_103, %dma_wait3A_104] : memref<2x10000x64xf32, #tpu.memory_space<hbm>> -> memref<1x10000x64xf32, #tpu.memory_space<hbm>>
      %dma_wait3A_106 = tpu.memref_squeeze %dma_wait3A_105 : memref<1x10000x64xf32, #tpu.memory_space<hbm>> -> memref<10000x64xf32, #tpu.memory_space<hbm>>
      %dma_wait3A_107 = arith.constant 0 : i32
      %dma_wait3A_108 = tpu.memref_slice %dma_wait3A_106[%add3A_51, %dma_wait3A_107] : memref<10000x64xf32, #tpu.memory_space<hbm>> -> memref<80x64xf32, #tpu.memory_space<hbm>>
      %dma_wait3A_109 = arith.constant 0 : i32
      %dma_wait3A_110 = arith.constant 0 : i32
      %dma_wait3A_111 = tpu.memref_slice %arg6[%arg0, %dma_wait3A_109, %dma_wait3A_110] : memref<2x10000x64xf32, #tpu.memory_space<hbm>> -> memref<1x10000x64xf32, #tpu.memory_space<hbm>>
      %dma_wait3A_112 = tpu.memref_squeeze %dma_wait3A_111 : memref<1x10000x64xf32, #tpu.memory_space<hbm>> -> memref<10000x64xf32, #tpu.memory_space<hbm>>
      %dma_wait3A_113 = arith.constant 0 : i32
      %dma_wait3A_114 = tpu.memref_slice %dma_wait3A_112[%add3A_51, %dma_wait3A_113] : memref<10000x64xf32, #tpu.memory_space<hbm>> -> memref<80x64xf32, #tpu.memory_space<hbm>>
      %dma_wait3A_115 = arith.constant 0 : i32
      %dma_wait3A_116 = arith.constant 0 : i32
      %dma_wait3A_117 = tpu.memref_slice %arg9[%dma_wait3A_115, %dma_wait3A_116] : memref<80x64xf32, #tpu.memory_space<vmem>> -> memref<80x64xf32, #tpu.memory_space<vmem>>
      tpu.wait_dma2 semaphore(%run_scoped3A : memref<!tpu.dma_semaphore, #tpu.memory_space<semaphore_mem>>) src(%dma_wait3A_117 : memref<80x64xf32, #tpu.memory_space<vmem>>) dst(%dma_wait3A_114 : memref<80x64xf32, #tpu.memory_space<hbm>>)
      tpu.yield
    }) : () -> ()
    %add3A_58 = arith.constant 400 : i32
    %add3A_59 = arith.addi %mul3A_0, %add3A_58 : i32
    "tpu.region"() ({
      %run_scoped3A = tpu.sem_alloc : memref<!tpu.dma_semaphore, #tpu.memory_space<semaphore_mem>>
      %dma_start3A_82 = arith.constant 0 : i32
      %dma_start3A_83 = arith.constant 0 : i32
      %dma_start3A_84 = tpu.memref_slice %arg10[%dma_start3A_82, %dma_start3A_83] : memref<80x64xf32, #tpu.memory_space<vmem>> -> memref<80x64xf32, #tpu.memory_space<vmem>>
      %dma_start3A_85 = arith.constant 0 : i32
      %dma_start3A_86 = tpu.memref_slice %arg12[%add3A_59, %dma_start3A_85] : memref<10000x64xf32, #tpu.memory_space<vmem_shared>> -> memref<80x64xf32, #tpu.memory_space<vmem_shared>>
      %dma_start3A_87 = arith.constant 0 : i32
      %dma_start3A_88 = arith.constant 0 : i32
      %dma_start3A_89 = tpu.memref_slice %arg10[%dma_start3A_87, %dma_start3A_88] : memref<80x64xf32, #tpu.memory_space<vmem>> -> memref<80x64xf32, #tpu.memory_space<vmem>>
      %dma_start3A_90 = arith.constant 0 : i32
      %dma_start3A_91 = tpu.memref_slice %arg12[%add3A_59, %dma_start3A_90] : memref<10000x64xf32, #tpu.memory_space<vmem_shared>> -> memref<80x64xf32, #tpu.memory_space<vmem_shared>>
      tpu.enqueue_dma source(%dma_start3A_91 : memref<80x64xf32, #tpu.memory_space<vmem_shared>>) target(%dma_start3A_89 : memref<80x64xf32, #tpu.memory_space<vmem>>) target_semaphore(%run_scoped3A : memref<!tpu.dma_semaphore, #tpu.memory_space<semaphore_mem>>)
      %dma_wait3A_92 = arith.constant 0 : i32
      %dma_wait3A_93 = arith.constant 0 : i32
      %dma_wait3A_94 = tpu.memref_slice %arg10[%dma_wait3A_92, %dma_wait3A_93] : memref<80x64xf32, #tpu.memory_space<vmem>> -> memref<80x64xf32, #tpu.memory_space<vmem>>
      %dma_wait3A_95 = arith.constant 0 : i32
      %dma_wait3A_96 = tpu.memref_slice %arg12[%add3A_59, %dma_wait3A_95] : memref<10000x64xf32, #tpu.memory_space<vmem_shared>> -> memref<80x64xf32, #tpu.memory_space<vmem_shared>>
      %dma_wait3A_97 = arith.constant 0 : i32
      %dma_wait3A_98 = arith.constant 0 : i32
      %dma_wait3A_99 = tpu.memref_slice %arg10[%dma_wait3A_97, %dma_wait3A_98] : memref<80x64xf32, #tpu.memory_space<vmem>> -> memref<80x64xf32, #tpu.memory_space<vmem>>
      %dma_wait3A_100 = arith.constant 0 : i32
      %dma_wait3A_101 = tpu.memref_slice %arg12[%add3A_59, %dma_wait3A_100] : memref<10000x64xf32, #tpu.memory_space<vmem_shared>> -> memref<80x64xf32, #tpu.memory_space<vmem_shared>>
      tpu.wait_dma2 semaphore(%run_scoped3A : memref<!tpu.dma_semaphore, #tpu.memory_space<semaphore_mem>>) src(%dma_wait3A_101 : memref<80x64xf32, #tpu.memory_space<vmem_shared>>) dst(%dma_wait3A_99 : memref<80x64xf32, #tpu.memory_space<vmem>>)
      tpu.yield
    }) : () -> ()
    %scan3A_60 = arith.constant 0 : i32
    %scan3A_61 = arith.constant 0 : i32
    %scan3A_62 = arith.constant 80 : i32
    %scan3A_63 = arith.addi %scan3A_61, %scan3A_62 : i32
    %scan3A_64 = arith.constant 1 : i32
    scf.for %scan3A_82 = %scan3A_61 to %scan3A_63 step %scan3A_64  : i32 {
      %get3A = arith.index_cast %scan3A_82 : i32 to index
      %get3A_83 = arith.constant 0 : index
      %get3A_84 = tpu.vector_load %arg10[%get3A, %get3A_83] {strides = array<i32>} : memref<80x64xf32, #tpu.memory_space<vmem>>, vector<1x16xf32>,
      %get3A_85 = vector.shape_cast %get3A_84 : vector<1x16xf32> to vector<16xf32>
      %max3A = arith.constant 0.000000e+00 : f32
      %max3A_86 = vector.broadcast %max3A : f32 to vector<16xf32>
      %max3A_87 = arith.maximumf %get3A_85, %max3A_86 : vector<16xf32>
      %swap3A = arith.index_cast %scan3A_82 : i32 to index
      %swap3A_88 = arith.constant 0 : index
      %swap3A_89 = tpu.vector_load %arg10[%swap3A, %swap3A_88] {strides = array<i32>} : memref<80x64xf32, #tpu.memory_space<vmem>>, vector<1x16xf32>,
      %swap3A_90 = vector.shape_cast %swap3A_89 : vector<1x16xf32> to vector<16xf32>
      %swap3A_91 = vector.shape_cast %max3A_87 : vector<16xf32> to vector<1x16xf32>
      tpu.vector_store %arg10[%swap3A, %swap3A_88], %swap3A_91 {strides = array<i32>} : memref<80x64xf32, #tpu.memory_space<vmem>>, vector<1x16xf32>,
      %get3A_92 = arith.index_cast %scan3A_82 : i32 to index
      %get3A_93 = arith.constant 16 : index
      %get3A_94 = tpu.vector_load %arg10[%get3A_92, %get3A_93] {strides = array<i32>} : memref<80x64xf32, #tpu.memory_space<vmem>>, vector<1x16xf32>,
      %get3A_95 = vector.shape_cast %get3A_94 : vector<1x16xf32> to vector<16xf32>
      %max3A_96 = arith.constant 0.000000e+00 : f32
      %max3A_97 = vector.broadcast %max3A_96 : f32 to vector<16xf32>
      %max3A_98 = arith.maximumf %get3A_95, %max3A_97 : vector<16xf32>
      %swap3A_99 = arith.index_cast %scan3A_82 : i32 to index
      %swap3A_100 = arith.constant 16 : index
      %swap3A_101 = tpu.vector_load %arg10[%swap3A_99, %swap3A_100] {strides = array<i32>} : memref<80x64xf32, #tpu.memory_space<vmem>>, vector<1x16xf32>,
      %swap3A_102 = vector.shape_cast %swap3A_101 : vector<1x16xf32> to vector<16xf32>
      %swap3A_103 = vector.shape_cast %max3A_98 : vector<16xf32> to vector<1x16xf32>
      tpu.vector_store %arg10[%swap3A_99, %swap3A_100], %swap3A_103 {strides = array<i32>} : memref<80x64xf32, #tpu.memory_space<vmem>>, vector<1x16xf32>,
      %get3A_104 = arith.index_cast %scan3A_82 : i32 to index
      %get3A_105 = arith.constant 32 : index
      %get3A_106 = tpu.vector_load %arg10[%get3A_104, %get3A_105] {strides = array<i32>} : memref<80x64xf32, #tpu.memory_space<vmem>>, vector<1x16xf32>,
      %get3A_107 = vector.shape_cast %get3A_106 : vector<1x16xf32> to vector<16xf32>
      %max3A_108 = arith.constant 0.000000e+00 : f32
      %max3A_109 = vector.broadcast %max3A_108 : f32 to vector<16xf32>
      %max3A_110 = arith.maximumf %get3A_107, %max3A_109 : vector<16xf32>
      %swap3A_111 = arith.index_cast %scan3A_82 : i32 to index
      %swap3A_112 = arith.constant 32 : index
      %swap3A_113 = tpu.vector_load %arg10[%swap3A_111, %swap3A_112] {strides = array<i32>} : memref<80x64xf32, #tpu.memory_space<vmem>>, vector<1x16xf32>,
      %swap3A_114 = vector.shape_cast %swap3A_113 : vector<1x16xf32> to vector<16xf32>
      %swap3A_115 = vector.shape_cast %max3A_110 : vector<16xf32> to vector<1x16xf32>
      tpu.vector_store %arg10[%swap3A_111, %swap3A_112], %swap3A_115 {strides = array<i32>} : memref<80x64xf32, #tpu.memory_space<vmem>>, vector<1x16xf32>,
      %get3A_116 = arith.index_cast %scan3A_82 : i32 to index
      %get3A_117 = arith.constant 48 : index
      %get3A_118 = tpu.vector_load %arg10[%get3A_116, %get3A_117] {strides = array<i32>} : memref<80x64xf32, #tpu.memory_space<vmem>>, vector<1x16xf32>,
      %get3A_119 = vector.shape_cast %get3A_118 : vector<1x16xf32> to vector<16xf32>
      %max3A_120 = arith.constant 0.000000e+00 : f32
      %max3A_121 = vector.broadcast %max3A_120 : f32 to vector<16xf32>
      %max3A_122 = arith.maximumf %get3A_119, %max3A_121 : vector<16xf32>
      %swap3A_123 = arith.index_cast %scan3A_82 : i32 to index
      %swap3A_124 = arith.constant 48 : index
      %swap3A_125 = tpu.vector_load %arg10[%swap3A_123, %swap3A_124] {strides = array<i32>} : memref<80x64xf32, #tpu.memory_space<vmem>>, vector<1x16xf32>,
      %swap3A_126 = vector.shape_cast %swap3A_125 : vector<1x16xf32> to vector<16xf32>
      %swap3A_127 = vector.shape_cast %max3A_122 : vector<16xf32> to vector<1x16xf32>
      tpu.vector_store %arg10[%swap3A_123, %swap3A_124], %swap3A_127 {strides = array<i32>} : memref<80x64xf32, #tpu.memory_space<vmem>>, vector<1x16xf32>,
    }
    %scan3A_65 = arith.constant 80 : i32
    "tpu.region"() ({
      %run_scoped3A = tpu.sem_alloc : memref<!tpu.dma_semaphore, #tpu.memory_space<semaphore_mem>>
      %dma_start3A_82 = arith.constant 0 : i32
      %dma_start3A_83 = arith.constant 0 : i32
      %dma_start3A_84 = tpu.memref_slice %arg10[%dma_start3A_82, %dma_start3A_83] : memref<80x64xf32, #tpu.memory_space<vmem>> -> memref<80x64xf32, #tpu.memory_space<vmem>>
      %dma_start3A_85 = arith.constant 0 : i32
      %dma_start3A_86 = arith.constant 0 : i32
      %dma_start3A_87 = tpu.memref_slice %arg6[%arg0, %dma_start3A_85, %dma_start3A_86] : memref<2x10000x64xf32, #tpu.memory_space<hbm>> -> memref<1x10000x64xf32, #tpu.memory_space<hbm>>
      %dma_start3A_88 = tpu.memref_squeeze %dma_start3A_87 : memref<1x10000x64xf32, #tpu.memory_space<hbm>> -> memref<10000x64xf32, #tpu.memory_space<hbm>>
      %dma_start3A_89 = arith.constant 0 : i32
      %dma_start3A_90 = tpu.memref_slice %dma_start3A_88[%add3A_59, %dma_start3A_89] : memref<10000x64xf32, #tpu.memory_space<hbm>> -> memref<80x64xf32, #tpu.memory_space<hbm>>
      %dma_start3A_91 = arith.constant 0 : i32
      %dma_start3A_92 = arith.constant 0 : i32
      %dma_start3A_93 = tpu.memref_slice %arg6[%arg0, %dma_start3A_91, %dma_start3A_92] : memref<2x10000x64xf32, #tpu.memory_space<hbm>> -> memref<1x10000x64xf32, #tpu.memory_space<hbm>>
      %dma_start3A_94 = tpu.memref_squeeze %dma_start3A_93 : memref<1x10000x64xf32, #tpu.memory_space<hbm>> -> memref<10000x64xf32, #tpu.memory_space<hbm>>
      %dma_start3A_95 = arith.constant 0 : i32
      %dma_start3A_96 = tpu.memref_slice %dma_start3A_94[%add3A_59, %dma_start3A_95] : memref<10000x64xf32, #tpu.memory_space<hbm>> -> memref<80x64xf32, #tpu.memory_space<hbm>>
      %dma_start3A_97 = arith.constant 0 : i32
      %dma_start3A_98 = arith.constant 0 : i32
      %dma_start3A_99 = tpu.memref_slice %arg10[%dma_start3A_97, %dma_start3A_98] : memref<80x64xf32, #tpu.memory_space<vmem>> -> memref<80x64xf32, #tpu.memory_space<vmem>>
      tpu.enqueue_dma source(%dma_start3A_99 : memref<80x64xf32, #tpu.memory_space<vmem>>) target(%dma_start3A_96 : memref<80x64xf32, #tpu.memory_space<hbm>>) target_semaphore(%run_scoped3A : memref<!tpu.dma_semaphore, #tpu.memory_space<semaphore_mem>>)
      %dma_wait3A_100 = arith.constant 0 : i32
      %dma_wait3A_101 = arith.constant 0 : i32
      %dma_wait3A_102 = tpu.memref_slice %arg10[%dma_wait3A_100, %dma_wait3A_101] : memref<80x64xf32, #tpu.memory_space<vmem>> -> memref<80x64xf32, #tpu.memory_space<vmem>>
      %dma_wait3A_103 = arith.constant 0 : i32
      %dma_wait3A_104 = arith.constant 0 : i32
      %dma_wait3A_105 = tpu.memref_slice %arg6[%arg0, %dma_wait3A_103, %dma_wait3A_104] : memref<2x10000x64xf32, #tpu.memory_space<hbm>> -> memref<1x10000x64xf32, #tpu.memory_space<hbm>>
      %dma_wait3A_106 = tpu.memref_squeeze %dma_wait3A_105 : memref<1x10000x64xf32, #tpu.memory_space<hbm>> -> memref<10000x64xf32, #tpu.memory_space<hbm>>
      %dma_wait3A_107 = arith.constant 0 : i32
      %dma_wait3A_108 = tpu.memref_slice %dma_wait3A_106[%add3A_59, %dma_wait3A_107] : memref<10000x64xf32, #tpu.memory_space<hbm>> -> memref<80x64xf32, #tpu.memory_space<hbm>>
      %dma_wait3A_109 = arith.constant 0 : i32
      %dma_wait3A_110 = arith.constant 0 : i32
      %dma_wait3A_111 = tpu.memref_slice %arg6[%arg0, %dma_wait3A_109, %dma_wait3A_110] : memref<2x10000x64xf32, #tpu.memory_space<hbm>> -> memref<1x10000x64xf32, #tpu.memory_space<hbm>>
      %dma_wait3A_112 = tpu.memref_squeeze %dma_wait3A_111 : memref<1x10000x64xf32, #tpu.memory_space<hbm>> -> memref<10000x64xf32, #tpu.memory_space<hbm>>
      %dma_wait3A_113 = arith.constant 0 : i32
      %dma_wait3A_114 = tpu.memref_slice %dma_wait3A_112[%add3A_59, %dma_wait3A_113] : memref<10000x64xf32, #tpu.memory_space<hbm>> -> memref<80x64xf32, #tpu.memory_space<hbm>>
      %dma_wait3A_115 = arith.constant 0 : i32
      %dma_wait3A_116 = arith.constant 0 : i32
      %dma_wait3A_117 = tpu.memref_slice %arg10[%dma_wait3A_115, %dma_wait3A_116] : memref<80x64xf32, #tpu.memory_space<vmem>> -> memref<80x64xf32, #tpu.memory_space<vmem>>
      tpu.wait_dma2 semaphore(%run_scoped3A : memref<!tpu.dma_semaphore, #tpu.memory_space<semaphore_mem>>) src(%dma_wait3A_117 : memref<80x64xf32, #tpu.memory_space<vmem>>) dst(%dma_wait3A_114 : memref<80x64xf32, #tpu.memory_space<hbm>>)
      tpu.yield
    }) : () -> ()
    %add3A_66 = arith.constant 480 : i32
    %add3A_67 = arith.addi %mul3A_0, %add3A_66 : i32
    "tpu.region"() ({
      %run_scoped3A = tpu.sem_alloc : memref<!tpu.dma_semaphore, #tpu.memory_space<semaphore_mem>>
      %dma_start3A_82 = arith.constant 0 : i32
      %dma_start3A_83 = arith.constant 0 : i32
      %dma_start3A_84 = tpu.memref_slice %arg9[%dma_start3A_82, %dma_start3A_83] : memref<80x64xf32, #tpu.memory_space<vmem>> -> memref<80x64xf32, #tpu.memory_space<vmem>>
      %dma_start3A_85 = arith.constant 0 : i32
      %dma_start3A_86 = tpu.memref_slice %arg12[%add3A_67, %dma_start3A_85] : memref<10000x64xf32, #tpu.memory_space<vmem_shared>> -> memref<80x64xf32, #tpu.memory_space<vmem_shared>>
      %dma_start3A_87 = arith.constant 0 : i32
      %dma_start3A_88 = arith.constant 0 : i32
      %dma_start3A_89 = tpu.memref_slice %arg9[%dma_start3A_87, %dma_start3A_88] : memref<80x64xf32, #tpu.memory_space<vmem>> -> memref<80x64xf32, #tpu.memory_space<vmem>>
      %dma_start3A_90 = arith.constant 0 : i32
      %dma_start3A_91 = tpu.memref_slice %arg12[%add3A_67, %dma_start3A_90] : memref<10000x64xf32, #tpu.memory_space<vmem_shared>> -> memref<80x64xf32, #tpu.memory_space<vmem_shared>>
      tpu.enqueue_dma source(%dma_start3A_91 : memref<80x64xf32, #tpu.memory_space<vmem_shared>>) target(%dma_start3A_89 : memref<80x64xf32, #tpu.memory_space<vmem>>) target_semaphore(%run_scoped3A : memref<!tpu.dma_semaphore, #tpu.memory_space<semaphore_mem>>)
      %dma_wait3A_92 = arith.constant 0 : i32
      %dma_wait3A_93 = arith.constant 0 : i32
      %dma_wait3A_94 = tpu.memref_slice %arg9[%dma_wait3A_92, %dma_wait3A_93] : memref<80x64xf32, #tpu.memory_space<vmem>> -> memref<80x64xf32, #tpu.memory_space<vmem>>
      %dma_wait3A_95 = arith.constant 0 : i32
      %dma_wait3A_96 = tpu.memref_slice %arg12[%add3A_67, %dma_wait3A_95] : memref<10000x64xf32, #tpu.memory_space<vmem_shared>> -> memref<80x64xf32, #tpu.memory_space<vmem_shared>>
      %dma_wait3A_97 = arith.constant 0 : i32
      %dma_wait3A_98 = arith.constant 0 : i32
      %dma_wait3A_99 = tpu.memref_slice %arg9[%dma_wait3A_97, %dma_wait3A_98] : memref<80x64xf32, #tpu.memory_space<vmem>> -> memref<80x64xf32, #tpu.memory_space<vmem>>
      %dma_wait3A_100 = arith.constant 0 : i32
      %dma_wait3A_101 = tpu.memref_slice %arg12[%add3A_67, %dma_wait3A_100] : memref<10000x64xf32, #tpu.memory_space<vmem_shared>> -> memref<80x64xf32, #tpu.memory_space<vmem_shared>>
      tpu.wait_dma2 semaphore(%run_scoped3A : memref<!tpu.dma_semaphore, #tpu.memory_space<semaphore_mem>>) src(%dma_wait3A_101 : memref<80x64xf32, #tpu.memory_space<vmem_shared>>) dst(%dma_wait3A_99 : memref<80x64xf32, #tpu.memory_space<vmem>>)
      tpu.yield
    }) : () -> ()
    %scan3A_68 = arith.constant 0 : i32
    %scan3A_69 = arith.constant 0 : i32
    %scan3A_70 = arith.constant 80 : i32
    %scan3A_71 = arith.addi %scan3A_69, %scan3A_70 : i32
    %scan3A_72 = arith.constant 1 : i32
    scf.for %scan3A_82 = %scan3A_69 to %scan3A_71 step %scan3A_72  : i32 {
      %get3A = arith.index_cast %scan3A_82 : i32 to index
      %get3A_83 = arith.constant 0 : index
      %get3A_84 = tpu.vector_load %arg9[%get3A, %get3A_83] {strides = array<i32>} : memref<80x64xf32, #tpu.memory_space<vmem>>, vector<1x16xf32>,
      %get3A_85 = vector.shape_cast %get3A_84 : vector<1x16xf32> to vector<16xf32>
      %max3A = arith.constant 0.000000e+00 : f32
      %max3A_86 = vector.broadcast %max3A : f32 to vector<16xf32>
      %max3A_87 = arith.maximumf %get3A_85, %max3A_86 : vector<16xf32>
      %swap3A = arith.index_cast %scan3A_82 : i32 to index
      %swap3A_88 = arith.constant 0 : index
      %swap3A_89 = tpu.vector_load %arg9[%swap3A, %swap3A_88] {strides = array<i32>} : memref<80x64xf32, #tpu.memory_space<vmem>>, vector<1x16xf32>,
      %swap3A_90 = vector.shape_cast %swap3A_89 : vector<1x16xf32> to vector<16xf32>
      %swap3A_91 = vector.shape_cast %max3A_87 : vector<16xf32> to vector<1x16xf32>
      tpu.vector_store %arg9[%swap3A, %swap3A_88], %swap3A_91 {strides = array<i32>} : memref<80x64xf32, #tpu.memory_space<vmem>>, vector<1x16xf32>,
      %get3A_92 = arith.index_cast %scan3A_82 : i32 to index
      %get3A_93 = arith.constant 16 : index
      %get3A_94 = tpu.vector_load %arg9[%get3A_92, %get3A_93] {strides = array<i32>} : memref<80x64xf32, #tpu.memory_space<vmem>>, vector<1x16xf32>,
      %get3A_95 = vector.shape_cast %get3A_94 : vector<1x16xf32> to vector<16xf32>
      %max3A_96 = arith.constant 0.000000e+00 : f32
      %max3A_97 = vector.broadcast %max3A_96 : f32 to vector<16xf32>
      %max3A_98 = arith.maximumf %get3A_95, %max3A_97 : vector<16xf32>
      %swap3A_99 = arith.index_cast %scan3A_82 : i32 to index
      %swap3A_100 = arith.constant 16 : index
      %swap3A_101 = tpu.vector_load %arg9[%swap3A_99, %swap3A_100] {strides = array<i32>} : memref<80x64xf32, #tpu.memory_space<vmem>>, vector<1x16xf32>,
      %swap3A_102 = vector.shape_cast %swap3A_101 : vector<1x16xf32> to vector<16xf32>
      %swap3A_103 = vector.shape_cast %max3A_98 : vector<16xf32> to vector<1x16xf32>
      tpu.vector_store %arg9[%swap3A_99, %swap3A_100], %swap3A_103 {strides = array<i32>} : memref<80x64xf32, #tpu.memory_space<vmem>>, vector<1x16xf32>,
      %get3A_104 = arith.index_cast %scan3A_82 : i32 to index
      %get3A_105 = arith.constant 32 : index
      %get3A_106 = tpu.vector_load %arg9[%get3A_104, %get3A_105] {strides = array<i32>} : memref<80x64xf32, #tpu.memory_space<vmem>>, vector<1x16xf32>,
      %get3A_107 = vector.shape_cast %get3A_106 : vector<1x16xf32> to vector<16xf32>
      %max3A_108 = arith.constant 0.000000e+00 : f32
      %max3A_109 = vector.broadcast %max3A_108 : f32 to vector<16xf32>
      %max3A_110 = arith.maximumf %get3A_107, %max3A_109 : vector<16xf32>
      %swap3A_111 = arith.index_cast %scan3A_82 : i32 to index
      %swap3A_112 = arith.constant 32 : index
      %swap3A_113 = tpu.vector_load %arg9[%swap3A_111, %swap3A_112] {strides = array<i32>} : memref<80x64xf32, #tpu.memory_space<vmem>>, vector<1x16xf32>,
      %swap3A_114 = vector.shape_cast %swap3A_113 : vector<1x16xf32> to vector<16xf32>
      %swap3A_115 = vector.shape_cast %max3A_110 : vector<16xf32> to vector<1x16xf32>
      tpu.vector_store %arg9[%swap3A_111, %swap3A_112], %swap3A_115 {strides = array<i32>} : memref<80x64xf32, #tpu.memory_space<vmem>>, vector<1x16xf32>,
      %get3A_116 = arith.index_cast %scan3A_82 : i32 to index
      %get3A_117 = arith.constant 48 : index
      %get3A_118 = tpu.vector_load %arg9[%get3A_116, %get3A_117] {strides = array<i32>} : memref<80x64xf32, #tpu.memory_space<vmem>>, vector<1x16xf32>,
      %get3A_119 = vector.shape_cast %get3A_118 : vector<1x16xf32> to vector<16xf32>
      %max3A_120 = arith.constant 0.000000e+00 : f32
      %max3A_121 = vector.broadcast %max3A_120 : f32 to vector<16xf32>
      %max3A_122 = arith.maximumf %get3A_119, %max3A_121 : vector<16xf32>
      %swap3A_123 = arith.index_cast %scan3A_82 : i32 to index
      %swap3A_124 = arith.constant 48 : index
      %swap3A_125 = tpu.vector_load %arg9[%swap3A_123, %swap3A_124] {strides = array<i32>} : memref<80x64xf32, #tpu.memory_space<vmem>>, vector<1x16xf32>,
      %swap3A_126 = vector.shape_cast %swap3A_125 : vector<1x16xf32> to vector<16xf32>
      %swap3A_127 = vector.shape_cast %max3A_122 : vector<16xf32> to vector<1x16xf32>
      tpu.vector_store %arg9[%swap3A_123, %swap3A_124], %swap3A_127 {strides = array<i32>} : memref<80x64xf32, #tpu.memory_space<vmem>>, vector<1x16xf32>,
    }
    %scan3A_73 = arith.constant 80 : i32
    "tpu.region"() ({
      %run_scoped3A = tpu.sem_alloc : memref<!tpu.dma_semaphore, #tpu.memory_space<semaphore_mem>>
      %dma_start3A_82 = arith.constant 0 : i32
      %dma_start3A_83 = arith.constant 0 : i32
      %dma_start3A_84 = tpu.memref_slice %arg9[%dma_start3A_82, %dma_start3A_83] : memref<80x64xf32, #tpu.memory_space<vmem>> -> memref<80x64xf32, #tpu.memory_space<vmem>>
      %dma_start3A_85 = arith.constant 0 : i32
      %dma_start3A_86 = arith.constant 0 : i32
      %dma_start3A_87 = tpu.memref_slice %arg6[%arg0, %dma_start3A_85, %dma_start3A_86] : memref<2x10000x64xf32, #tpu.memory_space<hbm>> -> memref<1x10000x64xf32, #tpu.memory_space<hbm>>
      %dma_start3A_88 = tpu.memref_squeeze %dma_start3A_87 : memref<1x10000x64xf32, #tpu.memory_space<hbm>> -> memref<10000x64xf32, #tpu.memory_space<hbm>>
      %dma_start3A_89 = arith.constant 0 : i32
      %dma_start3A_90 = tpu.memref_slice %dma_start3A_88[%add3A_67, %dma_start3A_89] : memref<10000x64xf32, #tpu.memory_space<hbm>> -> memref<80x64xf32, #tpu.memory_space<hbm>>
      %dma_start3A_91 = arith.constant 0 : i32
      %dma_start3A_92 = arith.constant 0 : i32
      %dma_start3A_93 = tpu.memref_slice %arg6[%arg0, %dma_start3A_91, %dma_start3A_92] : memref<2x10000x64xf32, #tpu.memory_space<hbm>> -> memref<1x10000x64xf32, #tpu.memory_space<hbm>>
      %dma_start3A_94 = tpu.memref_squeeze %dma_start3A_93 : memref<1x10000x64xf32, #tpu.memory_space<hbm>> -> memref<10000x64xf32, #tpu.memory_space<hbm>>
      %dma_start3A_95 = arith.constant 0 : i32
      %dma_start3A_96 = tpu.memref_slice %dma_start3A_94[%add3A_67, %dma_start3A_95] : memref<10000x64xf32, #tpu.memory_space<hbm>> -> memref<80x64xf32, #tpu.memory_space<hbm>>
      %dma_start3A_97 = arith.constant 0 : i32
      %dma_start3A_98 = arith.constant 0 : i32
      %dma_start3A_99 = tpu.memref_slice %arg9[%dma_start3A_97, %dma_start3A_98] : memref<80x64xf32, #tpu.memory_space<vmem>> -> memref<80x64xf32, #tpu.memory_space<vmem>>
      tpu.enqueue_dma source(%dma_start3A_99 : memref<80x64xf32, #tpu.memory_space<vmem>>) target(%dma_start3A_96 : memref<80x64xf32, #tpu.memory_space<hbm>>) target_semaphore(%run_scoped3A : memref<!tpu.dma_semaphore, #tpu.memory_space<semaphore_mem>>)
      %dma_wait3A_100 = arith.constant 0 : i32
      %dma_wait3A_101 = arith.constant 0 : i32
      %dma_wait3A_102 = tpu.memref_slice %arg9[%dma_wait3A_100, %dma_wait3A_101] : memref<80x64xf32, #tpu.memory_space<vmem>> -> memref<80x64xf32, #tpu.memory_space<vmem>>
      %dma_wait3A_103 = arith.constant 0 : i32
      %dma_wait3A_104 = arith.constant 0 : i32
      %dma_wait3A_105 = tpu.memref_slice %arg6[%arg0, %dma_wait3A_103, %dma_wait3A_104] : memref<2x10000x64xf32, #tpu.memory_space<hbm>> -> memref<1x10000x64xf32, #tpu.memory_space<hbm>>
      %dma_wait3A_106 = tpu.memref_squeeze %dma_wait3A_105 : memref<1x10000x64xf32, #tpu.memory_space<hbm>> -> memref<10000x64xf32, #tpu.memory_space<hbm>>
      %dma_wait3A_107 = arith.constant 0 : i32
      %dma_wait3A_108 = tpu.memref_slice %dma_wait3A_106[%add3A_67, %dma_wait3A_107] : memref<10000x64xf32, #tpu.memory_space<hbm>> -> memref<80x64xf32, #tpu.memory_space<hbm>>
      %dma_wait3A_109 = arith.constant 0 : i32
      %dma_wait3A_110 = arith.constant 0 : i32
      %dma_wait3A_111 = tpu.memref_slice %arg6[%arg0, %dma_wait3A_109, %dma_wait3A_110] : memref<2x10000x64xf32, #tpu.memory_space<hbm>> -> memref<1x10000x64xf32, #tpu.memory_space<hbm>>
      %dma_wait3A_112 = tpu.memref_squeeze %dma_wait3A_111 : memref<1x10000x64xf32, #tpu.memory_space<hbm>> -> memref<10000x64xf32, #tpu.memory_space<hbm>>
      %dma_wait3A_113 = arith.constant 0 : i32
      %dma_wait3A_114 = tpu.memref_slice %dma_wait3A_112[%add3A_67, %dma_wait3A_113] : memref<10000x64xf32, #tpu.memory_space<hbm>> -> memref<80x64xf32, #tpu.memory_space<hbm>>
      %dma_wait3A_115 = arith.constant 0 : i32
      %dma_wait3A_116 = arith.constant 0 : i32
      %dma_wait3A_117 = tpu.memref_slice %arg9[%dma_wait3A_115, %dma_wait3A_116] : memref<80x64xf32, #tpu.memory_space<vmem>> -> memref<80x64xf32, #tpu.memory_space<vmem>>
      tpu.wait_dma2 semaphore(%run_scoped3A : memref<!tpu.dma_semaphore, #tpu.memory_space<semaphore_mem>>) src(%dma_wait3A_117 : memref<80x64xf32, #tpu.memory_space<vmem>>) dst(%dma_wait3A_114 : memref<80x64xf32, #tpu.memory_space<hbm>>)
      tpu.yield
    }) : () -> ()
    %add3A_74 = arith.constant 560 : i32
    %add3A_75 = arith.addi %mul3A_0, %add3A_74 : i32
    "tpu.region"() ({
      %run_scoped3A = tpu.sem_alloc : memref<!tpu.dma_semaphore, #tpu.memory_space<semaphore_mem>>
      %dma_start3A_82 = arith.constant 0 : i32
      %dma_start3A_83 = arith.constant 0 : i32
      %dma_start3A_84 = tpu.memref_slice %arg10[%dma_start3A_82, %dma_start3A_83] : memref<80x64xf32, #tpu.memory_space<vmem>> -> memref<65x64xf32, #tpu.memory_space<vmem>>
      %dma_start3A_85 = arith.constant 0 : i32
      %dma_start3A_86 = tpu.memref_slice %arg12[%add3A_75, %dma_start3A_85] : memref<10000x64xf32, #tpu.memory_space<vmem_shared>> -> memref<65x64xf32, #tpu.memory_space<vmem_shared>>
      %dma_start3A_87 = arith.constant 0 : i32
      %dma_start3A_88 = arith.constant 0 : i32
      %dma_start3A_89 = tpu.memref_slice %arg10[%dma_start3A_87, %dma_start3A_88] : memref<80x64xf32, #tpu.memory_space<vmem>> -> memref<65x64xf32, #tpu.memory_space<vmem>>
      %dma_start3A_90 = arith.constant 0 : i32
      %dma_start3A_91 = tpu.memref_slice %arg12[%add3A_75, %dma_start3A_90] : memref<10000x64xf32, #tpu.memory_space<vmem_shared>> -> memref<65x64xf32, #tpu.memory_space<vmem_shared>>
      tpu.enqueue_dma source(%dma_start3A_91 : memref<65x64xf32, #tpu.memory_space<vmem_shared>>) target(%dma_start3A_89 : memref<65x64xf32, #tpu.memory_space<vmem>>) target_semaphore(%run_scoped3A : memref<!tpu.dma_semaphore, #tpu.memory_space<semaphore_mem>>)
      %dma_wait3A_92 = arith.constant 0 : i32
      %dma_wait3A_93 = arith.constant 0 : i32
      %dma_wait3A_94 = tpu.memref_slice %arg10[%dma_wait3A_92, %dma_wait3A_93] : memref<80x64xf32, #tpu.memory_space<vmem>> -> memref<65x64xf32, #tpu.memory_space<vmem>>
      %dma_wait3A_95 = arith.constant 0 : i32
      %dma_wait3A_96 = tpu.memref_slice %arg12[%add3A_75, %dma_wait3A_95] : memref<10000x64xf32, #tpu.memory_space<vmem_shared>> -> memref<65x64xf32, #tpu.memory_space<vmem_shared>>
      %dma_wait3A_97 = arith.constant 0 : i32
      %dma_wait3A_98 = arith.constant 0 : i32
      %dma_wait3A_99 = tpu.memref_slice %arg10[%dma_wait3A_97, %dma_wait3A_98] : memref<80x64xf32, #tpu.memory_space<vmem>> -> memref<65x64xf32, #tpu.memory_space<vmem>>
      %dma_wait3A_100 = arith.constant 0 : i32
      %dma_wait3A_101 = tpu.memref_slice %arg12[%add3A_75, %dma_wait3A_100] : memref<10000x64xf32, #tpu.memory_space<vmem_shared>> -> memref<65x64xf32, #tpu.memory_space<vmem_shared>>
      tpu.wait_dma2 semaphore(%run_scoped3A : memref<!tpu.dma_semaphore, #tpu.memory_space<semaphore_mem>>) src(%dma_wait3A_101 : memref<65x64xf32, #tpu.memory_space<vmem_shared>>) dst(%dma_wait3A_99 : memref<65x64xf32, #tpu.memory_space<vmem>>)
      tpu.yield
    }) : () -> ()
    %scan3A_76 = arith.constant 0 : i32
    %scan3A_77 = arith.constant 0 : i32
    %scan3A_78 = arith.constant 65 : i32
    %scan3A_79 = arith.addi %scan3A_77, %scan3A_78 : i32
    %scan3A_80 = arith.constant 1 : i32
    scf.for %scan3A_82 = %scan3A_77 to %scan3A_79 step %scan3A_80  : i32 {
      %get3A = arith.index_cast %scan3A_82 : i32 to index
      %get3A_83 = arith.constant 0 : index
      %get3A_84 = tpu.vector_load %arg10[%get3A, %get3A_83] {strides = array<i32>} : memref<80x64xf32, #tpu.memory_space<vmem>>, vector<1x16xf32>,
      %get3A_85 = vector.shape_cast %get3A_84 : vector<1x16xf32> to vector<16xf32>
      %max3A = arith.constant 0.000000e+00 : f32
      %max3A_86 = vector.broadcast %max3A : f32 to vector<16xf32>
      %max3A_87 = arith.maximumf %get3A_85, %max3A_86 : vector<16xf32>
      %swap3A = arith.index_cast %scan3A_82 : i32 to index
      %swap3A_88 = arith.constant 0 : index
      %swap3A_89 = tpu.vector_load %arg10[%swap3A, %swap3A_88] {strides = array<i32>} : memref<80x64xf32, #tpu.memory_space<vmem>>, vector<1x16xf32>,
      %swap3A_90 = vector.shape_cast %swap3A_89 : vector<1x16xf32> to vector<16xf32>
      %swap3A_91 = vector.shape_cast %max3A_87 : vector<16xf32> to vector<1x16xf32>
      tpu.vector_store %arg10[%swap3A, %swap3A_88], %swap3A_91 {strides = array<i32>} : memref<80x64xf32, #tpu.memory_space<vmem>>, vector<1x16xf32>,
      %get3A_92 = arith.index_cast %scan3A_82 : i32 to index
      %get3A_93 = arith.constant 16 : index
      %get3A_94 = tpu.vector_load %arg10[%get3A_92, %get3A_93] {strides = array<i32>} : memref<80x64xf32, #tpu.memory_space<vmem>>, vector<1x16xf32>,
      %get3A_95 = vector.shape_cast %get3A_94 : vector<1x16xf32> to vector<16xf32>
      %max3A_96 = arith.constant 0.000000e+00 : f32
      %max3A_97 = vector.broadcast %max3A_96 : f32 to vector<16xf32>
      %max3A_98 = arith.maximumf %get3A_95, %max3A_97 : vector<16xf32>
      %swap3A_99 = arith.index_cast %scan3A_82 : i32 to index
      %swap3A_100 = arith.constant 16 : index
      %swap3A_101 = tpu.vector_load %arg10[%swap3A_99, %swap3A_100] {strides = array<i32>} : memref<80x64xf32, #tpu.memory_space<vmem>>, vector<1x16xf32>,
      %swap3A_102 = vector.shape_cast %swap3A_101 : vector<1x16xf32> to vector<16xf32>
      %swap3A_103 = vector.shape_cast %max3A_98 : vector<16xf32> to vector<1x16xf32>
      tpu.vector_store %arg10[%swap3A_99, %swap3A_100], %swap3A_103 {strides = array<i32>} : memref<80x64xf32, #tpu.memory_space<vmem>>, vector<1x16xf32>,
      %get3A_104 = arith.index_cast %scan3A_82 : i32 to index
      %get3A_105 = arith.constant 32 : index
      %get3A_106 = tpu.vector_load %arg10[%get3A_104, %get3A_105] {strides = array<i32>} : memref<80x64xf32, #tpu.memory_space<vmem>>, vector<1x16xf32>,
      %get3A_107 = vector.shape_cast %get3A_106 : vector<1x16xf32> to vector<16xf32>
      %max3A_108 = arith.constant 0.000000e+00 : f32
      %max3A_109 = vector.broadcast %max3A_108 : f32 to vector<16xf32>
      %max3A_110 = arith.maximumf %get3A_107, %max3A_109 : vector<16xf32>
      %swap3A_111 = arith.index_cast %scan3A_82 : i32 to index
      %swap3A_112 = arith.constant 32 : index
      %swap3A_113 = tpu.vector_load %arg10[%swap3A_111, %swap3A_112] {strides = array<i32>} : memref<80x64xf32, #tpu.memory_space<vmem>>, vector<1x16xf32>,
      %swap3A_114 = vector.shape_cast %swap3A_113 : vector<1x16xf32> to vector<16xf32>
      %swap3A_115 = vector.shape_cast %max3A_110 : vector<16xf32> to vector<1x16xf32>
      tpu.vector_store %arg10[%swap3A_111, %swap3A_112], %swap3A_115 {strides = array<i32>} : memref<80x64xf32, #tpu.memory_space<vmem>>, vector<1x16xf32>,
      %get3A_116 = arith.index_cast %scan3A_82 : i32 to index
      %get3A_117 = arith.constant 48 : index
      %get3A_118 = tpu.vector_load %arg10[%get3A_116, %get3A_117] {strides = array<i32>} : memref<80x64xf32, #tpu.memory_space<vmem>>, vector<1x16xf32>,
      %get3A_119 = vector.shape_cast %get3A_118 : vector<1x16xf32> to vector<16xf32>
      %max3A_120 = arith.constant 0.000000e+00 : f32
      %max3A_121 = vector.broadcast %max3A_120 : f32 to vector<16xf32>
      %max3A_122 = arith.maximumf %get3A_119, %max3A_121 : vector<16xf32>
      %swap3A_123 = arith.index_cast %scan3A_82 : i32 to index
      %swap3A_124 = arith.constant 48 : index
      %swap3A_125 = tpu.vector_load %arg10[%swap3A_123, %swap3A_124] {strides = array<i32>} : memref<80x64xf32, #tpu.memory_space<vmem>>, vector<1x16xf32>,
      %swap3A_126 = vector.shape_cast %swap3A_125 : vector<1x16xf32> to vector<16xf32>
      %swap3A_127 = vector.shape_cast %max3A_122 : vector<16xf32> to vector<1x16xf32>
      tpu.vector_store %arg10[%swap3A_123, %swap3A_124], %swap3A_127 {strides = array<i32>} : memref<80x64xf32, #tpu.memory_space<vmem>>, vector<1x16xf32>,
    }
    %scan3A_81 = arith.constant 65 : i32
    "tpu.region"() ({
      %run_scoped3A = tpu.sem_alloc : memref<!tpu.dma_semaphore, #tpu.memory_space<semaphore_mem>>
      %dma_start3A_82 = arith.constant 0 : i32
      %dma_start3A_83 = arith.constant 0 : i32
      %dma_start3A_84 = tpu.memref_slice %arg10[%dma_start3A_82, %dma_start3A_83] : memref<80x64xf32, #tpu.memory_space<vmem>> -> memref<65x64xf32, #tpu.memory_space<vmem>>
      %dma_start3A_85 = arith.constant 0 : i32
      %dma_start3A_86 = arith.constant 0 : i32
      %dma_start3A_87 = tpu.memref_slice %arg6[%arg0, %dma_start3A_85, %dma_start3A_86] : memref<2x10000x64xf32, #tpu.memory_space<hbm>> -> memref<1x10000x64xf32, #tpu.memory_space<hbm>>
      %dma_start3A_88 = tpu.memref_squeeze %dma_start3A_87 : memref<1x10000x64xf32, #tpu.memory_space<hbm>> -> memref<10000x64xf32, #tpu.memory_space<hbm>>
      %dma_start3A_89 = arith.constant 0 : i32
      %dma_start3A_90 = tpu.memref_slice %dma_start3A_88[%add3A_75, %dma_start3A_89] : memref<10000x64xf32, #tpu.memory_space<hbm>> -> memref<65x64xf32, #tpu.memory_space<hbm>>
      %dma_start3A_91 = arith.constant 0 : i32
      %dma_start3A_92 = arith.constant 0 : i32
      %dma_start3A_93 = tpu.memref_slice %arg6[%arg0, %dma_start3A_91, %dma_start3A_92] : memref<2x10000x64xf32, #tpu.memory_space<hbm>> -> memref<1x10000x64xf32, #tpu.memory_space<hbm>>
      %dma_start3A_94 = tpu.memref_squeeze %dma_start3A_93 : memref<1x10000x64xf32, #tpu.memory_space<hbm>> -> memref<10000x64xf32, #tpu.memory_space<hbm>>
      %dma_start3A_95 = arith.constant 0 : i32
      %dma_start3A_96 = tpu.memref_slice %dma_start3A_94[%add3A_75, %dma_start3A_95] : memref<10000x64xf32, #tpu.memory_space<hbm>> -> memref<65x64xf32, #tpu.memory_space<hbm>>
      %dma_start3A_97 = arith.constant 0 : i32
      %dma_start3A_98 = arith.constant 0 : i32
      %dma_start3A_99 = tpu.memref_slice %arg10[%dma_start3A_97, %dma_start3A_98] : memref<80x64xf32, #tpu.memory_space<vmem>> -> memref<65x64xf32, #tpu.memory_space<vmem>>
      tpu.enqueue_dma source(%dma_start3A_99 : memref<65x64xf32, #tpu.memory_space<vmem>>) target(%dma_start3A_96 : memref<65x64xf32, #tpu.memory_space<hbm>>) target_semaphore(%run_scoped3A : memref<!tpu.dma_semaphore, #tpu.memory_space<semaphore_mem>>)
      %dma_wait3A_100 = arith.constant 0 : i32
      %dma_wait3A_101 = arith.constant 0 : i32
      %dma_wait3A_102 = tpu.memref_slice %arg10[%dma_wait3A_100, %dma_wait3A_101] : memref<80x64xf32, #tpu.memory_space<vmem>> -> memref<65x64xf32, #tpu.memory_space<vmem>>
      %dma_wait3A_103 = arith.constant 0 : i32
      %dma_wait3A_104 = arith.constant 0 : i32
      %dma_wait3A_105 = tpu.memref_slice %arg6[%arg0, %dma_wait3A_103, %dma_wait3A_104] : memref<2x10000x64xf32, #tpu.memory_space<hbm>> -> memref<1x10000x64xf32, #tpu.memory_space<hbm>>
      %dma_wait3A_106 = tpu.memref_squeeze %dma_wait3A_105 : memref<1x10000x64xf32, #tpu.memory_space<hbm>> -> memref<10000x64xf32, #tpu.memory_space<hbm>>
      %dma_wait3A_107 = arith.constant 0 : i32
      %dma_wait3A_108 = tpu.memref_slice %dma_wait3A_106[%add3A_75, %dma_wait3A_107] : memref<10000x64xf32, #tpu.memory_space<hbm>> -> memref<65x64xf32, #tpu.memory_space<hbm>>
      %dma_wait3A_109 = arith.constant 0 : i32
      %dma_wait3A_110 = arith.constant 0 : i32
      %dma_wait3A_111 = tpu.memref_slice %arg6[%arg0, %dma_wait3A_109, %dma_wait3A_110] : memref<2x10000x64xf32, #tpu.memory_space<hbm>> -> memref<1x10000x64xf32, #tpu.memory_space<hbm>>
      %dma_wait3A_112 = tpu.memref_squeeze %dma_wait3A_111 : memref<1x10000x64xf32, #tpu.memory_space<hbm>> -> memref<10000x64xf32, #tpu.memory_space<hbm>>
      %dma_wait3A_113 = arith.constant 0 : i32
      %dma_wait3A_114 = tpu.memref_slice %dma_wait3A_112[%add3A_75, %dma_wait3A_113] : memref<10000x64xf32, #tpu.memory_space<hbm>> -> memref<65x64xf32, #tpu.memory_space<hbm>>
      %dma_wait3A_115 = arith.constant 0 : i32
      %dma_wait3A_116 = arith.constant 0 : i32
      %dma_wait3A_117 = tpu.memref_slice %arg10[%dma_wait3A_115, %dma_wait3A_116] : memref<80x64xf32, #tpu.memory_space<vmem>> -> memref<65x64xf32, #tpu.memory_space<vmem>>
      tpu.wait_dma2 semaphore(%run_scoped3A : memref<!tpu.dma_semaphore, #tpu.memory_space<semaphore_mem>>) src(%dma_wait3A_117 : memref<65x64xf32, #tpu.memory_space<vmem>>) dst(%dma_wait3A_114 : memref<65x64xf32, #tpu.memory_space<hbm>>)
      tpu.yield
    }) : () -> ()
    return
  }
}

#map = affine_map<(d0, d1) -> (0, 0, 0)>
#map1 = affine_map<(d0, d1) -> (0, 0)>
module attributes {stable_mosaic.version = 14 : i64} {
  func.func @_gather_body(%arg0: i32, %arg1: i32, %arg2: memref<2x10000x64xf32, #tpu.memory_space<hbm>>, %arg3: memref<16x160x125xi32, #tpu.memory_space<hbm>>, %arg4: memref<16x160x125xi32, #tpu.memory_space<hbm>>, %arg5: memref<320000x128xf32, #tpu.memory_space<hbm>>, %arg6: memref<320000x128xf32, #tpu.memory_space<hbm>>, %arg7: memref<160x125xi32, #tpu.memory_space<vmem>>, %arg8: memref<160x125xi32, #tpu.memory_space<vmem>>, %arg9: memref<125x64xf32, #tpu.memory_space<vmem>>, %arg10: memref<125x64xf32, #tpu.memory_space<vmem>>, %arg11: memref<125x64xf32, #tpu.memory_space<vmem>>, %arg12: memref<125x64xf32, #tpu.memory_space<vmem>>, %arg13: memref<10000x64xf32, #tpu.memory_space<vmem_shared>>, %arg14: memref<!tpu.dma_semaphore, #tpu.memory_space<semaphore_mem>>, %arg15: memref<!tpu.dma_semaphore, #tpu.memory_space<semaphore_mem>>, %arg16: memref<!tpu.dma_semaphore, #tpu.memory_space<semaphore_mem>>, %arg17: memref<!tpu.dma_semaphore, #tpu.memory_space<semaphore_mem>>, %arg18: memref<!tpu.dma_semaphore, #tpu.memory_space<semaphore_mem>>, %arg19: memref<!tpu.dma_semaphore, #tpu.memory_space<semaphore_mem>>, %arg20: memref<!tpu.dma_semaphore, #tpu.memory_space<semaphore_mem>>, %arg21: memref<!tpu.dma_semaphore, #tpu.memory_space<semaphore_mem>>) attributes {dimension_semantics = [#tpu.dimension_semantics<core_parallel>, #tpu.dimension_semantics<subcore_parallel>], iteration_bounds = array<i64: 2, 16>, scalar_prefetch = 0 : i64, scratch_operands = 15 : i64, tpu.core_type = #tpu.core_type<sc_vector_subcore>, window_params = [{transform_indices = #map}, {transform_indices = #map}, {transform_indices = #map}, {transform_indices = #map1}, {transform_indices = #map1}]} {
    %mul3A = arith.constant 20000 : i32
    %mul3A_0 = arith.muli %arg1, %mul3A : i32
    %mul3A_1 = arith.constant 64 : i32
    %mul3A_2 = arith.muli %arg0, %mul3A_1 : i32
    %mul3A_3 = arith.constant 625 : i32
    %mul3A_4 = arith.muli %arg1, %mul3A_3 : i32
    "tpu.region"() ({
      %run_scoped3A = tpu.sem_alloc : memref<!tpu.dma_semaphore, #tpu.memory_space<semaphore_mem>>
      %dma_start3A_27 = arith.constant 0 : i32
      %dma_start3A_28 = tpu.memref_slice %arg13[%mul3A_4, %dma_start3A_27] : memref<10000x64xf32, #tpu.memory_space<vmem_shared>> -> memref<625x64xf32, #tpu.memory_space<vmem_shared>>
      %dma_start3A_29 = arith.constant 0 : i32
      %dma_start3A_30 = arith.constant 0 : i32
      %dma_start3A_31 = tpu.memref_slice %arg2[%arg0, %dma_start3A_29, %dma_start3A_30] : memref<2x10000x64xf32, #tpu.memory_space<hbm>> -> memref<1x10000x64xf32, #tpu.memory_space<hbm>>
      %dma_start3A_32 = tpu.memref_squeeze %dma_start3A_31 : memref<1x10000x64xf32, #tpu.memory_space<hbm>> -> memref<10000x64xf32, #tpu.memory_space<hbm>>
      %dma_start3A_33 = arith.constant 0 : i32
      %dma_start3A_34 = tpu.memref_slice %dma_start3A_32[%mul3A_4, %dma_start3A_33] : memref<10000x64xf32, #tpu.memory_space<hbm>> -> memref<625x64xf32, #tpu.memory_space<hbm>>
      tpu.enqueue_dma source(%dma_start3A_34 : memref<625x64xf32, #tpu.memory_space<hbm>>) target(%dma_start3A_28 : memref<625x64xf32, #tpu.memory_space<vmem_shared>>) target_semaphore(%run_scoped3A : memref<!tpu.dma_semaphore, #tpu.memory_space<semaphore_mem>>)
      %dma_wait3A_35 = arith.constant 0 : i32
      %dma_wait3A_36 = tpu.memref_slice %arg13[%mul3A_4, %dma_wait3A_35] : memref<10000x64xf32, #tpu.memory_space<vmem_shared>> -> memref<625x64xf32, #tpu.memory_space<vmem_shared>>
      %dma_wait3A_37 = arith.constant 0 : i32
      %dma_wait3A_38 = arith.constant 0 : i32
      %dma_wait3A_39 = tpu.memref_slice %arg2[%arg0, %dma_wait3A_37, %dma_wait3A_38] : memref<2x10000x64xf32, #tpu.memory_space<hbm>> -> memref<1x10000x64xf32, #tpu.memory_space<hbm>>
      %dma_wait3A_40 = tpu.memref_squeeze %dma_wait3A_39 : memref<1x10000x64xf32, #tpu.memory_space<hbm>> -> memref<10000x64xf32, #tpu.memory_space<hbm>>
      %dma_wait3A_41 = arith.constant 0 : i32
      %dma_wait3A_42 = tpu.memref_slice %dma_wait3A_40[%mul3A_4, %dma_wait3A_41] : memref<10000x64xf32, #tpu.memory_space<hbm>> -> memref<625x64xf32, #tpu.memory_space<hbm>>
      tpu.wait_dma2 semaphore(%run_scoped3A : memref<!tpu.dma_semaphore, #tpu.memory_space<semaphore_mem>>) src(%dma_wait3A_42 : memref<625x64xf32, #tpu.memory_space<hbm>>) dst(%dma_wait3A_36 : memref<625x64xf32, #tpu.memory_space<vmem_shared>>)
      tpu.yield
    }) : () -> ()
    "tpu.region"() ({
      %run_scoped3A = tpu.sem_alloc : memref<!tpu.dma_semaphore, #tpu.memory_space<semaphore_mem>>
      %dma_start3A_27 = arith.constant 0 : i32
      %dma_start3A_28 = arith.constant 0 : i32
      %dma_start3A_29 = tpu.memref_slice %arg3[%arg1, %dma_start3A_27, %dma_start3A_28] : memref<16x160x125xi32, #tpu.memory_space<hbm>> -> memref<1x160x125xi32, #tpu.memory_space<hbm>>
      %dma_start3A_30 = tpu.memref_squeeze %dma_start3A_29 : memref<1x160x125xi32, #tpu.memory_space<hbm>> -> memref<160x125xi32, #tpu.memory_space<hbm>>
      %dma_start3A_31 = arith.constant 0 : i32
      %dma_start3A_32 = arith.constant 0 : i32
      %dma_start3A_33 = tpu.memref_slice %arg3[%arg1, %dma_start3A_31, %dma_start3A_32] : memref<16x160x125xi32, #tpu.memory_space<hbm>> -> memref<1x160x125xi32, #tpu.memory_space<hbm>>
      %dma_start3A_34 = tpu.memref_squeeze %dma_start3A_33 : memref<1x160x125xi32, #tpu.memory_space<hbm>> -> memref<160x125xi32, #tpu.memory_space<hbm>>
      tpu.enqueue_dma source(%dma_start3A_34 : memref<160x125xi32, #tpu.memory_space<hbm>>) target(%arg7 : memref<160x125xi32, #tpu.memory_space<vmem>>) target_semaphore(%run_scoped3A : memref<!tpu.dma_semaphore, #tpu.memory_space<semaphore_mem>>)
      %dma_wait3A_35 = arith.constant 0 : i32
      %dma_wait3A_36 = arith.constant 0 : i32
      %dma_wait3A_37 = tpu.memref_slice %arg3[%arg1, %dma_wait3A_35, %dma_wait3A_36] : memref<16x160x125xi32, #tpu.memory_space<hbm>> -> memref<1x160x125xi32, #tpu.memory_space<hbm>>
      %dma_wait3A_38 = tpu.memref_squeeze %dma_wait3A_37 : memref<1x160x125xi32, #tpu.memory_space<hbm>> -> memref<160x125xi32, #tpu.memory_space<hbm>>
      %dma_wait3A_39 = arith.constant 0 : i32
      %dma_wait3A_40 = arith.constant 0 : i32
      %dma_wait3A_41 = tpu.memref_slice %arg3[%arg1, %dma_wait3A_39, %dma_wait3A_40] : memref<16x160x125xi32, #tpu.memory_space<hbm>> -> memref<1x160x125xi32, #tpu.memory_space<hbm>>
      %dma_wait3A_42 = tpu.memref_squeeze %dma_wait3A_41 : memref<1x160x125xi32, #tpu.memory_space<hbm>> -> memref<160x125xi32, #tpu.memory_space<hbm>>
      tpu.wait_dma2 semaphore(%run_scoped3A : memref<!tpu.dma_semaphore, #tpu.memory_space<semaphore_mem>>) src(%dma_wait3A_42 : memref<160x125xi32, #tpu.memory_space<hbm>>) dst(%arg7 : memref<160x125xi32, #tpu.memory_space<vmem>>)
      tpu.yield
    }) : () -> ()
    "tpu.region"() ({
      %run_scoped3A = tpu.sem_alloc : memref<!tpu.dma_semaphore, #tpu.memory_space<semaphore_mem>>
      %dma_start3A_27 = arith.constant 0 : i32
      %dma_start3A_28 = arith.constant 0 : i32
      %dma_start3A_29 = tpu.memref_slice %arg4[%arg1, %dma_start3A_27, %dma_start3A_28] : memref<16x160x125xi32, #tpu.memory_space<hbm>> -> memref<1x160x125xi32, #tpu.memory_space<hbm>>
      %dma_start3A_30 = tpu.memref_squeeze %dma_start3A_29 : memref<1x160x125xi32, #tpu.memory_space<hbm>> -> memref<160x125xi32, #tpu.memory_space<hbm>>
      %dma_start3A_31 = arith.constant 0 : i32
      %dma_start3A_32 = arith.constant 0 : i32
      %dma_start3A_33 = tpu.memref_slice %arg4[%arg1, %dma_start3A_31, %dma_start3A_32] : memref<16x160x125xi32, #tpu.memory_space<hbm>> -> memref<1x160x125xi32, #tpu.memory_space<hbm>>
      %dma_start3A_34 = tpu.memref_squeeze %dma_start3A_33 : memref<1x160x125xi32, #tpu.memory_space<hbm>> -> memref<160x125xi32, #tpu.memory_space<hbm>>
      tpu.enqueue_dma source(%dma_start3A_34 : memref<160x125xi32, #tpu.memory_space<hbm>>) target(%arg8 : memref<160x125xi32, #tpu.memory_space<vmem>>) target_semaphore(%run_scoped3A : memref<!tpu.dma_semaphore, #tpu.memory_space<semaphore_mem>>)
      %dma_wait3A_35 = arith.constant 0 : i32
      %dma_wait3A_36 = arith.constant 0 : i32
      %dma_wait3A_37 = tpu.memref_slice %arg4[%arg1, %dma_wait3A_35, %dma_wait3A_36] : memref<16x160x125xi32, #tpu.memory_space<hbm>> -> memref<1x160x125xi32, #tpu.memory_space<hbm>>
      %dma_wait3A_38 = tpu.memref_squeeze %dma_wait3A_37 : memref<1x160x125xi32, #tpu.memory_space<hbm>> -> memref<160x125xi32, #tpu.memory_space<hbm>>
      %dma_wait3A_39 = arith.constant 0 : i32
      %dma_wait3A_40 = arith.constant 0 : i32
      %dma_wait3A_41 = tpu.memref_slice %arg4[%arg1, %dma_wait3A_39, %dma_wait3A_40] : memref<16x160x125xi32, #tpu.memory_space<hbm>> -> memref<1x160x125xi32, #tpu.memory_space<hbm>>
      %dma_wait3A_42 = tpu.memref_squeeze %dma_wait3A_41 : memref<1x160x125xi32, #tpu.memory_space<hbm>> -> memref<160x125xi32, #tpu.memory_space<hbm>>
      tpu.wait_dma2 semaphore(%run_scoped3A : memref<!tpu.dma_semaphore, #tpu.memory_space<semaphore_mem>>) src(%dma_wait3A_42 : memref<160x125xi32, #tpu.memory_space<hbm>>) dst(%arg8 : memref<160x125xi32, #tpu.memory_space<vmem>>)
      tpu.yield
    }) : () -> ()
    %barrier3A = arith.constant 0 : index
    tpu.barrier barrier_id(%barrier3A)
    %dma_start3A = arith.constant 0 : i32
    %dma_start3A_5 = arith.constant 0 : i32
    %dma_start3A_6 = tpu.memref_slice %arg7[%dma_start3A, %dma_start3A_5] : memref<160x125xi32, #tpu.memory_space<vmem>> -> memref<1x125xi32, #tpu.memory_space<vmem>>
    %dma_start3A_7 = tpu.memref_squeeze %dma_start3A_6 : memref<1x125xi32, #tpu.memory_space<vmem>> -> memref<125xi32, #tpu.memory_space<vmem>>
    %dma_start3A_8 = arith.constant 0 : i32
    %dma_start3A_9 = arith.constant 0 : i32
    %dma_start3A_10 = tpu.memref_slice %arg13[%dma_start3A_8, %dma_start3A_9] : memref<10000x64xf32, #tpu.memory_space<vmem_shared>> -> memref<10000x64xf32, #tpu.memory_space<vmem_shared>>
    tpu.enqueue_indirect_dma source(%dma_start3A_10 : memref<10000x64xf32, #tpu.memory_space<vmem_shared>>) target(%arg9 : memref<125x64xf32, #tpu.memory_space<vmem>>) offsets(%dma_start3A_7 : memref<125xi32, #tpu.memory_space<vmem>>) semaphore(%arg14 : memref<!tpu.dma_semaphore, #tpu.memory_space<semaphore_mem>>)
    %dma_start3A_11 = arith.constant 0 : i32
    %dma_start3A_12 = arith.constant 0 : i32
    %dma_start3A_13 = tpu.memref_slice %arg8[%dma_start3A_11, %dma_start3A_12] : memref<160x125xi32, #tpu.memory_space<vmem>> -> memref<1x125xi32, #tpu.memory_space<vmem>>
    %dma_start3A_14 = tpu.memref_squeeze %dma_start3A_13 : memref<1x125xi32, #tpu.memory_space<vmem>> -> memref<125xi32, #tpu.memory_space<vmem>>
    %dma_start3A_15 = arith.constant 0 : i32
    %dma_start3A_16 = arith.constant 0 : i32
    %dma_start3A_17 = tpu.memref_slice %arg13[%dma_start3A_15, %dma_start3A_16] : memref<10000x64xf32, #tpu.memory_space<vmem_shared>> -> memref<10000x64xf32, #tpu.memory_space<vmem_shared>>
    tpu.enqueue_indirect_dma source(%dma_start3A_17 : memref<10000x64xf32, #tpu.memory_space<vmem_shared>>) target(%arg11 : memref<125x64xf32, #tpu.memory_space<vmem>>) offsets(%dma_start3A_14 : memref<125xi32, #tpu.memory_space<vmem>>) semaphore(%arg16 : memref<!tpu.dma_semaphore, #tpu.memory_space<semaphore_mem>>)
    %scan3A = arith.constant 0 : i32
    %scan3A_18 = arith.constant 0 : i32
    %scan3A_19 = arith.constant 80 : i32
    %scan3A_20 = arith.addi %scan3A_18, %scan3A_19 : i32
    %scan3A_21 = arith.constant 1 : i32
    scf.for %scan3A_27 = %scan3A_18 to %scan3A_20 step %scan3A_21  : i32 {
      %mul3A_28 = arith.constant 2 : i32
      %mul3A_29 = arith.muli %mul3A_28, %scan3A_27 : i32
      %mul3A_30 = arith.constant 2 : i32
      %mul3A_31 = arith.muli %mul3A_30, %scan3A_27 : i32
      %add3A_32 = arith.constant 1 : i32
      %add3A_33 = arith.addi %mul3A_31, %add3A_32 : i32
      %mul3A_34 = arith.constant 125 : i32
      %mul3A_35 = arith.muli %mul3A_29, %mul3A_34 : i32
      %add3A_36 = arith.addi %mul3A_0, %mul3A_35 : i32
      %mul3A_37 = arith.constant 125 : i32
      %mul3A_38 = arith.muli %add3A_33, %mul3A_37 : i32
      %add3A_39 = arith.addi %mul3A_0, %mul3A_38 : i32
      %ge3A = arith.constant 1 : i32
      %ge3A_40 = arith.cmpi sge, %scan3A_27, %ge3A : i32
      %convert_element_type3A = arith.extui %ge3A_40 : i1 to i32
      %cond3A = arith.constant 0 : i32
      %cond3A_41 = arith.cmpi ne, %convert_element_type3A, %cond3A : i32
      scf.if %cond3A_41 {
        %dma_wait3A_99 = tpu.memref_slice %arg5[%add3A_39, %mul3A_2] : memref<320000x128xf32, #tpu.memory_space<hbm>> -> memref<125x64xf32, #tpu.memory_space<hbm>>
        %dma_wait3A_100 = tpu.memref_slice %arg5[%add3A_39, %mul3A_2] : memref<320000x128xf32, #tpu.memory_space<hbm>> -> memref<125x64xf32, #tpu.memory_space<hbm>>
        tpu.wait_dma2 semaphore(%arg19 : memref<!tpu.dma_semaphore, #tpu.memory_space<semaphore_mem>>) src(%arg10 : memref<125x64xf32, #tpu.memory_space<vmem>>) dst(%dma_wait3A_100 : memref<125x64xf32, #tpu.memory_space<hbm>>)
        %dma_wait3A_101 = tpu.memref_slice %arg6[%add3A_39, %mul3A_2] : memref<320000x128xf32, #tpu.memory_space<hbm>> -> memref<125x64xf32, #tpu.memory_space<hbm>>
        %dma_wait3A_102 = tpu.memref_slice %arg6[%add3A_39, %mul3A_2] : memref<320000x128xf32, #tpu.memory_space<hbm>> -> memref<125x64xf32, #tpu.memory_space<hbm>>
        tpu.wait_dma2 semaphore(%arg21 : memref<!tpu.dma_semaphore, #tpu.memory_space<semaphore_mem>>) src(%arg12 : memref<125x64xf32, #tpu.memory_space<vmem>>) dst(%dma_wait3A_102 : memref<125x64xf32, #tpu.memory_space<hbm>>)
      } else {
      }
      %dma_start3A_42 = arith.constant 0 : i32
      %dma_start3A_43 = tpu.memref_slice %arg7[%add3A_33, %dma_start3A_42] : memref<160x125xi32, #tpu.memory_space<vmem>> -> memref<1x125xi32, #tpu.memory_space<vmem>>
      %dma_start3A_44 = tpu.memref_squeeze %dma_start3A_43 : memref<1x125xi32, #tpu.memory_space<vmem>> -> memref<125xi32, #tpu.memory_space<vmem>>
      %dma_start3A_45 = arith.constant 0 : i32
      %dma_start3A_46 = arith.constant 0 : i32
      %dma_start3A_47 = tpu.memref_slice %arg13[%dma_start3A_45, %dma_start3A_46] : memref<10000x64xf32, #tpu.memory_space<vmem_shared>> -> memref<10000x64xf32, #tpu.memory_space<vmem_shared>>
      tpu.enqueue_indirect_dma source(%dma_start3A_47 : memref<10000x64xf32, #tpu.memory_space<vmem_shared>>) target(%arg10 : memref<125x64xf32, #tpu.memory_space<vmem>>) offsets(%dma_start3A_44 : memref<125xi32, #tpu.memory_space<vmem>>) semaphore(%arg15 : memref<!tpu.dma_semaphore, #tpu.memory_space<semaphore_mem>>)
      %dma_start3A_48 = arith.constant 0 : i32
      %dma_start3A_49 = tpu.memref_slice %arg8[%add3A_33, %dma_start3A_48] : memref<160x125xi32, #tpu.memory_space<vmem>> -> memref<1x125xi32, #tpu.memory_space<vmem>>
      %dma_start3A_50 = tpu.memref_squeeze %dma_start3A_49 : memref<1x125xi32, #tpu.memory_space<vmem>> -> memref<125xi32, #tpu.memory_space<vmem>>
      %dma_start3A_51 = arith.constant 0 : i32
      %dma_start3A_52 = arith.constant 0 : i32
      %dma_start3A_53 = tpu.memref_slice %arg13[%dma_start3A_51, %dma_start3A_52] : memref<10000x64xf32, #tpu.memory_space<vmem_shared>> -> memref<10000x64xf32, #tpu.memory_space<vmem_shared>>
      tpu.enqueue_indirect_dma source(%dma_start3A_53 : memref<10000x64xf32, #tpu.memory_space<vmem_shared>>) target(%arg12 : memref<125x64xf32, #tpu.memory_space<vmem>>) offsets(%dma_start3A_50 : memref<125xi32, #tpu.memory_space<vmem>>) semaphore(%arg17 : memref<!tpu.dma_semaphore, #tpu.memory_space<semaphore_mem>>)
      %dma_wait3A_54 = arith.constant 0 : i32
      %dma_wait3A_55 = tpu.memref_slice %arg7[%mul3A_29, %dma_wait3A_54] : memref<160x125xi32, #tpu.memory_space<vmem>> -> memref<1x125xi32, #tpu.memory_space<vmem>>
      %dma_wait3A_56 = tpu.memref_squeeze %dma_wait3A_55 : memref<1x125xi32, #tpu.memory_space<vmem>> -> memref<125xi32, #tpu.memory_space<vmem>>
      %dma_wait3A_57 = arith.constant 0 : i32
      %dma_wait3A_58 = arith.constant 0 : i32
      %dma_wait3A_59 = tpu.memref_slice %arg13[%dma_wait3A_57, %dma_wait3A_58] : memref<10000x64xf32, #tpu.memory_space<vmem_shared>> -> memref<10000x64xf32, #tpu.memory_space<vmem_shared>>
      tpu.wait_indirect_dma semaphore(%arg14 : memref<!tpu.dma_semaphore, #tpu.memory_space<semaphore_mem>>) src(%dma_wait3A_59 : memref<10000x64xf32, #tpu.memory_space<vmem_shared>>) dst(%arg9 : memref<125x64xf32, #tpu.memory_space<vmem>>)
      %dma_start3A_60 = tpu.memref_slice %arg5[%add3A_36, %mul3A_2] : memref<320000x128xf32, #tpu.memory_space<hbm>> -> memref<125x64xf32, #tpu.memory_space<hbm>>
      %dma_start3A_61 = tpu.memref_slice %arg5[%add3A_36, %mul3A_2] : memref<320000x128xf32, #tpu.memory_space<hbm>> -> memref<125x64xf32, #tpu.memory_space<hbm>>
      tpu.enqueue_dma source(%arg9 : memref<125x64xf32, #tpu.memory_space<vmem>>) target(%dma_start3A_61 : memref<125x64xf32, #tpu.memory_space<hbm>>) target_semaphore(%arg18 : memref<!tpu.dma_semaphore, #tpu.memory_space<semaphore_mem>>)
      %dma_wait3A_62 = arith.constant 0 : i32
      %dma_wait3A_63 = tpu.memref_slice %arg8[%mul3A_29, %dma_wait3A_62] : memref<160x125xi32, #tpu.memory_space<vmem>> -> memref<1x125xi32, #tpu.memory_space<vmem>>
      %dma_wait3A_64 = tpu.memref_squeeze %dma_wait3A_63 : memref<1x125xi32, #tpu.memory_space<vmem>> -> memref<125xi32, #tpu.memory_space<vmem>>
      %dma_wait3A_65 = arith.constant 0 : i32
      %dma_wait3A_66 = arith.constant 0 : i32
      %dma_wait3A_67 = tpu.memref_slice %arg13[%dma_wait3A_65, %dma_wait3A_66] : memref<10000x64xf32, #tpu.memory_space<vmem_shared>> -> memref<10000x64xf32, #tpu.memory_space<vmem_shared>>
      tpu.wait_indirect_dma semaphore(%arg16 : memref<!tpu.dma_semaphore, #tpu.memory_space<semaphore_mem>>) src(%dma_wait3A_67 : memref<10000x64xf32, #tpu.memory_space<vmem_shared>>) dst(%arg11 : memref<125x64xf32, #tpu.memory_space<vmem>>)
      %dma_start3A_68 = tpu.memref_slice %arg6[%add3A_36, %mul3A_2] : memref<320000x128xf32, #tpu.memory_space<hbm>> -> memref<125x64xf32, #tpu.memory_space<hbm>>
      %dma_start3A_69 = tpu.memref_slice %arg6[%add3A_36, %mul3A_2] : memref<320000x128xf32, #tpu.memory_space<hbm>> -> memref<125x64xf32, #tpu.memory_space<hbm>>
      tpu.enqueue_dma source(%arg11 : memref<125x64xf32, #tpu.memory_space<vmem>>) target(%dma_start3A_69 : memref<125x64xf32, #tpu.memory_space<hbm>>) target_semaphore(%arg20 : memref<!tpu.dma_semaphore, #tpu.memory_space<semaphore_mem>>)
      %dma_wait3A_70 = tpu.memref_slice %arg5[%add3A_36, %mul3A_2] : memref<320000x128xf32, #tpu.memory_space<hbm>> -> memref<125x64xf32, #tpu.memory_space<hbm>>
      %dma_wait3A_71 = tpu.memref_slice %arg5[%add3A_36, %mul3A_2] : memref<320000x128xf32, #tpu.memory_space<hbm>> -> memref<125x64xf32, #tpu.memory_space<hbm>>
      tpu.wait_dma2 semaphore(%arg18 : memref<!tpu.dma_semaphore, #tpu.memory_space<semaphore_mem>>) src(%arg9 : memref<125x64xf32, #tpu.memory_space<vmem>>) dst(%dma_wait3A_71 : memref<125x64xf32, #tpu.memory_space<hbm>>)
      %lt3A = arith.constant 79 : i32
      %lt3A_72 = arith.cmpi slt, %scan3A_27, %lt3A : i32
      %convert_element_type3A_73 = arith.extui %lt3A_72 : i1 to i32
      %cond3A_74 = arith.constant 0 : i32
      %cond3A_75 = arith.cmpi ne, %convert_element_type3A_73, %cond3A_74 : i32
      scf.if %cond3A_75 {
        %add3A_99 = arith.constant 2 : i32
        %add3A_100 = arith.addi %mul3A_29, %add3A_99 : i32
        %dma_start3A_101 = arith.constant 0 : i32
        %dma_start3A_102 = tpu.memref_slice %arg7[%add3A_100, %dma_start3A_101] : memref<160x125xi32, #tpu.memory_space<vmem>> -> memref<1x125xi32, #tpu.memory_space<vmem>>
        %dma_start3A_103 = tpu.memref_squeeze %dma_start3A_102 : memref<1x125xi32, #tpu.memory_space<vmem>> -> memref<125xi32, #tpu.memory_space<vmem>>
        %dma_start3A_104 = arith.constant 0 : i32
        %dma_start3A_105 = arith.constant 0 : i32
        %dma_start3A_106 = tpu.memref_slice %arg13[%dma_start3A_104, %dma_start3A_105] : memref<10000x64xf32, #tpu.memory_space<vmem_shared>> -> memref<10000x64xf32, #tpu.memory_space<vmem_shared>>
        tpu.enqueue_indirect_dma source(%dma_start3A_106 : memref<10000x64xf32, #tpu.memory_space<vmem_shared>>) target(%arg9 : memref<125x64xf32, #tpu.memory_space<vmem>>) offsets(%dma_start3A_103 : memref<125xi32, #tpu.memory_space<vmem>>) semaphore(%arg14 : memref<!tpu.dma_semaphore, #tpu.memory_space<semaphore_mem>>)
      } else {
      }
      %dma_wait3A_76 = tpu.memref_slice %arg6[%add3A_36, %mul3A_2] : memref<320000x128xf32, #tpu.memory_space<hbm>> -> memref<125x64xf32, #tpu.memory_space<hbm>>
      %dma_wait3A_77 = tpu.memref_slice %arg6[%add3A_36, %mul3A_2] : memref<320000x128xf32, #tpu.memory_space<hbm>> -> memref<125x64xf32, #tpu.memory_space<hbm>>
      tpu.wait_dma2 semaphore(%arg20 : memref<!tpu.dma_semaphore, #tpu.memory_space<semaphore_mem>>) src(%arg11 : memref<125x64xf32, #tpu.memory_space<vmem>>) dst(%dma_wait3A_77 : memref<125x64xf32, #tpu.memory_space<hbm>>)
      %lt3A_78 = arith.constant 79 : i32
      %lt3A_79 = arith.cmpi slt, %scan3A_27, %lt3A_78 : i32
      %convert_element_type3A_80 = arith.extui %lt3A_79 : i1 to i32
      %cond3A_81 = arith.constant 0 : i32
      %cond3A_82 = arith.cmpi ne, %convert_element_type3A_80, %cond3A_81 : i32
      scf.if %cond3A_82 {
        %add3A_99 = arith.constant 2 : i32
        %add3A_100 = arith.addi %mul3A_29, %add3A_99 : i32
        %dma_start3A_101 = arith.constant 0 : i32
        %dma_start3A_102 = tpu.memref_slice %arg8[%add3A_100, %dma_start3A_101] : memref<160x125xi32, #tpu.memory_space<vmem>> -> memref<1x125xi32, #tpu.memory_space<vmem>>
        %dma_start3A_103 = tpu.memref_squeeze %dma_start3A_102 : memref<1x125xi32, #tpu.memory_space<vmem>> -> memref<125xi32, #tpu.memory_space<vmem>>
        %dma_start3A_104 = arith.constant 0 : i32
        %dma_start3A_105 = arith.constant 0 : i32
        %dma_start3A_106 = tpu.memref_slice %arg13[%dma_start3A_104, %dma_start3A_105] : memref<10000x64xf32, #tpu.memory_space<vmem_shared>> -> memref<10000x64xf32, #tpu.memory_space<vmem_shared>>
        tpu.enqueue_indirect_dma source(%dma_start3A_106 : memref<10000x64xf32, #tpu.memory_space<vmem_shared>>) target(%arg11 : memref<125x64xf32, #tpu.memory_space<vmem>>) offsets(%dma_start3A_103 : memref<125xi32, #tpu.memory_space<vmem>>) semaphore(%arg16 : memref<!tpu.dma_semaphore, #tpu.memory_space<semaphore_mem>>)
      } else {
      }
      %dma_wait3A_83 = arith.constant 0 : i32
      %dma_wait3A_84 = tpu.memref_slice %arg7[%add3A_33, %dma_wait3A_83] : memref<160x125xi32, #tpu.memory_space<vmem>> -> memref<1x125xi32, #tpu.memory_space<vmem>>
      %dma_wait3A_85 = tpu.memref_squeeze %dma_wait3A_84 : memref<1x125xi32, #tpu.memory_space<vmem>> -> memref<125xi32, #tpu.memory_space<vmem>>
      %dma_wait3A_86 = arith.constant 0 : i32
      %dma_wait3A_87 = arith.constant 0 : i32
      %dma_wait3A_88 = tpu.memref_slice %arg13[%dma_wait3A_86, %dma_wait3A_87] : memref<10000x64xf32, #tpu.memory_space<vmem_shared>> -> memref<10000x64xf32, #tpu.memory_space<vmem_shared>>
      tpu.wait_indirect_dma semaphore(%arg15 : memref<!tpu.dma_semaphore, #tpu.memory_space<semaphore_mem>>) src(%dma_wait3A_88 : memref<10000x64xf32, #tpu.memory_space<vmem_shared>>) dst(%arg10 : memref<125x64xf32, #tpu.memory_space<vmem>>)
      %dma_start3A_89 = tpu.memref_slice %arg5[%add3A_39, %mul3A_2] : memref<320000x128xf32, #tpu.memory_space<hbm>> -> memref<125x64xf32, #tpu.memory_space<hbm>>
      %dma_start3A_90 = tpu.memref_slice %arg5[%add3A_39, %mul3A_2] : memref<320000x128xf32, #tpu.memory_space<hbm>> -> memref<125x64xf32, #tpu.memory_space<hbm>>
      tpu.enqueue_dma source(%arg10 : memref<125x64xf32, #tpu.memory_space<vmem>>) target(%dma_start3A_90 : memref<125x64xf32, #tpu.memory_space<hbm>>) target_semaphore(%arg19 : memref<!tpu.dma_semaphore, #tpu.memory_space<semaphore_mem>>)
      %dma_wait3A_91 = arith.constant 0 : i32
      %dma_wait3A_92 = tpu.memref_slice %arg8[%add3A_33, %dma_wait3A_91] : memref<160x125xi32, #tpu.memory_space<vmem>> -> memref<1x125xi32, #tpu.memory_space<vmem>>
      %dma_wait3A_93 = tpu.memref_squeeze %dma_wait3A_92 : memref<1x125xi32, #tpu.memory_space<vmem>> -> memref<125xi32, #tpu.memory_space<vmem>>
      %dma_wait3A_94 = arith.constant 0 : i32
      %dma_wait3A_95 = arith.constant 0 : i32
      %dma_wait3A_96 = tpu.memref_slice %arg13[%dma_wait3A_94, %dma_wait3A_95] : memref<10000x64xf32, #tpu.memory_space<vmem_shared>> -> memref<10000x64xf32, #tpu.memory_space<vmem_shared>>
      tpu.wait_indirect_dma semaphore(%arg17 : memref<!tpu.dma_semaphore, #tpu.memory_space<semaphore_mem>>) src(%dma_wait3A_96 : memref<10000x64xf32, #tpu.memory_space<vmem_shared>>) dst(%arg12 : memref<125x64xf32, #tpu.memory_space<vmem>>)
      %dma_start3A_97 = tpu.memref_slice %arg6[%add3A_39, %mul3A_2] : memref<320000x128xf32, #tpu.memory_space<hbm>> -> memref<125x64xf32, #tpu.memory_space<hbm>>
      %dma_start3A_98 = tpu.memref_slice %arg6[%add3A_39, %mul3A_2] : memref<320000x128xf32, #tpu.memory_space<hbm>> -> memref<125x64xf32, #tpu.memory_space<hbm>>
      tpu.enqueue_dma source(%arg12 : memref<125x64xf32, #tpu.memory_space<vmem>>) target(%dma_start3A_98 : memref<125x64xf32, #tpu.memory_space<hbm>>) target_semaphore(%arg21 : memref<!tpu.dma_semaphore, #tpu.memory_space<semaphore_mem>>)
    }
    %scan3A_22 = arith.constant 80 : i32
    %add3A = arith.constant 19875 : i32
    %add3A_23 = arith.addi %mul3A_0, %add3A : i32
    %dma_wait3A = tpu.memref_slice %arg5[%add3A_23, %mul3A_2] : memref<320000x128xf32, #tpu.memory_space<hbm>> -> memref<125x64xf32, #tpu.memory_space<hbm>>
    %dma_wait3A_24 = tpu.memref_slice %arg5[%add3A_23, %mul3A_2] : memref<320000x128xf32, #tpu.memory_space<hbm>> -> memref<125x64xf32, #tpu.memory_space<hbm>>
    tpu.wait_dma2 semaphore(%arg19 : memref<!tpu.dma_semaphore, #tpu.memory_space<semaphore_mem>>) src(%arg10 : memref<125x64xf32, #tpu.memory_space<vmem>>) dst(%dma_wait3A_24 : memref<125x64xf32, #tpu.memory_space<hbm>>)
    %dma_wait3A_25 = tpu.memref_slice %arg6[%add3A_23, %mul3A_2] : memref<320000x128xf32, #tpu.memory_space<hbm>> -> memref<125x64xf32, #tpu.memory_space<hbm>>
    %dma_wait3A_26 = tpu.memref_slice %arg6[%add3A_23, %mul3A_2] : memref<320000x128xf32, #tpu.memory_space<hbm>> -> memref<125x64xf32, #tpu.memory_space<hbm>>
    tpu.wait_dma2 semaphore(%arg21 : memref<!tpu.dma_semaphore, #tpu.memory_space<semaphore_mem>>) src(%arg12 : memref<125x64xf32, #tpu.memory_space<vmem>>) dst(%dma_wait3A_26 : memref<125x64xf32, #tpu.memory_space<hbm>>)
    return
  }
}

module attributes {stable_mosaic.version = 14 : i64} {
  func.func @_mm_body(%arg0: i32, %arg1: memref<1000x128xf32, #tpu.memory_space<vmem>>, %arg2: memref<1000x128xf32, #tpu.memory_space<vmem>>, %arg3: memref<128x128xf32, #tpu.memory_space<vmem>>, %arg4: memref<128x128xf32, #tpu.memory_space<vmem>>, %arg5: memref<1x128xf32, #tpu.memory_space<vmem>>, %arg6: memref<128x128xf32, #tpu.memory_space<vmem>>, %arg7: memref<128x128xf32, #tpu.memory_space<vmem>>, %arg8: memref<2x1000x64xf32, #tpu.memory_space<vmem>>, %arg9: memref<2x1000x64xf32, #tpu.memory_space<vmem>>) attributes {dimension_semantics = [#tpu.dimension_semantics<arbitrary>], iteration_bounds = array<i64: 10>, scalar_prefetch = 0 : i64, scratch_operands = 0 : i64, tpu.core_type = #tpu.core_type<tc>, window_params = [{transform_indices = @transform_0, window_bounds = array<i64: 1000, 128>}, {transform_indices = @transform_1, window_bounds = array<i64: 1000, 128>}, {pipeline_mode = #tpu.pipeline_mode<synchronous>, transform_indices = @transform_2, window_bounds = array<i64: 128, 128>}, {pipeline_mode = #tpu.pipeline_mode<synchronous>, transform_indices = @transform_3, window_bounds = array<i64: 128, 128>}, {pipeline_mode = #tpu.pipeline_mode<synchronous>, transform_indices = @transform_4, window_bounds = array<i64: 1, 128>}, {pipeline_mode = #tpu.pipeline_mode<synchronous>, transform_indices = @transform_5, window_bounds = array<i64: 128, 128>}, {pipeline_mode = #tpu.pipeline_mode<synchronous>, transform_indices = @transform_6, window_bounds = array<i64: 128, 128>}, {transform_indices = @transform_7, window_bounds = array<i64: 2, 1000, 64>}, {transform_indices = @transform_8, window_bounds = array<i64: 2, 1000, 64>}]} {
    %get3A = arith.constant 0 : index
    %get3A_0 = arith.constant 0 : index
    %get3A_1 = vector.load %arg1[%get3A, %get3A_0] : memref<1000x128xf32, #tpu.memory_space<vmem>>, vector<1000x128xf32>
    %get3A_2 = arith.constant 0 : index
    %get3A_3 = arith.constant 0 : index
    %get3A_4 = vector.load %arg3[%get3A_2, %get3A_3] : memref<128x128xf32, #tpu.memory_space<vmem>>, vector<128x128xf32>
    %dot_general3A = arith.constant dense<0.000000e+00> : vector<1000x128xf32>
    %dot_general3A_5 = tpu.matmul %get3A_1, %get3A_4, %dot_general3A {dimension_numbers = #tpu.dot_dimension_numbers<[1], [0], [0], [1], [0, 0, 1, 1], [], []>, transpose_lhs_hint = false} : vector<1000x128xf32>, vector<128x128xf32>, vector<1000x128xf32> -> vector<1000x128xf32>
    %get3A_6 = arith.constant 0 : index
    %get3A_7 = arith.constant 0 : index
    %get3A_8 = vector.load %arg2[%get3A_6, %get3A_7] : memref<1000x128xf32, #tpu.memory_space<vmem>>, vector<1000x128xf32>
    %get3A_9 = arith.constant 0 : index
    %get3A_10 = arith.constant 0 : index
    %get3A_11 = vector.load %arg4[%get3A_9, %get3A_10] : memref<128x128xf32, #tpu.memory_space<vmem>>, vector<128x128xf32>
    %dot_general3A_12 = arith.constant dense<0.000000e+00> : vector<1000x128xf32>
    %dot_general3A_13 = tpu.matmul %get3A_8, %get3A_11, %dot_general3A_12 {dimension_numbers = #tpu.dot_dimension_numbers<[1], [0], [0], [1], [0, 0, 1, 1], [], []>, transpose_lhs_hint = false} : vector<1000x128xf32>, vector<128x128xf32>, vector<1000x128xf32> -> vector<1000x128xf32>
    %add3A = arith.addf %dot_general3A_5, %dot_general3A_13 : vector<1000x128xf32>
    %get3A_14 = arith.constant 0 : index
    %get3A_15 = arith.constant 0 : index
    %get3A_16 = vector.load %arg5[%get3A_14, %get3A_15] : memref<1x128xf32, #tpu.memory_space<vmem>>, vector<1x128xf32>
    %add3A_17 = vector.broadcast %get3A_16 : vector<1x128xf32> to vector<1000x128xf32>
    %add3A_18 = arith.addf %add3A, %add3A_17 : vector<1000x128xf32>
    %get3A_19 = arith.constant 0 : index
    %get3A_20 = arith.constant 0 : index
    %get3A_21 = vector.load %arg6[%get3A_19, %get3A_20] : memref<128x128xf32, #tpu.memory_space<vmem>>, vector<128x128xf32>
    %dot_general3A_22 = arith.constant dense<0.000000e+00> : vector<1000x128xf32>
    %dot_general3A_23 = tpu.matmul %add3A_18, %get3A_21, %dot_general3A_22 {dimension_numbers = #tpu.dot_dimension_numbers<[1], [0], [0], [1], [0, 0, 1, 1], [], []>, transpose_lhs_hint = false} : vector<1000x128xf32>, vector<128x128xf32>, vector<1000x128xf32> -> vector<1000x128xf32>
    %slice3A = vector.extract_strided_slice %dot_general3A_23 {offsets = [0, 0], sizes = [1000, 64], strides = [1, 1]} : vector<1000x128xf32> to vector<1000x64xf32>
    %slice3A_24 = vector.extract_strided_slice %dot_general3A_23 {offsets = [0, 64], sizes = [1000, 64], strides = [1, 1]} : vector<1000x128xf32> to vector<1000x64xf32>
    %stack3A = vector.shape_cast %slice3A : vector<1000x64xf32> to vector<1x1000x64xf32>
    %stack3A_25 = vector.shape_cast %slice3A_24 : vector<1000x64xf32> to vector<1x1000x64xf32>
    %stack3A_26 = tpu.concatenate %stack3A, %stack3A_25 in 0 : vector<1x1000x64xf32>, vector<1x1000x64xf32> -> vector<2x1000x64xf32>
    %swap3A = arith.constant 0 : index
    %swap3A_27 = arith.constant 0 : index
    %swap3A_28 = arith.constant 0 : index
    %swap3A_29 = vector.load %arg8[%swap3A, %swap3A_27, %swap3A_28] : memref<2x1000x64xf32, #tpu.memory_space<vmem>>, vector<2x1000x64xf32>
    tpu.vector_store %arg8[%swap3A, %swap3A_27, %swap3A_28], %stack3A_26 {strides = array<i32>} : memref<2x1000x64xf32, #tpu.memory_space<vmem>>, vector<2x1000x64xf32>,
    %get3A_30 = arith.constant 0 : index
    %get3A_31 = arith.constant 0 : index
    %get3A_32 = vector.load %arg7[%get3A_30, %get3A_31] : memref<128x128xf32, #tpu.memory_space<vmem>>, vector<128x128xf32>
    %dot_general3A_33 = arith.constant dense<0.000000e+00> : vector<1000x128xf32>
    %dot_general3A_34 = tpu.matmul %add3A_18, %get3A_32, %dot_general3A_33 {dimension_numbers = #tpu.dot_dimension_numbers<[1], [0], [0], [1], [0, 0, 1, 1], [], []>, transpose_lhs_hint = false} : vector<1000x128xf32>, vector<128x128xf32>, vector<1000x128xf32> -> vector<1000x128xf32>
    %slice3A_35 = vector.extract_strided_slice %dot_general3A_34 {offsets = [0, 0], sizes = [1000, 64], strides = [1, 1]} : vector<1000x128xf32> to vector<1000x64xf32>
    %slice3A_36 = vector.extract_strided_slice %dot_general3A_34 {offsets = [0, 64], sizes = [1000, 64], strides = [1, 1]} : vector<1000x128xf32> to vector<1000x64xf32>
    %stack3A_37 = vector.shape_cast %slice3A_35 : vector<1000x64xf32> to vector<1x1000x64xf32>
    %stack3A_38 = vector.shape_cast %slice3A_36 : vector<1000x64xf32> to vector<1x1000x64xf32>
    %stack3A_39 = tpu.concatenate %stack3A_37, %stack3A_38 in 0 : vector<1x1000x64xf32>, vector<1x1000x64xf32> -> vector<2x1000x64xf32>
    %swap3A_40 = arith.constant 0 : index
    %swap3A_41 = arith.constant 0 : index
    %swap3A_42 = arith.constant 0 : index
    %swap3A_43 = vector.load %arg9[%swap3A_40, %swap3A_41, %swap3A_42] : memref<2x1000x64xf32, #tpu.memory_space<vmem>>, vector<2x1000x64xf32>
    tpu.vector_store %arg9[%swap3A_40, %swap3A_41, %swap3A_42], %stack3A_39 {strides = array<i32>} : memref<2x1000x64xf32, #tpu.memory_space<vmem>>, vector<2x1000x64xf32>,
    return
  }
  func.func @transform_0(%arg0: i32) -> (i32, i32) {
    %c0_i32 = arith.constant 0 : i32
    %c0_i32_0 = arith.constant 0 : i32
    return %arg0, %c0_i32 : i32, i32
  }
  func.func @transform_1(%arg0: i32) -> (i32, i32) {
    %c0_i32 = arith.constant 0 : i32
    %c0_i32_0 = arith.constant 0 : i32
    return %arg0, %c0_i32 : i32, i32
  }
  func.func @transform_2(%arg0: i32) -> (i32, i32) {
    %c0_i32 = arith.constant 0 : i32
    %c0_i32_0 = arith.constant 0 : i32
    %c0_i32_1 = arith.constant 0 : i32
    return %c0_i32, %c0_i32_0 : i32, i32
  }
  func.func @transform_3(%arg0: i32) -> (i32, i32) {
    %c0_i32 = arith.constant 0 : i32
    %c0_i32_0 = arith.constant 0 : i32
    %c0_i32_1 = arith.constant 0 : i32
    return %c0_i32, %c0_i32_0 : i32, i32
  }
  func.func @transform_4(%arg0: i32) -> (i32, i32) {
    %c0_i32 = arith.constant 0 : i32
    %c0_i32_0 = arith.constant 0 : i32
    %c0_i32_1 = arith.constant 0 : i32
    return %c0_i32, %c0_i32_0 : i32, i32
  }
  func.func @transform_5(%arg0: i32) -> (i32, i32) {
    %c0_i32 = arith.constant 0 : i32
    %c0_i32_0 = arith.constant 0 : i32
    %c0_i32_1 = arith.constant 0 : i32
    return %c0_i32, %c0_i32_0 : i32, i32
  }
  func.func @transform_6(%arg0: i32) -> (i32, i32) {
    %c0_i32 = arith.constant 0 : i32
    %c0_i32_0 = arith.constant 0 : i32
    %c0_i32_1 = arith.constant 0 : i32
    return %c0_i32, %c0_i32_0 : i32, i32
  }
  func.func @transform_7(%arg0: i32) -> (i32, i32, i32) {
    %c0_i32 = arith.constant 0 : i32
    %c0_i32_0 = arith.constant 0 : i32
    %c0_i32_1 = arith.constant 0 : i32
    return %c0_i32, %arg0, %c0_i32_0 : i32, i32, i32
  }
  func.func @transform_8(%arg0: i32) -> (i32, i32, i32) {
    %c0_i32 = arith.constant 0 : i32
    %c0_i32_0 = arith.constant 0 : i32
    %c0_i32_1 = arith.constant 0 : i32
    return %c0_i32, %arg0, %c0_i32_0 : i32, i32, i32
  }
}

</mosaic_0001>

<sc_bundles>
// kernel: kernel.5.cloned.1.call-start
scs
__scs_entry_jumppad:
0x0: {  	(pc) =	sbr.rel $0x88, $3  }
0x1: {  	(tag) =	ssettag $0x0;
	lr =	simm.s32 $0x1  }
0x2: {  	[smem:$0x3F98] =	sst lr;
	_ =	strace $0xD0000000  }
0x3: {  	_ = 	snop  }
0x4: {  	_ = 	snop  }
0x5: {  	_ = 	snop  }
0x6: {  	_ = 	snop  }
0x7: {  	_ = 	snop  }
__scs_overlays_trampoline_lowered:
0x8: {  	[smem:$0x3FA7] =	sst s0  }
0x9: {  	[smem:$0x3FA8] =	sst s1  }
0xa: {  	[smem:$0x3FA9] =	sst s2  }
0xb: {  	[smem:$0x3FAA] =	sst s3  }
0xc: {  	[smem:$0x3FAB] =	sst s4  }
0xd: {  	[smem:$0x3FAC] =	sst s5  }
0xe: {  	[smem:$0x3FAD] =	sst s6  }
0xf: {  	[smem:$0x3FAE] =	sst s7  }
0x10: {  	[smem:$0x3FAF] =	sst s8  }
0x11: {  	[smem:$0x3FB0] =	sst s9;
	s0 =	simm.s32 @!p0 $0x0  }
0x12: {  	s1 =	sld [smem:$0x3F96];
	s0 =	simm.s32 @p0 $0x1  }
0x13: {  	[smem:$0x3FB1] =	sst s0;
	s0 =	simm.s32 @!p1 $0x0  }
0x14: {  	s2 =	sld [smem:$0x3F95];
	s0 =	simm.s32 @p1 $0x1  }
0x15: {  	[smem:$0x3FB2] =	sst s0;
	s0 =	simm.s32 @!p2 $0x0  }
0x16: {  	s3 =	sld [smem:$0x3FDB];
	s0 =	simm.s32 @p2 $0x1  }
0x17: {  	s4 =	simm.s32 $0x1BF5;
	[smem:$0x3FB4] =	sst s0  }
0x18: {  	s0 =	sld [smem:$0x3F97];
	_ =	swait.ge [sflag:s4], $0x0  }
0x19: {  	s7 =	sld [smem:$0x3F98]  }
0x1a: {  	s8 =	sadd.s32 $0xFFFFE003, lr  }
0x1b: {  	s9 =	sadd.s32 $0xFFFFFEF7, lr;
	s5 =	simm.s32 $0xFFFFFFFF;
	p2 =	slt.u32 s8, $0xFFFFF086  }
0x1c: {  	p1 =	slt.u32 s9, $0xF7A;
	s5 =	simm.s32 @!p2 $0x0  }
0x1d: {  	s5 =	simm.s32 @p1 $0x1;
	p0 =	seq.s32 s7, s2  }
0x1e: {  	s7 =	smul.u32 @!p0 $0xF7A, s2;
	p2 =	seq.s32 @!p0 s5, $0x0  }
0x1f: {  	s9 =	smul.u32 $0xF7A, s1;
	s8 =	simm.s32 @!p0 $0x1BF5;
	p2 =	por !p2, p0  }
0x20: {  	[sflag:s8] =	ssyncset.s32 @!p0 $0xFFFFF086;
	s6 =	sadd.s32 @!p0 s3, s7;
	s7 =	simm.s32 @!p0 $0x108  }
0x21: {  	s3 =	sadd.s32 s3, s9;
	s6 =	sadd.s32 @!p0 $0x88, s6;
	s7 =	simm.s32 @p2 $0x1082  }
0x22: {  	[simem:s7], [sflag:s8] =	dma.local @!p0 [hbm:s6], $0xF7A  }
0x23: {  	s9 =	sor.u32 $0xD0000000, s2;
	s6 =	simm.s32 $0x108;
	_ =	swait.ge @!p0 [sflag:s8], $0x0  }
0x24: {  	s3 =	sadd.s32 $0x88, s3;
	s6 =	simm.s32 @!p1 $0x1082;
	[sflag:s4] =	ssyncset.s32 $0xFFFFF086  }
0x25: {  	[simem:s6], [sflag:s4] =	dma.local [hbm:s3], $0xF7A  }
0x26: {  	[smem:$0x3F98] =	sst s1;
	(tag) =	ssettag s2;
	_ =	strace s9  }
0x27: {  	s1 =	sld [smem:$0x3FA8]  }
0x28: {  	s2 =	sld [smem:$0x3FA9]  }
0x29: {  	s4 =	sld [smem:$0x3FAB]  }
0x2a: {  	p0 =	seq.s32 s5, $0x0;
	s5 =	sld [smem:$0x3FAC]  }
0x2b: {  	s6 =	sld [smem:$0x3FAD]  }
0x2c: {  	s7 =	sld [smem:$0x3FAE]  }
0x2d: {  	s3 =	simm.s32 $0x108;
	s8 =	sld [smem:$0x3FAF]  }
0x2e: {  	s3 =	simm.s32 @!p0 $0x1082;
	s9 =	sld [smem:$0x3FB0]  }
0x2f: {  	lr =	sadd.s32 s0, s3;
	s0 =	sld [smem:$0x3FA7]  }
0x30: {  	s3 =	sld [smem:$0x3FAA]  }
0x31: {  	[smem:$0x3FB3] =	sst s10  }
0x32: {  	s10 =	sld [smem:$0x3FB1];
	_ =	sdelay $0x3  }
0x33: {  	p0 =	seq.s32 s10, $0x1;
	s10 =	sld [smem:$0x3FB3];
	_ =	sdelay $0x3  }
0x34: {  	[smem:$0x3FB3] =	sst s10  }
0x35: {  	s10 =	sld [smem:$0x3FB2];
	_ =	sdelay $0x3  }
0x36: {  	p1 =	seq.s32 s10, $0x1;
	s10 =	sld [smem:$0x3FB3];
	_ =	sdelay $0x3  }
0x37: {  	[smem:$0x3FB3] =	sst s10  }
0x38: {  	s10 =	sld [smem:$0x3FB4]  }
0x39: {  	_ = 	snop;
	(pc) =	sbr.ind lr, $3  }
0x3a: {  	_ = 	snop  }
0x3b: {  	_ = 	snop  }
0x3c: {  	p2 =	seq.s32 s10, $0x1;
	s10 =	sld [smem:$0x3FB3]  }
0x3d: {  	_ =	shalt  }
0x3e: {  	_ =	shalt  }
0x3f: {  	_ =	shalt  }
0x40: {  	_ =	shalt  }
0x41: {  	_ =	shalt  }
0x42: {  	_ =	shalt  }
0x43: {  	_ =	shalt  }
0x44: {  	_ =	shalt  }
0x45: {  	_ =	shalt  }
0x46: {  	_ =	shalt  }
0x47: {  	_ =	shalt  }
0x48: {  	_ =	shalt  }
0x49: {  	_ =	shalt  }
0x4a: {  	_ =	shalt  }
0x4b: {  	_ =	shalt  }
0x4c: {  	_ =	shalt  }
0x4d: {  	_ =	shalt  }
0x4e: {  	_ =	shalt  }
0x4f: {  	_ =	shalt  }
0x50: {  	_ =	shalt  }
0x51: {  	_ =	shalt  }
0x52: {  	_ =	shalt  }
0x53: {  	_ =	shalt  }
0x54: {  	_ =	shalt  }
0x55: {  	_ =	shalt  }
0x56: {  	_ =	shalt  }
0x57: {  	_ =	shalt  }
0x58: {  	_ =	shalt  }
0x59: {  	_ =	shalt  }
0x5a: {  	_ =	shalt  }
0x5b: {  	_ =	shalt  }
0x5c: {  	_ =	shalt  }
0x5d: {  	_ =	shalt  }
0x5e: {  	_ =	shalt  }
0x5f: {  	_ =	shalt  }
0x60: {  	_ =	shalt  }
0x61: {  	_ =	shalt  }
0x62: {  	_ =	shalt  }
0x63: {  	_ =	shalt  }
0x64: {  	_ =	shalt  }
0x65: {  	_ =	shalt  }
0x66: {  	_ =	shalt  }
0x67: {  	_ =	shalt  }
0x68: {  	_ =	shalt  }
0x69: {  	_ =	shalt  }
0x6a: {  	_ =	shalt  }
0x6b: {  	_ =	shalt  }
0x6c: {  	_ =	shalt  }
0x6d: {  	_ =	shalt  }
0x6e: {  	_ =	shalt  }
0x6f: {  	_ =	shalt  }
0x70: {  	_ =	shalt  }
0x71: {  	_ =	shalt  }
0x72: {  	_ =	shalt  }
0x73: {  	_ =	shalt  }
0x74: {  	_ =	shalt  }
0x75: {  	_ =	shalt  }
0x76: {  	_ =	shalt  }
0x77: {  	_ =	shalt  }
0x78: {  	_ =	shalt  }
0x79: {  	_ =	shalt  }
0x7a: {  	_ =	shalt  }
0x7b: {  	_ =	shalt  }
0x7c: {  	_ =	shalt  }
0x7d: {  	_ =	shalt  }
0x7e: {  	_ =	shalt  }
0x7f: {  	_ =	shalt  }
0x80: {  	_ =	shalt  }
0x81: {  	_ =	shalt  }
0x82: {  	_ =	shalt  }
0x83: {  	_ =	shalt  }
0x84: {  	_ =	shalt  }
0x85: {  	_ =	shalt  }
0x86: {  	_ =	shalt  }
0x87: {  	_ =	shalt  }
.Lfunc_end0:
.L_simem_size_0:
called_computation_lowered:
.L_overlay_start_0:
0x88: {  	s2 =	sld [smem:$0x3FD9]  }
0x89: {  	s3 =	sld [smem:$0x3FFE];
	_ =	sdelay $0x1  }
0x8a: {  	s1 =	srdreg.scid  }
0x8b: {  	s0 =	sand.u32 $0x1, s1  }
0x8c: {  	s14 =	sshll.u32 s0, $0xA;
	s2 =	sadd.s32 s3, s2  }
0x8d: {  	s2 =	sadd.s32 s2, s14  }
0x8e: {  	[smem:$0x3FBF] =	sst s2  }
0x8f: {  	_ = 	snop  }
0x90: {  	s2 =	sld [smem:$0x3FD0];
	_ =	sdelay $0x2  }
0x91: {  	s15 =	simm.s32 $0xA;
	s4 =	simm.s32 $0x10  }
0x92: {  	[smem:s4], [sflag:s15] =	dma.local [hbm:s2], $0x1  }
0x93: {  	_ =	swait.eq [sflag:s15], $0x1  }
0x94: {  	[sflag:s15] =	ssyncset.done $0x0  }
0x95: {  	s16 =	sld [smem:$0x10];
	[sflag:s15] =	ssyncadd.s32 $0xFFFFFFFF  }
0x96: {  	s17 =	sld [smem:$0x11];
	(tm) =	ssettm $0x1  }
0x97: {  	s18 =	sld [smem:$0x3FFB];
	_ =	sdelay $0x3  }
0x98: {  	_ =	strace s18  }
0x99: {  	s4 =	sld [smem:$0x3FFC];
	_ =	sdelay $0x3  }
0x9a: {  	_ =	strace s4  }
0x9b: {  	s4 =	sld [smem:$0x3FFD];
	_ =	sdelay $0x3  }
0x9c: {  	_ =	strace s4  }
0x9d: {  	_ =	strace $0x8FFFFFFF  }
0x9e: {  	s19 =	sld [smem:$0x3FDB];
	_ =	sdelay $0x1  }
0x9f: {  	s5 =	simm.s32 $_scs_section_size  }
0xa0: {  	s6 =	simm.s32 $_size__tile_overlayer_lowered;
	s7 =	simm.s32 $_tile_overlayer_lowered  }
0xa1: {  	s22 =	simm.s32 $0x1BFF;
	s21 =	sshll.u32 s7, $0x1;
	s4 =	sadd.s32 s5, s19  }
0xa2: {  	s8 =	simm.s32 $0x0;
	s20 =	sshll.u32 s6, $0x1;
	s6 =	sadd.s32 s21, s4  }
0xa3: {  	[timem:s8], [sflag:s22] =	dma.local [hbm:s6], s20  }
0xa4: {  	_ =	swait.ge [sflag:s22], s20  }
0xa5: {  	s5 =	ssub.s32 $0x0, s20;
	[sflag:s22] =	ssyncset.done $0x0  }
0xa6: {  	[sflag:s22] =	ssyncadd.s32 s5;
	_ =	sdelay $0x1  }
0xa7: {  	s23 =	simm.s32 $0x1B8B  }
0xa8: {  	_ =	swait.ge [sflag:s23], $0x1  }
0xa9: {  	[sflag:s23] =	ssyncset.done $0x0  }
0xaa: {  	s25 =	simm.s32 $0x1B8E;
	s24 =	sld [smem:$0x3FFE];
	[sflag:s23] =	ssyncadd.s32 $0xFFFFFFFF  }
0xab: {  	s26 =	simm.s32 $execute0_lowered;
	[smem:$0x3FD2] =	sst s25  }
0xac: {  	s6 =	sshll.u32 s26, $0x1;
	_ =	strace $0x80000046;
	[dreg:$0x1] =	wrdreg $0xFFFFFFFF  }
0xad: {  	s28 =	simm.s32 $_size_execute0_lowered;
	s4 =	sadd.s32 s4, s6;
	[dreg:$0x0] =	wrdreg $0x0  }
0xae: {  	s6 =	sshll.u32 s28, $0x1;
	[dreg:$0x2] =	wrdreg s4  }
0xaf: {  	[dreg:$0x3] =	wrdreg s6  }
0xb0: {  	[dreg:$0x4] =	wrdreg $0xC0  }
0xb1: {  	_ =	task [dreg:s8], $0x5FFFF  }
0xb2: {  	[dreg:$0x1] =	wrdreg $0xFFFFFFFF  }
0xb3: {  	[dreg:$0x0] =	wrdreg $0x60  }
0xb4: {  	[dreg:$0x2] =	wrdreg s16  }
0xb5: {  	[dreg:$0x3] =	wrdreg s17  }
0xb6: {  	[dreg:$0x4] =	wrdreg s24  }
0xb7: {  	[dreg:$0x5] =	wrdreg $0x160800  }
0xb8: {  	[dreg:$0x6] =	wrdreg $0xC4400  }
0xb9: {  	[dreg:$0x7] =	wrdreg $0x9  }
0xba: {  	_ =	task.clear_ibuf [dreg:s8], $0x8FFFF;
	_ =	strace $0x90000046  }
0xbb: {  	s29 =	simm.s32 $0x9;
	_ =	strace $0x80000048  }
0xbc: {  	_ =	swait.ge [sflag:s29], $0x1  }
0xbd: {  	[sflag:s29] =	ssyncadd.s32 $0xFFFFFFFF  }
0xbe: {  	_ =	strace $0x90000048  }
0xbf: {  	_ =	sfence  }
0xc0: {  	s30 =	sld [smem:$0x0];
	_ =	sdelay $0x2  }
0xc1: {  	s31 =	sshll.u32 s1, $0xD;
	s1 =	sshrl.u32 s1, $0x2  }
0xc2: {  	s3 =	sand.u32 $0x4000, s31;
	s1 =	sadd.s32 s1, s30  }
0xc3: {  	s0 =	sor.u32 s3, s0;
	s1 =	sshll.u32 s1, $0x11  }
0xc4: {  	s0 =	sor.u32 s1, s0  }
0xc5: {  	s0 =	sadd.s32 $0x8F2B, s0  }
0xc6: {  	[sflag:s0] =	ssyncadd.remote.s32 $0x1  }
0xc7: {  	_ =	sfence.sel $0xFFFF  }
0xc8: {  	[dreg:$0x0] =	wrdreg $0xFFFFFFFF;
	(pc) =	sbr.abs _section_cstart, $3  }
0xc9: {  	[dreg:$0x1] =	wrdreg $0xFFFFFFFF  }
0xca: {  	_ =	task.clear_ibuf [dreg:s8], $0x2FFFF;
	_ =	strace $0x9FFFFFFF  }
0xcb: {  	(tm) =	ssettm $0x7FFFFFFF  }
tec
execute0_lowered:
.L_overlay_start_1:
0x0: {  	(tag) =	ssettag $0x1  }
0x1: {  	s0 =	rddreg [dreg:$0x0]  }
0x2: {  	s1 =	rddreg [dreg:$0x1]  }
0x3: {  	s5 =	rddreg [dreg:$0x2]  }
0x4: {  	s2 =	rddreg [dreg:$0x3]  }
0x5: {  	s3 =	rddreg [dreg:$0x4]  }
0x6: {  	s8 =	stileid.u32;
	s6 =	srdreg.scid;
	s4 =	simm.s32 $0x0  }
0x7: {  	s30 =	simm.s32 $0x5;
	s31 =	simm.s32 $0x4E20;
	s7 =	smul.u32 $0x9C4, s8  }
0x8: {  	s6 =	sand.u32 $0x1, s6;
	[smem:$0x7FF] =	sst s4;
	s10 =	smul.u32 $0x9C40, s8  }
0x9: {  	s16 =	sshll.u32 s8, $0x6;
	s9 =	smul.u32 $0x13880, s6;
	_ =	strace $0x80000047  }
0xa: {  	s6 =	ssub.s32 $0x2, s6;
	s8 =	sor.u32 $0x1C05, s16;
	s7 =	sadd.s32 s7, s5  }
0xb: {  	s15 =	sshrl.u32 s6, $0x1;
	s19 =	sadd.s32 $0x1400, s10;
	s21 =	sadd.s32 $0x2800, s10  }
0xc: {  	s23 =	sadd.s32 $0x3C00, s10;
	s24 =	sadd.s32 $0x5000, s10;
	s25 =	sadd.s32 $0x6400, s10  }
0xd: {  	s26 =	sadd.s32 $0x7800, s10;
	s16 =	sadd.s32 s10, s3;
	s11 =	sadd.s32 s9, s5  }
0xe: {  	s12 =	ssub.s32 s6, s15;
	s1 =	sadd.s32 s1, s9;
	s5 =	sshrl.u32 s10, $0x3  }
0xf: {  	s6 =	sadd.s32 s10, s2;
	s0 =	sadd.s32 s0, s9;
	s17 =	sadd.s32 $0xB800, s7  }
0x10: {  	s18 =	sadd.s32 $0x1A00, s7;
	s20 =	sadd.s32 s19, s2;
	[dreg:$0x7] =	wrdreg s17  }
0x11: {  	s22 =	sadd.s32 s21, s2;
	s7 =	sshrl.u32 s21, $0x3;
	[dreg:$0x8] =	wrdreg s18  }
0x12: {  	s13 =	sadd.s32 s23, s2;
	s9 =	sshrl.u32 s23, $0x3;
	[dreg:$0x9] =	wrdreg s20  }
0x13: {  	s14 =	sadd.s32 s24, s2;
	s15 =	sadd.s32 s25, s2;
	[dreg:$0xa] =	wrdreg s22  }
0x14: {  	s10 =	sadd.s32 $0x8C00, s10;
	s21 =	sshrl.u32 s16, $0x3;
	[dreg:$0xb] =	wrdreg s13  }
0x15: {  	s1 =	sadd.s32 s5, s1;
	s11 =	sadd.s32 $0x15600, s11;
	[dreg:$0xc] =	wrdreg s14  }
0x16: {  	s13 =	sshrl.u32 s24, $0x3;
	[dreg:$0xd] =	wrdreg s15;
	s14 =	sshrl.u32 s25, $0x3  }
0x17: {  	s17 =	sadd.s32 s26, s2;
	s15 =	sshrl.u32 s26, $0x3;
	s18 =	sadd.s32 s10, s2  }
0x18: {  	s10 =	sshrl.u32 s10, $0x3;
	s20 =	sadd.s32 s5, s0;
	[dreg:$0x6] =	wrdreg s1  }
0x19: {  	s0 =	simm.s32 $0x50;
	s1 =	sshrl.u32 s19, $0x3;
	[dreg:$0xe] =	wrdreg s17  }
0x1a: {  	s19 =	smax.u32 s12, $0x1;
	s23 =	sadd.s32 s7, s11;
	s24 =	sadd.s32 s9, s11  }
0x1b: {  	s25 =	sadd.s32 s13, s11;
	s26 =	sadd.s32 s14, s11;
	s28 =	sadd.s32 s15, s11  }
0x1c: {  	s29 =	sadd.s32 s10, s11;
	s7 =	simm.s32 $0xB040;
	s9 =	simm.s32 $0x1  }
0x1d: {  	s10 =	simm.s32 $0x3;
	s12 =	simm.s32 $0x2;
	s13 =	simm.s32 $0x4  }
0x1e: {  	s14 =	simm.s32 $0x0;
	s22 =	sadd.s32 s1, s11;
	s1 =	simm.s32 $0x9C40  }
.LBB2_1:
0x1f: {  	s15 =	sshrl.u32 s6, $0x3;
	s16 =	rddreg [dreg:$0x6]  }
0x20: {  	[spmem:s15], [sflag:s8] =	dma.local [hbm:s16], $0x1388  }
0x21: {  	_ =	swait.ge [sflag:s30], $0x1388  }
0x22: {  	[sflag:s30] =	ssyncset.done $0x0  }
0x23: {  	[sflag:s30] =	ssyncadd.s32 $0xFFFFEC78  }
0x24: {  	[spmem:s21], [sflag:s8] =	dma.local [hbm:s20], $0x1388  }
0x25: {  	_ =	swait.ge [sflag:s30], $0x1388  }
0x26: {  	[sflag:s30] =	ssyncset.done $0x0  }
0x27: {  	s17 =	rddreg [dreg:$0x7];
	[sflag:s30] =	ssyncadd.s32 $0xFFFFEC78  }
0x28: {  	[tilespmem:s4], [sflag:$0x5] =	stream.linear.gather [hbm4b:s17+s4], $0x4E20, $0x38;
	[tilespmem:$0x1FCC0] =	vst v63  }
0x29: {  	_ =	swait.ge [sflag:s30], $0x4E20  }
0x2a: {  	[sflag:s30] =	ssyncset.done $0x0  }
0x2b: {  	s16 =	rddreg [dreg:$0x8];
	[sflag:s30] =	ssyncadd.s32 $0xFFFFB1E0  }
0x2c: {  	[tilespmem:s31], [sflag:$0x5] =	stream.linear.gather [hbm4b:s16+s4], $0x4E20, $0x38;
	[tilespmem:$0x1FCC0] =	vst v63  }
0x2d: {  	_ =	swait.ge [sflag:s30], $0x4E20  }
0x2e: {  	[sflag:s30] =	ssyncset.done $0x0  }
0x2f: {  	[sflag:s30] =	ssyncadd.s32 $0xFFFFB1E0  }
0x30: {  	[bflag:$0x0] =	sbarrier.arrive $0xFFFF  }
0x31: {  	[tilespmem:s1], [sflag:$0x1] =	stream.indirect.gather [spmem:s3], $0x40, s4, s0, $0xb8;
	[tilespmem:$0x1FCC0] =	vst v63  }
0x32: {  	_ = 	snop  }
0x33: {  	[tilespmem:s7], [sflag:$0x2] =	stream.indirect.gather [spmem:s3], $0x40, s0, s0, $0xb8;
	[tilespmem:$0x1FCC0] =	vst v63  }
0x34: {  	_ =	swait.ge [sflag:s9], $0x1400  }
0x35: {  	[sflag:s9] =	ssyncset.done $0x0  }
0x36: {  	[sflag:s9] =	ssyncadd.s32 $0xFFFFEC00  }
0x37: {  	[spmem:s2] =	stream.indirect.scatter.add.f32 [tilespmem:s1], [sflag:$0x3], $0x40, s31, s0, $0xb8;
	[tilespmem:$0x1FCC0] =	vst v63  }
0x38: {  	_ =	swait.ge [sflag:s10], $0x1400  }
0x39: {  	[sflag:s10] =	ssyncset.done $0x0  }
0x3a: {  	s17 =	simm.s32 $0xA0;
	[sflag:s10] =	ssyncadd.s32 $0xFFFFEC00  }
0x3b: {  	[tilespmem:s1], [sflag:$0x1] =	stream.indirect.gather [spmem:s3], $0x40, s17, s0, $0xb8;
	[tilespmem:$0x1FCC0] =	vst v63  }
0x3c: {  	_ =	swait.ge [sflag:s12], $0x1400  }
0x3d: {  	[sflag:s12] =	ssyncset.done $0x0  }
0x3e: {  	s16 =	simm.s32 $0x4E70;
	[sflag:s12] =	ssyncadd.s32 $0xFFFFEC00  }
0x3f: {  	[spmem:s2] =	stream.indirect.scatter.add.f32 [tilespmem:s7], [sflag:$0x4], $0x40, s16, s0, $0xb8;
	[tilespmem:$0x1FCC0] =	vst v63  }
0x40: {  	_ =	swait.ge [sflag:s13], $0x1400  }
0x41: {  	[sflag:s13] =	ssyncset.done $0x0  }
0x42: {  	s17 =	simm.s32 $0xF0;
	[sflag:s13] =	ssyncadd.s32 $0xFFFFEC00  }
0x43: {  	[tilespmem:s7], [sflag:$0x2] =	stream.indirect.gather [spmem:s3], $0x40, s17, s0, $0xb8;
	[tilespmem:$0x1FCC0] =	vst v63  }
0x44: {  	_ =	swait.ge [sflag:s9], $0x1400  }
0x45: {  	[sflag:s9] =	ssyncset.done $0x0  }
0x46: {  	s16 =	simm.s32 $0x4EC0;
	[sflag:s9] =	ssyncadd.s32 $0xFFFFEC00  }
0x47: {  	[spmem:s2] =	stream.indirect.scatter.add.f32 [tilespmem:s1], [sflag:$0x3], $0x40, s16, s0, $0xb8;
	[tilespmem:$0x1FCC0] =	vst v63  }
0x48: {  	_ =	swait.ge [sflag:s10], $0x1400  }
0x49: {  	[sflag:s10] =	ssyncset.done $0x0  }
0x4a: {  	s17 =	simm.s32 $0x140;
	[sflag:s10] =	ssyncadd.s32 $0xFFFFEC00  }
0x4b: {  	[tilespmem:s1], [sflag:$0x1] =	stream.indirect.gather [spmem:s3], $0x40, s17, s0, $0xb8;
	[tilespmem:$0x1FCC0] =	vst v63  }
0x4c: {  	_ =	swait.ge [sflag:s12], $0x1400  }
0x4d: {  	[sflag:s12] =	ssyncset.done $0x0  }
0x4e: {  	s15 =	simm.s32 $0xFFFECF00;
	s16 =	simm.s32 $0x4F10;
	[sflag:s12] =	ssyncadd.s32 $0xFFFFEC00  }
.LBB2_2:
0x4f: {  	[spmem:s2] =	stream.indirect.scatter.add.f32 [tilespmem:s7], [sflag:$0x4], $0x40, s16, s0, $0xb8;
	[tilespmem:$0x1FCC0] =	vst v63  }
0x50: {  	s16 =	smov.u32 s15;
	s15 =	sadd.s32 $0x280, s15;
	_ =	swait.ge [sflag:s13], $0x1400  }
0x51: {  	s16 =	sshra.s32 s16, $0x2;
	p0 =	sne.s32 s15, $0x0;
	[sflag:s13] =	ssyncset.done $0x0  }
0x52: {  	s17 =	sadd.s32 $0x4DD0, s16;
	[sflag:s13] =	ssyncadd.s32 $0xFFFFEC00  }
0x53: {  	[tilespmem:s7], [sflag:$0x2] =	stream.indirect.gather [spmem:s3], $0x40, s17, s0, $0xb8;
	[tilespmem:$0x1FCC0] =	vst v63  }
0x54: {  	_ =	swait.ge [sflag:s9], $0x1400  }
0x55: {  	[sflag:s9] =	ssyncset.done $0x0  }
0x56: {  	s17 =	sadd.s32 $0x9BA0, s16;
	[sflag:s9] =	ssyncadd.s32 $0xFFFFEC00  }
0x57: {  	[spmem:s2] =	stream.indirect.scatter.add.f32 [tilespmem:s1], [sflag:$0x3], $0x40, s17, s0, $0xb8;
	[tilespmem:$0x1FCC0] =	vst v63  }
0x58: {  	_ =	swait.ge [sflag:s10], $0x1400  }
0x59: {  	[sflag:s10] =	ssyncset.done $0x0  }
.Ltmp0:
0x5a: {  	s17 =	sadd.s32 $0x4E20, s16;
	[sflag:s10] =	ssyncadd.s32 $0xFFFFEC00;
	(pc) =	sbr.rel @p0 .LBB2_2-.Ltmp0, $4  }
0x5b: {  	[tilespmem:s1], [sflag:$0x1] =	stream.indirect.gather [spmem:s3], $0x40, s17, s0, $0xb8;
	[tilespmem:$0x1FCC0] =	vst v63  }
0x5c: {  	_ =	swait.ge [sflag:s12], $0x1400  }
0x5d: {  	[sflag:s12] =	ssyncset.done $0x0  }
0x5e: {  	s16 =	sadd.s32 $0x9BF0, s16;
	[sflag:s12] =	ssyncadd.s32 $0xFFFFEC00  }
0x5f: {  	[spmem:s2] =	stream.indirect.scatter.add.f32 [tilespmem:s7], [sflag:$0x4], $0x40, s16, s0, $0xb8;
	[tilespmem:$0x1FCC0] =	vst v63  }
0x60: {  	_ =	swait.ge [sflag:s13], $0x1400  }
0x61: {  	[sflag:s13] =	ssyncset.done $0x0  }
0x62: {  	s17 =	simm.s32 $0x4DD0;
	[sflag:s13] =	ssyncadd.s32 $0xFFFFEC00  }
0x63: {  	[tilespmem:s7], [sflag:$0x2] =	stream.indirect.gather [spmem:s3], $0x40, s17, s0, $0xb8;
	[tilespmem:$0x1FCC0] =	vst v63  }
0x64: {  	_ =	swait.ge [sflag:s9], $0x1400  }
0x65: {  	s15 =	sshra.s32 s15, $0x2;
	[sflag:s9] =	ssyncset.done $0x0  }
0x66: {  	s15 =	sadd.s32 $0x9BA0, s15;
	[sflag:s9] =	ssyncadd.s32 $0xFFFFEC00  }
0x67: {  	[spmem:s2] =	stream.indirect.scatter.add.f32 [tilespmem:s1], [sflag:$0x3], $0x40, s15, s0, $0xb8;
	[tilespmem:$0x1FCC0] =	vst v63  }
0x68: {  	_ =	swait.ge [sflag:s10], $0x1400  }
0x69: {  	[sflag:s10] =	ssyncset.done $0x0  }
0x6a: {  	[sflag:s10] =	ssyncadd.s32 $0xFFFFEC00  }
0x6b: {  	_ =	swait.ge [sflag:s12], $0x1400  }
0x6c: {  	[sflag:s12] =	ssyncset.done $0x0  }
0x6d: {  	s17 =	simm.s32 $0x9BF0;
	[sflag:s12] =	ssyncadd.s32 $0xFFFFEC00  }
0x6e: {  	[spmem:s2] =	stream.indirect.scatter.add.f32 [tilespmem:s7], [sflag:$0x4], $0x40, s17, s0, $0xb8;
	[tilespmem:$0x1FCC0] =	vst v63  }
0x6f: {  	_ =	swait.ge [sflag:s13], $0x1400  }
0x70: {  	[sflag:s13] =	ssyncset.done $0x0  }
0x71: {  	[sflag:s13] =	ssyncadd.s32 $0xFFFFEC00  }
0x72: {  	[bflag:$0x0] =	sbarrier.arrive $0xFFFF  }
0x73: {  	[tilespmem:s1], [sflag:$0x5] =	stream.linear.gather [spmem:s6], $0x1400, $0x38;
	[tilespmem:$0x1FCC0] =	vst v63  }
0x74: {  	_ =	swait.ge [sflag:s30], $0x1400  }
0x75: {  	[sflag:s30] =	ssyncset.done $0x0  }
0x76: {  	s15 =	simm.s32 $0x0;
	[sflag:s30] =	ssyncadd.s32 $0xFFFFEC00  }
0x77: {  	v2 =	vld [tilespmem:s15+$0x9C40]  }
0x78: {  	v1 =	vld [tilespmem:s15+$0x9C50]  }
0x79: {  	s16 =	simm.s32 $0x100;
	v0 =	vld [tilespmem:s15+$0x9C60]  }
.LBB2_4:
0x7a: {  	p0 =	sne.s32 s16, $0x4F00;
	v3 =	vld [tilespmem:s15+$0x9C70];
	_ =	sdelay $0x1  }
.Ltmp1:
0x7b: {  	v2 =	vmax.f32 v2, $0.0e+00;
	(pc) =	sbr.rel @p0 .LBB2_4-.Ltmp1, $4  }
0x7c: {  	s17 =	sshra.s32 s16, $0x2;
	[tilespmem:s15+$0x9C40] =	vst v2;
	v1 =	vmax.f32 v1, $0.0e+00  }
0x7d: {  	v2 =	vld [tilespmem:s17+$0x9C40];
	[tilespmem:s15+$0x9C50] =	vst v1;
	v0 =	vmax.f32 v0, $0.0e+00  }
0x7e: {  	v1 =	vld [tilespmem:s17+$0x9C50];
	[tilespmem:s15+$0x9C60] =	vst v0;
	v3 =	vmax.f32 v3, $0.0e+00  }
0x7f: {  	s16 =	sadd.s32 $0x100, s16;
	v0 =	vld [tilespmem:s17+$0x9C60];
	[tilespmem:s15+$0x9C70] =	vst v3;
	s15 =	smov.u32 s17  }
0x80: {  	v3 =	vld [tilespmem:s15+$0x9C70];
	_ =	sdelay $0x1  }
0x81: {  	v2 =	vmax.f32 v2, $0.0e+00  }
0x82: {  	[tilespmem:s15+$0x9C40] =	vst v2;
	v1 =	vmax.f32 v1, $0.0e+00  }
0x83: {  	[tilespmem:s15+$0x9C50] =	vst v1;
	v0 =	vmax.f32 v0, $0.0e+00  }
0x84: {  	[tilespmem:s15+$0x9C60] =	vst v0;
	v0 =	vmax.f32 v3, $0.0e+00  }
0x85: {  	s17 =	sadd.s32 s5, s11;
	s16 =	simm.s32 $0x0;
	[tilespmem:s15+$0x9C70] =	vst v0  }
0x86: {  	[hbm4b:s17+s16] =	stream.linear.scatter [tilespmem:s1], [sflag:$0x5], $0x1400, $0x38;
	[tilespmem:$0x1FCC0] =	vst v63  }
0x87: {  	_ =	swait.ge [sflag:s30], $0x1400  }
0x88: {  	[sflag:s30] =	ssyncset.done $0x0  }
0x89: {  	s17 =	rddreg [dreg:$0x9];
	[sflag:s30] =	ssyncadd.s32 $0xFFFFEC00  }
0x8a: {  	[tilespmem:s7], [sflag:$0x5] =	stream.linear.gather [spmem:s17], $0x1400, $0x38;
	[tilespmem:$0x1FCC0] =	vst v63  }
0x8b: {  	_ =	swait.ge [sflag:s30], $0x1400  }
0x8c: {  	[sflag:s30] =	ssyncset.done $0x0  }
0x8d: {  	s15 =	simm.s32 $0x0;
	[sflag:s30] =	ssyncadd.s32 $0xFFFFEC00  }
0x8e: {  	v2 =	vld [tilespmem:s15+$0xB040]  }
0x8f: {  	v1 =	vld [tilespmem:s15+$0xB050]  }
0x90: {  	s16 =	simm.s32 $0x100;
	v0 =	vld [tilespmem:s15+$0xB060]  }
.LBB2_6:
0x91: {  	p0 =	sne.s32 s16, $0x4F00;
	v3 =	vld [tilespmem:s15+$0xB070];
	_ =	sdelay $0x1  }
.Ltmp2:
0x92: {  	v2 =	vmax.f32 v2, $0.0e+00;
	(pc) =	sbr.rel @p0 .LBB2_6-.Ltmp2, $4  }
0x93: {  	s17 =	sshra.s32 s16, $0x2;
	[tilespmem:s15+$0xB040] =	vst v2;
	v1 =	vmax.f32 v1, $0.0e+00  }
0x94: {  	v2 =	vld [tilespmem:s17+$0xB040];
	[tilespmem:s15+$0xB050] =	vst v1;
	v0 =	vmax.f32 v0, $0.0e+00  }
0x95: {  	v1 =	vld [tilespmem:s17+$0xB050];
	[tilespmem:s15+$0xB060] =	vst v0;
	v3 =	vmax.f32 v3, $0.0e+00  }
0x96: {  	s16 =	sadd.s32 $0x100, s16;
	v0 =	vld [tilespmem:s17+$0xB060];
	[tilespmem:s15+$0xB070] =	vst v3;
	s15 =	smov.u32 s17  }
0x97: {  	v3 =	vld [tilespmem:s15+$0xB070];
	_ =	sdelay $0x1  }
0x98: {  	v2 =	vmax.f32 v2, $0.0e+00  }
0x99: {  	[tilespmem:s15+$0xB040] =	vst v2;
	v1 =	vmax.f32 v1, $0.0e+00  }
0x9a: {  	[tilespmem:s15+$0xB050] =	vst v1;
	v0 =	vmax.f32 v0, $0.0e+00  }
0x9b: {  	[tilespmem:s15+$0xB060] =	vst v0;
	v0 =	vmax.f32 v3, $0.0e+00  }
0x9c: {  	s16 =	simm.s32 $0x0;
	[tilespmem:s15+$0xB070] =	vst v0  }
0x9d: {  	[hbm4b:s22+s16] =	stream.linear.scatter [tilespmem:s7], [sflag:$0x5], $0x1400, $0x38;
	[tilespmem:$0x1FCC0] =	vst v63  }
0x9e: {  	_ =	swait.ge [sflag:s30], $0x1400  }
0x9f: {  	[sflag:s30] =	ssyncset.done $0x0  }
0xa0: {  	s17 =	rddreg [dreg:$0xa];
	[sflag:s30] =	ssyncadd.s32 $0xFFFFEC00  }
0xa1: {  	[tilespmem:s1], [sflag:$0x5] =	stream.linear.gather [spmem:s17], $0x1400, $0x38;
	[tilespmem:$0x1FCC0] =	vst v63  }
0xa2: {  	_ =	swait.ge [sflag:s30], $0x1400  }
0xa3: {  	[sflag:s30] =	ssyncset.done $0x0  }
0xa4: {  	s15 =	simm.s32 $0x0;
	[sflag:s30] =	ssyncadd.s32 $0xFFFFEC00  }
0xa5: {  	v2 =	vld [tilespmem:s15+$0x9C40]  }
0xa6: {  	v1 =	vld [tilespmem:s15+$0x9C50]  }
0xa7: {  	s16 =	simm.s32 $0x100;
	v0 =	vld [tilespmem:s15+$0x9C60]  }
.LBB2_8:
0xa8: {  	p0 =	sne.s32 s16, $0x4F00;
	v3 =	vld [tilespmem:s15+$0x9C70];
	_ =	sdelay $0x1  }
.Ltmp3:
0xa9: {  	v2 =	vmax.f32 v2, $0.0e+00;
	(pc) =	sbr.rel @p0 .LBB2_8-.Ltmp3, $4  }
0xaa: {  	s17 =	sshra.s32 s16, $0x2;
	[tilespmem:s15+$0x9C40] =	vst v2;
	v1 =	vmax.f32 v1, $0.0e+00  }
0xab: {  	v2 =	vld [tilespmem:s17+$0x9C40];
	[tilespmem:s15+$0x9C50] =	vst v1;
	v0 =	vmax.f32 v0, $0.0e+00  }
0xac: {  	v1 =	vld [tilespmem:s17+$0x9C50];
	[tilespmem:s15+$0x9C60] =	vst v0;
	v3 =	vmax.f32 v3, $0.0e+00  }
0xad: {  	s16 =	sadd.s32 $0x100, s16;
	v0 =	vld [tilespmem:s17+$0x9C60];
	[tilespmem:s15+$0x9C70] =	vst v3;
	s15 =	smov.u32 s17  }
0xae: {  	v3 =	vld [tilespmem:s15+$0x9C70];
	_ =	sdelay $0x1  }
0xaf: {  	v2 =	vmax.f32 v2, $0.0e+00  }
0xb0: {  	[tilespmem:s15+$0x9C40] =	vst v2;
	v1 =	vmax.f32 v1, $0.0e+00  }
0xb1: {  	[tilespmem:s15+$0x9C50] =	vst v1;
	v0 =	vmax.f32 v0, $0.0e+00  }
0xb2: {  	[tilespmem:s15+$0x9C60] =	vst v0;
	v0 =	vmax.f32 v3, $0.0e+00  }
0xb3: {  	s16 =	simm.s32 $0x0;
	[tilespmem:s15+$0x9C70] =	vst v0  }
0xb4: {  	[hbm4b:s23+s16] =	stream.linear.scatter [tilespmem:s1], [sflag:$0x5], $0x1400, $0x38;
	[tilespmem:$0x1FCC0] =	vst v63  }
0xb5: {  	_ =	swait.ge [sflag:s30], $0x1400  }
0xb6: {  	[sflag:s30] =	ssyncset.done $0x0  }
0xb7: {  	s17 =	rddreg [dreg:$0xb];
	[sflag:s30] =	ssyncadd.s32 $0xFFFFEC00  }
0xb8: {  	[tilespmem:s7], [sflag:$0x5] =	stream.linear.gather [spmem:s17], $0x1400, $0x38;
	[tilespmem:$0x1FCC0] =	vst v63  }
0xb9: {  	_ =	swait.ge [sflag:s30], $0x1400  }
0xba: {  	[sflag:s30] =	ssyncset.done $0x0  }
0xbb: {  	s15 =	simm.s32 $0x0;
	[sflag:s30] =	ssyncadd.s32 $0xFFFFEC00  }
0xbc: {  	v2 =	vld [tilespmem:s15+$0xB040]  }
0xbd: {  	v1 =	vld [tilespmem:s15+$0xB050]  }
0xbe: {  	s16 =	simm.s32 $0x100;
	v0 =	vld [tilespmem:s15+$0xB060]  }
.LBB2_10:
0xbf: {  	p0 =	sne.s32 s16, $0x4F00;
	v3 =	vld [tilespmem:s15+$0xB070];
	_ =	sdelay $0x1  }
.Ltmp4:
0xc0: {  	v2 =	vmax.f32 v2, $0.0e+00;
	(pc) =	sbr.rel @p0 .LBB2_10-.Ltmp4, $4  }
0xc1: {  	s17 =	sshra.s32 s16, $0x2;
	[tilespmem:s15+$0xB040] =	vst v2;
	v1 =	vmax.f32 v1, $0.0e+00  }
0xc2: {  	v2 =	vld [tilespmem:s17+$0xB040];
	[tilespmem:s15+$0xB050] =	vst v1;
	v0 =	vmax.f32 v0, $0.0e+00  }
0xc3: {  	v1 =	vld [tilespmem:s17+$0xB050];
	[tilespmem:s15+$0xB060] =	vst v0;
	v3 =	vmax.f32 v3, $0.0e+00  }
0xc4: {  	s16 =	sadd.s32 $0x100, s16;
	v0 =	vld [tilespmem:s17+$0xB060];
	[tilespmem:s15+$0xB070] =	vst v3;
	s15 =	smov.u32 s17  }
0xc5: {  	v3 =	vld [tilespmem:s15+$0xB070];
	_ =	sdelay $0x1  }
0xc6: {  	v2 =	vmax.f32 v2, $0.0e+00  }
0xc7: {  	[tilespmem:s15+$0xB040] =	vst v2;
	v1 =	vmax.f32 v1, $0.0e+00  }
0xc8: {  	[tilespmem:s15+$0xB050] =	vst v1;
	v0 =	vmax.f32 v0, $0.0e+00  }
0xc9: {  	[tilespmem:s15+$0xB060] =	vst v0;
	v0 =	vmax.f32 v3, $0.0e+00  }
0xca: {  	s16 =	simm.s32 $0x0;
	[tilespmem:s15+$0xB070] =	vst v0  }
0xcb: {  	[hbm4b:s24+s16] =	stream.linear.scatter [tilespmem:s7], [sflag:$0x5], $0x1400, $0x38;
	[tilespmem:$0x1FCC0] =	vst v63  }
0xcc: {  	_ =	swait.ge [sflag:s30], $0x1400  }
0xcd: {  	[sflag:s30] =	ssyncset.done $0x0  }
0xce: {  	s17 =	rddreg [dreg:$0xc];
	[sflag:s30] =	ssyncadd.s32 $0xFFFFEC00  }
0xcf: {  	[tilespmem:s1], [sflag:$0x5] =	stream.linear.gather [spmem:s17], $0x1400, $0x38;
	[tilespmem:$0x1FCC0] =	vst v63  }
0xd0: {  	_ =	swait.ge [sflag:s30], $0x1400  }
0xd1: {  	[sflag:s30] =	ssyncset.done $0x0  }
0xd2: {  	s15 =	simm.s32 $0x0;
	[sflag:s30] =	ssyncadd.s32 $0xFFFFEC00  }
0xd3: {  	v2 =	vld [tilespmem:s15+$0x9C40]  }
0xd4: {  	v1 =	vld [tilespmem:s15+$0x9C50]  }
0xd5: {  	s16 =	simm.s32 $0x100;
	v0 =	vld [tilespmem:s15+$0x9C60]  }
.LBB2_12:
0xd6: {  	p0 =	sne.s32 s16, $0x4F00;
	v3 =	vld [tilespmem:s15+$0x9C70];
	_ =	sdelay $0x1  }
.Ltmp5:
0xd7: {  	v2 =	vmax.f32 v2, $0.0e+00;
	(pc) =	sbr.rel @p0 .LBB2_12-.Ltmp5, $4  }
0xd8: {  	s17 =	sshra.s32 s16, $0x2;
	[tilespmem:s15+$0x9C40] =	vst v2;
	v1 =	vmax.f32 v1, $0.0e+00  }
0xd9: {  	v2 =	vld [tilespmem:s17+$0x9C40];
	[tilespmem:s15+$0x9C50] =	vst v1;
	v0 =	vmax.f32 v0, $0.0e+00  }
0xda: {  	v1 =	vld [tilespmem:s17+$0x9C50];
	[tilespmem:s15+$0x9C60] =	vst v0;
	v3 =	vmax.f32 v3, $0.0e+00  }
0xdb: {  	s16 =	sadd.s32 $0x100, s16;
	v0 =	vld [tilespmem:s17+$0x9C60];
	[tilespmem:s15+$0x9C70] =	vst v3;
	s15 =	smov.u32 s17  }
0xdc: {  	v3 =	vld [tilespmem:s15+$0x9C70];
	_ =	sdelay $0x1  }
0xdd: {  	v2 =	vmax.f32 v2, $0.0e+00  }
0xde: {  	[tilespmem:s15+$0x9C40] =	vst v2;
	v1 =	vmax.f32 v1, $0.0e+00  }
0xdf: {  	[tilespmem:s15+$0x9C50] =	vst v1;
	v0 =	vmax.f32 v0, $0.0e+00  }
0xe0: {  	[tilespmem:s15+$0x9C60] =	vst v0;
	v0 =	vmax.f32 v3, $0.0e+00  }
0xe1: {  	s16 =	simm.s32 $0x0;
	[tilespmem:s15+$0x9C70] =	vst v0  }
0xe2: {  	[hbm4b:s25+s16] =	stream.linear.scatter [tilespmem:s1], [sflag:$0x5], $0x1400, $0x38;
	[tilespmem:$0x1FCC0] =	vst v63  }
0xe3: {  	_ =	swait.ge [sflag:s30], $0x1400  }
0xe4: {  	[sflag:s30] =	ssyncset.done $0x0  }
0xe5: {  	s17 =	rddreg [dreg:$0xd];
	[sflag:s30] =	ssyncadd.s32 $0xFFFFEC00  }
0xe6: {  	[tilespmem:s7], [sflag:$0x5] =	stream.linear.gather [spmem:s17], $0x1400, $0x38;
	[tilespmem:$0x1FCC0] =	vst v63  }
0xe7: {  	_ =	swait.ge [sflag:s30], $0x1400  }
0xe8: {  	[sflag:s30] =	ssyncset.done $0x0  }
0xe9: {  	s15 =	simm.s32 $0x0;
	[sflag:s30] =	ssyncadd.s32 $0xFFFFEC00  }
0xea: {  	v2 =	vld [tilespmem:s15+$0xB040]  }
0xeb: {  	v1 =	vld [tilespmem:s15+$0xB050]  }
0xec: {  	s16 =	simm.s32 $0x100;
	v0 =	vld [tilespmem:s15+$0xB060]  }
.LBB2_14:
0xed: {  	p0 =	sne.s32 s16, $0x4F00;
	v3 =	vld [tilespmem:s15+$0xB070];
	_ =	sdelay $0x1  }
.Ltmp6:
0xee: {  	v2 =	vmax.f32 v2, $0.0e+00;
	(pc) =	sbr.rel @p0 .LBB2_14-.Ltmp6, $4  }
0xef: {  	s17 =	sshra.s32 s16, $0x2;
	[tilespmem:s15+$0xB040] =	vst v2;
	v1 =	vmax.f32 v1, $0.0e+00  }
0xf0: {  	v2 =	vld [tilespmem:s17+$0xB040];
	[tilespmem:s15+$0xB050] =	vst v1;
	v0 =	vmax.f32 v0, $0.0e+00  }
0xf1: {  	v1 =	vld [tilespmem:s17+$0xB050];
	[tilespmem:s15+$0xB060] =	vst v0;
	v3 =	vmax.f32 v3, $0.0e+00  }
0xf2: {  	s16 =	sadd.s32 $0x100, s16;
	v0 =	vld [tilespmem:s17+$0xB060];
	[tilespmem:s15+$0xB070] =	vst v3;
	s15 =	smov.u32 s17  }
0xf3: {  	v3 =	vld [tilespmem:s15+$0xB070];
	_ =	sdelay $0x1  }
0xf4: {  	v2 =	vmax.f32 v2, $0.0e+00  }
0xf5: {  	[tilespmem:s15+$0xB040] =	vst v2;
	v1 =	vmax.f32 v1, $0.0e+00  }
0xf6: {  	[tilespmem:s15+$0xB050] =	vst v1;
	v0 =	vmax.f32 v0, $0.0e+00  }
0xf7: {  	[tilespmem:s15+$0xB060] =	vst v0;
	v0 =	vmax.f32 v3, $0.0e+00  }
0xf8: {  	s16 =	simm.s32 $0x0;
	[tilespmem:s15+$0xB070] =	vst v0  }
0xf9: {  	[hbm4b:s26+s16] =	stream.linear.scatter [tilespmem:s7], [sflag:$0x5], $0x1400, $0x38;
	[tilespmem:$0x1FCC0] =	vst v63  }
0xfa: {  	_ =	swait.ge [sflag:s30], $0x1400  }
0xfb: {  	[sflag:s30] =	ssyncset.done $0x0  }
0xfc: {  	s17 =	rddreg [dreg:$0xe];
	[sflag:s30] =	ssyncadd.s32 $0xFFFFEC00  }
0xfd: {  	[tilespmem:s1], [sflag:$0x5] =	stream.linear.gather [spmem:s17], $0x1400, $0x38;
	[tilespmem:$0x1FCC0] =	vst v63  }
0xfe: {  	_ =	swait.ge [sflag:s30], $0x1400  }
0xff: {  	[sflag:s30] =	ssyncset.done $0x0  }
0x100: {  	s15 =	simm.s32 $0x0;
	[sflag:s30] =	ssyncadd.s32 $0xFFFFEC00  }
0x101: {  	v2 =	vld [tilespmem:s15+$0x9C40]  }
0x102: {  	v1 =	vld [tilespmem:s15+$0x9C50]  }
0x103: {  	s16 =	simm.s32 $0x100;
	v0 =	vld [tilespmem:s15+$0x9C60]  }
.LBB2_16:
0x104: {  	p0 =	sne.s32 s16, $0x4F00;
	v3 =	vld [tilespmem:s15+$0x9C70];
	_ =	sdelay $0x1  }
.Ltmp7:
0x105: {  	v2 =	vmax.f32 v2, $0.0e+00;
	(pc) =	sbr.rel @p0 .LBB2_16-.Ltmp7, $4  }
0x106: {  	s17 =	sshra.s32 s16, $0x2;
	[tilespmem:s15+$0x9C40] =	vst v2;
	v1 =	vmax.f32 v1, $0.0e+00  }
0x107: {  	v2 =	vld [tilespmem:s17+$0x9C40];
	[tilespmem:s15+$0x9C50] =	vst v1;
	v0 =	vmax.f32 v0, $0.0e+00  }
0x108: {  	v1 =	vld [tilespmem:s17+$0x9C50];
	[tilespmem:s15+$0x9C60] =	vst v0;
	v3 =	vmax.f32 v3, $0.0e+00  }
0x109: {  	s16 =	sadd.s32 $0x100, s16;
	v0 =	vld [tilespmem:s17+$0x9C60];
	[tilespmem:s15+$0x9C70] =	vst v3;
	s15 =	smov.u32 s17  }
0x10a: {  	v3 =	vld [tilespmem:s15+$0x9C70];
	_ =	sdelay $0x1  }
0x10b: {  	v2 =	vmax.f32 v2, $0.0e+00  }
0x10c: {  	[tilespmem:s15+$0x9C40] =	vst v2;
	v1 =	vmax.f32 v1, $0.0e+00  }
0x10d: {  	[tilespmem:s15+$0x9C50] =	vst v1;
	v0 =	vmax.f32 v0, $0.0e+00  }
0x10e: {  	[tilespmem:s15+$0x9C60] =	vst v0;
	v0 =	vmax.f32 v3, $0.0e+00  }
0x10f: {  	s17 =	simm.s32 $0x0;
	[tilespmem:s15+$0x9C70] =	vst v0  }
0x110: {  	[hbm4b:s28+s17] =	stream.linear.scatter [tilespmem:s1], [sflag:$0x5], $0x1400, $0x38;
	[tilespmem:$0x1FCC0] =	vst v63  }
0x111: {  	_ =	swait.ge [sflag:s30], $0x1400  }
0x112: {  	[sflag:s30] =	ssyncset.done $0x0  }
0x113: {  	[sflag:s30] =	ssyncadd.s32 $0xFFFFEC00  }
0x114: {  	[tilespmem:s7], [sflag:$0x5] =	stream.linear.gather [spmem:s18], $0x1040, $0x38;
	[tilespmem:$0x1FCC0] =	vst v63  }
0x115: {  	_ =	swait.ge [sflag:s30], $0x1040  }
0x116: {  	[sflag:s30] =	ssyncset.done $0x0  }
0x117: {  	s15 =	simm.s32 $0x0;
	[sflag:s30] =	ssyncadd.s32 $0xFFFFEFC0  }
0x118: {  	v2 =	vld [tilespmem:s15+$0xB040]  }
0x119: {  	v1 =	vld [tilespmem:s15+$0xB050]  }
0x11a: {  	s16 =	simm.s32 $0x100;
	v0 =	vld [tilespmem:s15+$0xB060]  }
.LBB2_18:
0x11b: {  	p0 =	sne.s32 s16, $0x4000;
	v3 =	vld [tilespmem:s15+$0xB070];
	_ =	sdelay $0x1  }
.Ltmp8:
0x11c: {  	v2 =	vmax.f32 v2, $0.0e+00;
	(pc) =	sbr.rel @p0 .LBB2_18-.Ltmp8, $4  }
0x11d: {  	s17 =	sshra.s32 s16, $0x2;
	[tilespmem:s15+$0xB040] =	vst v2;
	v1 =	vmax.f32 v1, $0.0e+00  }
0x11e: {  	v2 =	vld [tilespmem:s17+$0xB040];
	[tilespmem:s15+$0xB050] =	vst v1;
	v0 =	vmax.f32 v0, $0.0e+00  }
0x11f: {  	v1 =	vld [tilespmem:s17+$0xB050];
	[tilespmem:s15+$0xB060] =	vst v0;
	v3 =	vmax.f32 v3, $0.0e+00  }
0x120: {  	s16 =	sadd.s32 $0x100, s16;
	v0 =	vld [tilespmem:s17+$0xB060];
	[tilespmem:s15+$0xB070] =	vst v3;
	s15 =	smov.u32 s17  }
0x121: {  	v3 =	vld [tilespmem:s15+$0xB070];
	_ =	sdelay $0x1  }
0x122: {  	v2 =	vmax.f32 v2, $0.0e+00  }
0x123: {  	[tilespmem:s15+$0xB040] =	vst v2;
	v1 =	vmax.f32 v1, $0.0e+00  }
0x124: {  	s14 =	sadd.s32 $0x1, s14;
	[tilespmem:s15+$0xB050] =	vst v1;
	v0 =	vmax.f32 v0, $0.0e+00  }
0x125: {  	p0 =	sne.s32 s14, s19;
	[tilespmem:s15+$0xB060] =	vst v0;
	v63 =	vmax.f32 v3, $0.0e+00  }
.Ltmp9:
0x126: {  	[tilespmem:s15+$0xB070] =	vst v63;
	(pc) =	sbr.rel @p0 .LBB2_1-.Ltmp9, $4  }
0x127: {  	[hbm4b:s29+s4] =	stream.linear.scatter [tilespmem:s7], [sflag:$0x5], $0x1040, $0x38;
	[tilespmem:$0x1FCC0] =	vst v63  }
0x128: {  	_ =	swait.ge [sflag:s30], $0x1040  }
0x129: {  	[sflag:s30] =	ssyncset.done $0x0  }
0x12a: {  	[sflag:s30] =	ssyncadd.s32 $0xFFFFEFC0  }
0x12b: {  	_ =	sfence.sel $0x180000  }
0x12c: {  	[bflag:$0x0] =	sbarrier.arrive $0xFFFF  }
0x12d: {  	_ =	strace $0x90000047  }
0x12e: {  	s0 =	stileid.u32;
	[bflag:$0x2] =	sbarrier.arrive $0xFFFF  }
0x12f: {  	p0 =	sne.s32 s0, $0x0;
	s0 =	rddreg [dreg:$0x5]  }
0x130: {  	s0 =	sadd.s32 @!p0 $0x100000, s0  }
0x131: {  	[sflag:s0] =	ssyncadd.tile.s32 @!p0 $0x1;
	_ =	shalt  }
.Lfunc_end2:
_tile_overlayer_lowered:
.L_overlay_start_2:
0x132: {  	(tag) =	ssettag $0x2  }
0x133: {  	s0 =	rddreg [dreg:$0x0];
	s2 =	stileid.u32  }
0x134: {  	s1 =	rddreg [dreg:$0x1];
	p0 =	sne.s32 s2, $0x0  }
0x135: {  	s3 =	rddreg [dreg:$0x2];
	[bflag:$0x3] =	sbarrier.arrive $0xFFFF;
	s2 =	simm.s32 @!p0 $0x1C05  }
0x136: {  	[timem:s3], [sflag:s2] =	dma.local @!p0 [hbm:s0], s1  }
0x137: {  	s0 =	simm.s32 @!p0 $0x5  }
0x138: {  	_ =	swait.ge @!p0 [sflag:s0], s1  }
0x139: {  	s1 =	ssub.s32 @!p0 $0x0, s1;
	[sflag:s0] =	ssyncset.done @!p0 $0x0  }
0x13a: {  	[sflag:s0] =	ssyncadd.s32 @!p0 s1  }
0x13b: {  	[bflag:$0x3] =	sbarrier.arrive $0xFFFF  }
0x13c: {  	_ =	shalt  }

// kernel: kernel.8.cloned.1.call-start
scs
__scs_entry_jumppad:
0x0: {  	(pc) =	sbr.rel $0x88, $3  }
0x1: {  	(tag) =	ssettag $0x0;
	lr =	simm.s32 $0x1  }
0x2: {  	[smem:$0x3F98] =	sst lr;
	_ =	strace $0xD0000000  }
0x3: {  	_ = 	snop  }
0x4: {  	_ = 	snop  }
0x5: {  	_ = 	snop  }
0x6: {  	_ = 	snop  }
0x7: {  	_ = 	snop  }
__scs_overlays_trampoline_lowered:
0x8: {  	[smem:$0x3FA7] =	sst s0  }
0x9: {  	[smem:$0x3FA8] =	sst s1  }
0xa: {  	[smem:$0x3FA9] =	sst s2  }
0xb: {  	[smem:$0x3FAA] =	sst s3  }
0xc: {  	[smem:$0x3FAB] =	sst s4  }
0xd: {  	[smem:$0x3FAC] =	sst s5  }
0xe: {  	[smem:$0x3FAD] =	sst s6  }
0xf: {  	[smem:$0x3FAE] =	sst s7  }
0x10: {  	[smem:$0x3FAF] =	sst s8  }
0x11: {  	[smem:$0x3FB0] =	sst s9;
	s0 =	simm.s32 @!p0 $0x0  }
0x12: {  	s1 =	sld [smem:$0x3F96];
	s0 =	simm.s32 @p0 $0x1  }
0x13: {  	[smem:$0x3FB1] =	sst s0;
	s0 =	simm.s32 @!p1 $0x0  }
0x14: {  	s2 =	sld [smem:$0x3F95];
	s0 =	simm.s32 @p1 $0x1  }
0x15: {  	[smem:$0x3FB2] =	sst s0;
	s0 =	simm.s32 @!p2 $0x0  }
0x16: {  	s3 =	sld [smem:$0x3FDB];
	s0 =	simm.s32 @p2 $0x1  }
0x17: {  	s4 =	simm.s32 $0x1BF5;
	[smem:$0x3FB4] =	sst s0  }
0x18: {  	s0 =	sld [smem:$0x3F97];
	_ =	swait.ge [sflag:s4], $0x0  }
0x19: {  	s7 =	sld [smem:$0x3F98]  }
0x1a: {  	s8 =	sadd.s32 $0xFFFFE003, lr  }
0x1b: {  	s9 =	sadd.s32 $0xFFFFFEF7, lr;
	s5 =	simm.s32 $0xFFFFFFFF;
	p2 =	slt.u32 s8, $0xFFFFF086  }
0x1c: {  	p1 =	slt.u32 s9, $0xF7A;
	s5 =	simm.s32 @!p2 $0x0  }
0x1d: {  	s5 =	simm.s32 @p1 $0x1;
	p0 =	seq.s32 s7, s2  }
0x1e: {  	s7 =	smul.u32 @!p0 $0xF7A, s2;
	p2 =	seq.s32 @!p0 s5, $0x0  }
0x1f: {  	s9 =	smul.u32 $0xF7A, s1;
	s8 =	simm.s32 @!p0 $0x1BF5;
	p2 =	por !p2, p0  }
0x20: {  	[sflag:s8] =	ssyncset.s32 @!p0 $0xFFFFF086;
	s6 =	sadd.s32 @!p0 s3, s7;
	s7 =	simm.s32 @!p0 $0x108  }
0x21: {  	s3 =	sadd.s32 s3, s9;
	s6 =	sadd.s32 @!p0 $0x88, s6;
	s7 =	simm.s32 @p2 $0x1082  }
0x22: {  	[simem:s7], [sflag:s8] =	dma.local @!p0 [hbm:s6], $0xF7A  }
0x23: {  	s9 =	sor.u32 $0xD0000000, s2;
	s6 =	simm.s32 $0x108;
	_ =	swait.ge @!p0 [sflag:s8], $0x0  }
0x24: {  	s3 =	sadd.s32 $0x88, s3;
	s6 =	simm.s32 @!p1 $0x1082;
	[sflag:s4] =	ssyncset.s32 $0xFFFFF086  }
0x25: {  	[simem:s6], [sflag:s4] =	dma.local [hbm:s3], $0xF7A  }
0x26: {  	[smem:$0x3F98] =	sst s1;
	(tag) =	ssettag s2;
	_ =	strace s9  }
0x27: {  	s1 =	sld [smem:$0x3FA8]  }
0x28: {  	s2 =	sld [smem:$0x3FA9]  }
0x29: {  	s4 =	sld [smem:$0x3FAB]  }
0x2a: {  	p0 =	seq.s32 s5, $0x0;
	s5 =	sld [smem:$0x3FAC]  }
0x2b: {  	s6 =	sld [smem:$0x3FAD]  }
0x2c: {  	s7 =	sld [smem:$0x3FAE]  }
0x2d: {  	s3 =	simm.s32 $0x108;
	s8 =	sld [smem:$0x3FAF]  }
0x2e: {  	s3 =	simm.s32 @!p0 $0x1082;
	s9 =	sld [smem:$0x3FB0]  }
0x2f: {  	lr =	sadd.s32 s0, s3;
	s0 =	sld [smem:$0x3FA7]  }
0x30: {  	s3 =	sld [smem:$0x3FAA]  }
0x31: {  	[smem:$0x3FB3] =	sst s10  }
0x32: {  	s10 =	sld [smem:$0x3FB1];
	_ =	sdelay $0x3  }
0x33: {  	p0 =	seq.s32 s10, $0x1;
	s10 =	sld [smem:$0x3FB3];
	_ =	sdelay $0x3  }
0x34: {  	[smem:$0x3FB3] =	sst s10  }
0x35: {  	s10 =	sld [smem:$0x3FB2];
	_ =	sdelay $0x3  }
0x36: {  	p1 =	seq.s32 s10, $0x1;
	s10 =	sld [smem:$0x3FB3];
	_ =	sdelay $0x3  }
0x37: {  	[smem:$0x3FB3] =	sst s10  }
0x38: {  	s10 =	sld [smem:$0x3FB4]  }
0x39: {  	_ = 	snop;
	(pc) =	sbr.ind lr, $3  }
0x3a: {  	_ = 	snop  }
0x3b: {  	_ = 	snop  }
0x3c: {  	p2 =	seq.s32 s10, $0x1;
	s10 =	sld [smem:$0x3FB3]  }
0x3d: {  	_ =	shalt  }
0x3e: {  	_ =	shalt  }
0x3f: {  	_ =	shalt  }
0x40: {  	_ =	shalt  }
0x41: {  	_ =	shalt  }
0x42: {  	_ =	shalt  }
0x43: {  	_ =	shalt  }
0x44: {  	_ =	shalt  }
0x45: {  	_ =	shalt  }
0x46: {  	_ =	shalt  }
0x47: {  	_ =	shalt  }
0x48: {  	_ =	shalt  }
0x49: {  	_ =	shalt  }
0x4a: {  	_ =	shalt  }
0x4b: {  	_ =	shalt  }
0x4c: {  	_ =	shalt  }
0x4d: {  	_ =	shalt  }
0x4e: {  	_ =	shalt  }
0x4f: {  	_ =	shalt  }
0x50: {  	_ =	shalt  }
0x51: {  	_ =	shalt  }
0x52: {  	_ =	shalt  }
0x53: {  	_ =	shalt  }
0x54: {  	_ =	shalt  }
0x55: {  	_ =	shalt  }
0x56: {  	_ =	shalt  }
0x57: {  	_ =	shalt  }
0x58: {  	_ =	shalt  }
0x59: {  	_ =	shalt  }
0x5a: {  	_ =	shalt  }
0x5b: {  	_ =	shalt  }
0x5c: {  	_ =	shalt  }
0x5d: {  	_ =	shalt  }
0x5e: {  	_ =	shalt  }
0x5f: {  	_ =	shalt  }
0x60: {  	_ =	shalt  }
0x61: {  	_ =	shalt  }
0x62: {  	_ =	shalt  }
0x63: {  	_ =	shalt  }
0x64: {  	_ =	shalt  }
0x65: {  	_ =	shalt  }
0x66: {  	_ =	shalt  }
0x67: {  	_ =	shalt  }
0x68: {  	_ =	shalt  }
0x69: {  	_ =	shalt  }
0x6a: {  	_ =	shalt  }
0x6b: {  	_ =	shalt  }
0x6c: {  	_ =	shalt  }
0x6d: {  	_ =	shalt  }
0x6e: {  	_ =	shalt  }
0x6f: {  	_ =	shalt  }
0x70: {  	_ =	shalt  }
0x71: {  	_ =	shalt  }
0x72: {  	_ =	shalt  }
0x73: {  	_ =	shalt  }
0x74: {  	_ =	shalt  }
0x75: {  	_ =	shalt  }
0x76: {  	_ =	shalt  }
0x77: {  	_ =	shalt  }
0x78: {  	_ =	shalt  }
0x79: {  	_ =	shalt  }
0x7a: {  	_ =	shalt  }
0x7b: {  	_ =	shalt  }
0x7c: {  	_ =	shalt  }
0x7d: {  	_ =	shalt  }
0x7e: {  	_ =	shalt  }
0x7f: {  	_ =	shalt  }
0x80: {  	_ =	shalt  }
0x81: {  	_ =	shalt  }
0x82: {  	_ =	shalt  }
0x83: {  	_ =	shalt  }
0x84: {  	_ =	shalt  }
0x85: {  	_ =	shalt  }
0x86: {  	_ =	shalt  }
0x87: {  	_ =	shalt  }
.Lfunc_end0:
.L_simem_size_0:
called_computation.1_lowered:
.L_overlay_start_0:
0x88: {  	s2 =	sld [smem:$0x3FD9]  }
0x89: {  	s3 =	sld [smem:$0x3FFE];
	_ =	sdelay $0x1  }
0x8a: {  	s1 =	srdreg.scid  }
0x8b: {  	s0 =	sand.u32 $0x1, s1  }
0x8c: {  	s14 =	sshll.u32 s0, $0xA;
	s2 =	sadd.s32 s3, s2  }
0x8d: {  	s2 =	sadd.s32 s2, s14  }
0x8e: {  	[smem:$0x3FBF] =	sst s2  }
0x8f: {  	_ = 	snop  }
0x90: {  	s2 =	sld [smem:$0x3FD0];
	_ =	sdelay $0x2  }
0x91: {  	s15 =	simm.s32 $0xA;
	s4 =	simm.s32 $0x10  }
0x92: {  	[smem:s4], [sflag:s15] =	dma.local [hbm:s2], $0x1  }
0x93: {  	_ =	swait.eq [sflag:s15], $0x1  }
0x94: {  	[sflag:s15] =	ssyncset.done $0x0  }
0x95: {  	s16 =	sld [smem:$0x10];
	[sflag:s15] =	ssyncadd.s32 $0xFFFFFFFF  }
0x96: {  	s17 =	sld [smem:$0x11];
	(tm) =	ssettm $0x1  }
0x97: {  	s18 =	sld [smem:$0x3FFB];
	_ =	sdelay $0x3  }
0x98: {  	_ =	strace s18  }
0x99: {  	s4 =	sld [smem:$0x3FFC];
	_ =	sdelay $0x3  }
0x9a: {  	_ =	strace s4  }
0x9b: {  	s4 =	sld [smem:$0x3FFD];
	_ =	sdelay $0x3  }
0x9c: {  	_ =	strace s4  }
0x9d: {  	_ =	strace $0x8FFFFFFF  }
0x9e: {  	s19 =	sld [smem:$0x3FDB];
	_ =	sdelay $0x1  }
0x9f: {  	s5 =	simm.s32 $_scs_section_size  }
0xa0: {  	s6 =	simm.s32 $_size__tile_overlayer_lowered;
	s7 =	simm.s32 $_tile_overlayer_lowered  }
0xa1: {  	s22 =	simm.s32 $0x1BFF;
	s21 =	sshll.u32 s7, $0x1;
	s4 =	sadd.s32 s5, s19  }
0xa2: {  	s8 =	simm.s32 $0x0;
	s20 =	sshll.u32 s6, $0x1;
	s6 =	sadd.s32 s21, s4  }
0xa3: {  	[timem:s8], [sflag:s22] =	dma.local [hbm:s6], s20  }
0xa4: {  	_ =	swait.ge [sflag:s22], s20  }
0xa5: {  	s5 =	ssub.s32 $0x0, s20;
	[sflag:s22] =	ssyncset.done $0x0  }
0xa6: {  	[sflag:s22] =	ssyncadd.s32 s5;
	_ =	sdelay $0x1  }
0xa7: {  	s23 =	simm.s32 $0x1B8B  }
0xa8: {  	_ =	swait.ge [sflag:s23], $0x1  }
0xa9: {  	[sflag:s23] =	ssyncset.done $0x0  }
0xaa: {  	s25 =	simm.s32 $0x1B8E;
	s24 =	sld [smem:$0x3FFE];
	[sflag:s23] =	ssyncadd.s32 $0xFFFFFFFF  }
0xab: {  	s26 =	simm.s32 $execute0_lowered;
	[smem:$0x3FD2] =	sst s25  }
0xac: {  	s6 =	sshll.u32 s26, $0x1;
	_ =	strace $0x80000049;
	[dreg:$0x1] =	wrdreg $0xFFFFFFFF  }
0xad: {  	s28 =	simm.s32 $_size_execute0_lowered;
	s4 =	sadd.s32 s4, s6;
	[dreg:$0x0] =	wrdreg $0x0  }
0xae: {  	s6 =	sshll.u32 s28, $0x1;
	[dreg:$0x2] =	wrdreg s4  }
0xaf: {  	[dreg:$0x3] =	wrdreg s6  }
0xb0: {  	[dreg:$0x4] =	wrdreg $0xC0  }
0xb1: {  	_ =	task [dreg:s8], $0x5FFFF  }
0xb2: {  	[dreg:$0x1] =	wrdreg $0xFFFFFFFF  }
0xb3: {  	[dreg:$0x0] =	wrdreg $0x60  }
0xb4: {  	[dreg:$0x2] =	wrdreg s24  }
0xb5: {  	[dreg:$0x3] =	wrdreg s16  }
0xb6: {  	[dreg:$0x4] =	wrdreg s17  }
0xb7: {  	[dreg:$0x5] =	wrdreg $0x11D000  }
0xb8: {  	[dreg:$0x6] =	wrdreg $0x9  }
0xb9: {  	_ =	task.clear_ibuf [dreg:s8], $0x7FFFF;
	_ =	strace $0x90000049  }
0xba: {  	s29 =	simm.s32 $0x9;
	_ =	strace $0x8000004B  }
0xbb: {  	_ =	swait.ge [sflag:s29], $0x1  }
0xbc: {  	[sflag:s29] =	ssyncadd.s32 $0xFFFFFFFF  }
0xbd: {  	_ =	strace $0x9000004B  }
0xbe: {  	_ =	sfence  }
0xbf: {  	s30 =	sld [smem:$0x0];
	_ =	sdelay $0x2  }
0xc0: {  	s31 =	sshll.u32 s1, $0xD;
	s1 =	sshrl.u32 s1, $0x2  }
0xc1: {  	s3 =	sand.u32 $0x4000, s31;
	s1 =	sadd.s32 s1, s30  }
0xc2: {  	s0 =	sor.u32 s3, s0;
	s1 =	sshll.u32 s1, $0x11  }
0xc3: {  	s0 =	sor.u32 s1, s0  }
0xc4: {  	s0 =	sadd.s32 $0x8F2B, s0  }
0xc5: {  	[sflag:s0] =	ssyncadd.remote.s32 $0x1  }
0xc6: {  	_ =	sfence.sel $0xFFFF  }
0xc7: {  	[dreg:$0x0] =	wrdreg $0xFFFFFFFF;
	(pc) =	sbr.abs _section_cstart, $3  }
0xc8: {  	[dreg:$0x1] =	wrdreg $0xFFFFFFFF  }
0xc9: {  	_ =	task.clear_ibuf [dreg:s8], $0x2FFFF;
	_ =	strace $0x9FFFFFFF  }
0xca: {  	(tm) =	ssettm $0x7FFFFFFF  }
0xcb: {  	_ =	shalt  }
tec
execute0_lowered:
.L_overlay_start_1:
0x0: {  	(tag) =	ssettag $0x1  }
0x1: {  	s0 =	rddreg [dreg:$0x0]  }
0x2: {  	s2 =	rddreg [dreg:$0x2]  }
0x3: {  	s3 =	rddreg [dreg:$0x3];
	s4 =	srdreg.scid  }
0x4: {  	s5 =	simm.s32 $0x0;
	s1 =	stileid.u32;
	s14 =	simm.s32 $0x9  }
0x5: {  	s28 =	simm.s32 $0x4;
	s29 =	simm.s32 $0x6;
	s7 =	smul.u32 $0xA00, s1  }
0x6: {  	s30 =	simm.s32 $0x8;
	s31 =	simm.s32 $0x0;
	s10 =	smul.u32 $0x9C40, s1  }
0x7: {  	s4 =	sand.u32 $0x1, s4;
	[smem:$0x7FF] =	sst s5;
	s19 =	smul.u32 $0x271000, s1  }
0x8: {  	s20 =	sshll.u32 s1, $0x6;
	s6 =	smul.u32 $0x13880, s4;
	s8 =	ssub.s32 $0x2, s4  }
0x9: {  	_ =	strace $0x8000004A;
	s4 =	sshll.u32 s4, $0x6;
	s22 =	sor.u32 $0x1C09, s20  }
0xa: {  	s20 =	simm.s32 $0xFDC0;
	s9 =	sshrl.u32 s8, $0x1;
	s17 =	sadd.s32 s10, s3  }
0xb: {  	s18 =	sshrl.u32 s10, $0x3;
	[dreg:$0x6] =	wrdreg s22;
	s4 =	sor.u32 s4, s19  }
0xc: {  	s19 =	simm.s32 $0xBF40;
	s22 =	simm.s32 $0x40;
	s6 =	sadd.s32 s6, s0  }
0xd: {  	s0 =	sadd.s32 s7, s0;
	s16 =	ssub.s32 s8, s9;
	s24 =	sadd.s32 $0x3E80, s4  }
0xe: {  	s11 =	sshrl.u32 s4, $0x3;
	s26 =	sshrl.u32 s17, $0x3;
	s17 =	simm.s32 $0xA000  }
0xf: {  	s6 =	sadd.s32 s18, s6;
	s23 =	sadd.s32 $0x46800, s0;
	s0 =	sadd.s32 $0x3C800, s0  }
0x10: {  	s25 =	smax.u32 s16, $0x1;
	s12 =	sshrl.u32 s24, $0x3;
	[dreg:$0xa] =	wrdreg s26  }
0x11: {  	s16 =	simm.s32 $0x7D;
	s18 =	simm.s32 $0xDE80;
	[dreg:$0x7] =	wrdreg s23  }
0x12: {  	s24 =	simm.s32 $0x3;
	s26 =	simm.s32 $0x2;
	[dreg:$0x8] =	wrdreg s0  }
0x13: {  	s21 =	sadd.s32 $0x15600, s6;
	[dreg:$0x9] =	wrdreg s25;
	s23 =	simm.s32 $0x80  }
0x14: {  	s25 =	simm.s32 $0x5;
	[dreg:$0x5] =	wrdreg s21;
	s21 =	simm.s32 $0x1  }
.LBB2_1:
0x15: {  	s0 =	rddreg [dreg:$0x5]  }
0x16: {  	s1 =	rddreg [dreg:$0x6]  }
0x17: {  	s4 =	rddreg [dreg:$0xa]  }
0x18: {  	[spmem:s4], [sflag:s1] =	dma.local [hbm:s0], $0x1388  }
0x19: {  	_ =	swait.ge [sflag:s14], $0x1388  }
0x1a: {  	[sflag:s14] =	ssyncset.done $0x0  }
0x1b: {  	s1 =	rddreg [dreg:$0x7];
	[sflag:s14] =	ssyncadd.s32 $0xFFFFEC78  }
0x1c: {  	[tilespmem:s5], [sflag:$0x9] =	stream.linear.gather [hbm4b:s1+s5], $0x5000, $0x38;
	[tilespmem:$0x1B940] =	vst v63  }
0x1d: {  	_ =	swait.ge [sflag:s14], $0x5000  }
0x1e: {  	[sflag:s14] =	ssyncset.done $0x0  }
0x1f: {  	s6 =	simm.s32 $0x5000;
	s4 =	rddreg [dreg:$0x8];
	[sflag:s14] =	ssyncadd.s32 $0xFFFFB000  }
0x20: {  	[tilespmem:s6], [sflag:$0x9] =	stream.linear.gather [hbm4b:s4+s5], $0x5000, $0x38;
	[tilespmem:$0x1B940] =	vst v63  }
0x21: {  	_ =	swait.ge [sflag:s14], $0x5000  }
0x22: {  	[sflag:s14] =	ssyncset.done $0x0  }
0x23: {  	[sflag:s14] =	ssyncadd.s32 $0xFFFFB000  }
0x24: {  	p0 =	por $0x1, $0x1;
	[bflag:$0x0] =	sbarrier.arrive $0xFFFF  }
0x25: {  	[tilespmem:s17], [sflag:$0x1] =	stream.indirect.gather [spmem:s3], $0x40, s5, s16, $0xb8;
	[tilespmem:$0x1B940] =	vst v63  }
0x26: {  	s0 =	simm.s32 @!p0 $0x6  }
0x27: {  	[tilespmem:s18], [sflag:$0x3] =	stream.indirect.gather [spmem:s3], $0x40, s6, s16, $0xb8;
	[tilespmem:$0x1B940] =	vst v63  }
0x28: {  	_ =	swait.ge @!p0 [sflag:s0], $0x1F40  }
0x29: {  	[sflag:s0] =	ssyncset.done @!p0 $0x0  }
0x2a: {  	[sflag:s0] =	ssyncadd.s32 @!p0 $0xFFFFE0C0;
	s0 =	simm.s32 @!p0 $0x8  }
0x2b: {  	_ =	swait.ge @!p0 [sflag:s0], $0x1F40  }
0x2c: {  	[sflag:s0] =	ssyncset.done @!p0 $0x0  }
0x2d: {  	s7 =	simm.s32 $0x80;
	[sflag:s0] =	ssyncadd.s32 @!p0 $0xFFFFE0C0  }
0x2e: {  	[tilespmem:s19], [sflag:$0x2] =	stream.indirect.gather [spmem:s3], $0x40, s7, s16, $0xb8;
	[tilespmem:$0x1B940] =	vst v63  }
0x2f: {  	s8 =	simm.s32 $0x5080  }
0x30: {  	[tilespmem:s20], [sflag:$0x4] =	stream.indirect.gather [spmem:s3], $0x40, s8, s16, $0xb8;
	[tilespmem:$0x1B940] =	vst v63  }
0x31: {  	_ =	swait.ge [sflag:s21], $0x1F40  }
0x32: {  	[sflag:s21] =	ssyncset.done $0x0  }
0x33: {  	[sflag:s21] =	ssyncadd.s32 $0xFFFFE0C0  }
0x34: {  	s9 =	rddreg [dreg:$0x1]  }
0x35: {  	s10 =	sadd.s32 s9, s11  }
0x36: {  	[hbm4b:s10+s22] =	stream.strided.scatter [tilespmem:s17], [sflag:$0x5], $0x1F40, s23, s22, $0x38;
	[tilespmem:$0x1B940] =	vst v63  }
0x37: {  	_ =	swait.ge [sflag:s24], $0x1F40  }
0x38: {  	[sflag:s24] =	ssyncset.done $0x0  }
0x39: {  	s13 =	sadd.s32 s2, s11;
	[sflag:s24] =	ssyncadd.s32 $0xFFFFE0C0  }
0x3a: {  	[hbm4b:s13+s22] =	stream.strided.scatter [tilespmem:s18], [sflag:$0x7], $0x1F40, s23, s22, $0x38;
	[tilespmem:$0x1B940] =	vst v63  }
0x3b: {  	_ =	swait.ge [sflag:s25], $0x1F40  }
0x3c: {  	p0 =	por $0x0, $0x0;
	[sflag:s25] =	ssyncset.done $0x0  }
0x3d: {  	s0 =	simm.s32 @p0 $0x7;
	[sflag:s25] =	ssyncadd.s32 $0xFFFFE0C0  }
0x3e: {  	_ =	swait.ge @p0 [sflag:s0], $0x1F40  }
0x3f: {  	s4 =	simm.s32 @!p0 $0x100;
	s6 =	simm.s32 @!p0 $0x7;
	[sflag:s0] =	ssyncset.done @p0 $0x0  }
0x40: {  	s7 =	simm.s32 @!p0 $0xA000;
	[sflag:s0] =	ssyncadd.s32 @p0 $0xFFFFE0C0;
	s0 =	simm.s32 @!p0 $0x7D  }
0x41: {  	[tilespmem:s7], [sflag:$0x1] =	stream.indirect.gather @!p0 [spmem:s3], $0x40, s4, s0, $0xb8;
	[tilespmem:$0x1B940] =	vst v63  }
0x42: {  	_ =	swait.ge @!p0 [sflag:s6], $0x1F40  }
0x43: {  	[sflag:s6] =	ssyncset.done @!p0 $0x0  }
0x44: {  	s4 =	simm.s32 @!p0 $0x5100;
	[sflag:s6] =	ssyncadd.s32 @!p0 $0xFFFFE0C0;
	s6 =	simm.s32 @!p0 $0xDE80  }
0x45: {  	[tilespmem:s6], [sflag:$0x3] =	stream.indirect.gather @!p0 [spmem:s3], $0x40, s4, s0, $0xb8;
	[tilespmem:$0x1B940] =	vst v63  }
0x46: {  	_ =	swait.ge [sflag:s26], $0x1F40  }
0x47: {  	p1 =	por $0x0, $0x0;
	[sflag:s26] =	ssyncset.done $0x0  }
0x48: {  	s15 =	sadd.s32 s9, s12;
	s7 =	simm.s32 $0x800;
	[sflag:s26] =	ssyncadd.s32 $0xFFFFE0C0  }
0x49: {  	[hbm4b:s15+s22] =	stream.strided.scatter [tilespmem:s19], [sflag:$0x6], $0x1F40, s23, s22, $0x38;
	[tilespmem:$0x1B940] =	vst v63  }
0x4a: {  	s6 =	simm.s32 $0x400;
	s0 =	sadd.s32 $0xFA0, s2;
	_ =	swait.ge [sflag:s28], $0x1F40  }
0x4b: {  	s4 =	sadd.s32 $0xFA0, s9;
	s9 =	sadd.s32 s2, s12;
	[sflag:s28] =	ssyncset.done $0x0  }
.LBB2_2:
0x4c: {  	s10 =	simm.s32 @!p1 $0x6;
	[sflag:s28] =	ssyncadd.s32 $0xFFFFE0C0  }
0x4d: {  	s15 =	smov.u32 s7;
	s7 =	sadd.s32 $0x400, s7;
	s8 =	smov.u32 s0  }
0x4e: {  	[hbm4b:s9+s22] =	stream.strided.scatter [tilespmem:s20], [sflag:$0x8], $0x1F40, s23, s22, $0x38;
	[tilespmem:$0x1B940] =	vst v63  }
0x4f: {  	p0 =	sne.s32 s7, $0x14000;
	_ =	swait.ge @!p1 [sflag:s10], $0x1F40  }
0x50: {  	[sflag:s10] =	ssyncset.done @!p1 $0x0  }
0x51: {  	s9 =	simm.s32 @!p1 $0x8;
	[sflag:s10] =	ssyncadd.s32 @!p1 $0xFFFFE0C0  }
0x52: {  	_ =	swait.ge @!p1 [sflag:s9], $0x1F40  }
0x53: {  	s10 =	sshra.s32 s6, $0x2;
	[sflag:s9] =	ssyncset.done @!p1 $0x0  }
0x54: {  	[sflag:s9] =	ssyncadd.s32 @!p1 $0xFFFFE0C0;
	s9 =	sadd.s32 $0x80, s10  }
0x55: {  	[tilespmem:s19], [sflag:$0x2] =	stream.indirect.gather [spmem:s3], $0x40, s9, s16, $0xb8;
	[tilespmem:$0x1B940] =	vst v63  }
0x56: {  	s9 =	sadd.s32 $0x5080, s10  }
0x57: {  	[tilespmem:s20], [sflag:$0x4] =	stream.indirect.gather [spmem:s3], $0x40, s9, s16, $0xb8;
	[tilespmem:$0x1B940] =	vst v63  }
0x58: {  	_ =	swait.ge [sflag:s21], $0x1F40  }
0x59: {  	[sflag:s21] =	ssyncset.done $0x0  }
0x5a: {  	s9 =	sadd.s32 s4, s11;
	[sflag:s21] =	ssyncadd.s32 $0xFFFFE0C0  }
0x5b: {  	[hbm4b:s9+s22] =	stream.strided.scatter [tilespmem:s17], [sflag:$0x5], $0x1F40, s23, s22, $0x38;
	[tilespmem:$0x1B940] =	vst v63  }
0x5c: {  	_ =	swait.ge [sflag:s24], $0x1F40  }
0x5d: {  	[sflag:s24] =	ssyncset.done $0x0  }
0x5e: {  	s9 =	sadd.s32 s0, s11;
	[sflag:s24] =	ssyncadd.s32 $0xFFFFE0C0  }
0x5f: {  	[hbm4b:s9+s22] =	stream.strided.scatter [tilespmem:s18], [sflag:$0x7], $0x1F40, s23, s22, $0x38;
	[tilespmem:$0x1B940] =	vst v63  }
0x60: {  	_ =	swait.ge [sflag:s25], $0x1F40  }
0x61: {  	p1 =	seq.s32 s6, $0x13C00;
	[sflag:s25] =	ssyncset.done $0x0  }
0x62: {  	s6 =	sshra.s32 @!p1 s6, $0x2;
	s9 =	simm.s32 @p1 $0x7;
	[sflag:s25] =	ssyncadd.s32 $0xFFFFE0C0  }
0x63: {  	s10 =	sadd.s32 @!p1 $0x100, s6;
	s13 =	sadd.s32 @!p1 $0x5100, s6;
	_ =	swait.ge @p1 [sflag:s9], $0x1F40  }
0x64: {  	s1 =	simm.s32 @!p1 $0x7;
	s6 =	smov.u32 s15;
	[sflag:s9] =	ssyncset.done @p1 $0x0  }
0x65: {  	s15 =	simm.s32 @!p1 $0xA000;
	[sflag:s9] =	ssyncadd.s32 @p1 $0xFFFFE0C0;
	s9 =	simm.s32 @!p1 $0x7D  }
0x66: {  	[tilespmem:s15], [sflag:$0x1] =	stream.indirect.gather @!p1 [spmem:s3], $0x40, s10, s9, $0xb8;
	[tilespmem:$0x1B940] =	vst v63  }
0x67: {  	_ =	swait.ge @!p1 [sflag:s1], $0x1F40  }
0x68: {  	[sflag:s1] =	ssyncset.done @!p1 $0x0  }
0x69: {  	[sflag:s1] =	ssyncadd.s32 @!p1 $0xFFFFE0C0;
	s1 =	simm.s32 @!p1 $0xDE80  }
0x6a: {  	[tilespmem:s1], [sflag:$0x3] =	stream.indirect.gather @!p1 [spmem:s3], $0x40, s13, s9, $0xb8;
	[tilespmem:$0x1B940] =	vst v63  }
0x6b: {  	_ =	swait.ge [sflag:s26], $0x1F40  }
.Ltmp0:
0x6c: {  	[sflag:s26] =	ssyncset.done $0x0;
	(pc) =	sbr.rel @p0 .LBB2_2-.Ltmp0, $4  }
0x6d: {  	s1 =	sadd.s32 s4, s12;
	[sflag:s26] =	ssyncadd.s32 $0xFFFFE0C0  }
0x6e: {  	[hbm4b:s1+s22] =	stream.strided.scatter [tilespmem:s19], [sflag:$0x6], $0x1F40, s23, s22, $0x38;
	[tilespmem:$0x1B940] =	vst v63  }
0x6f: {  	s0 =	sadd.s32 $0xFA0, s0;
	s4 =	sadd.s32 $0xFA0, s4;
	_ =	swait.ge [sflag:s28], $0x1F40  }
0x70: {  	p1 =	seq.s32 s6, $0x0;
	s9 =	sadd.s32 s8, s12;
	[sflag:s28] =	ssyncset.done $0x0  }
0x71: {  	s1 =	simm.s32 @!p1 $0x6;
	[sflag:s28] =	ssyncadd.s32 $0xFFFFE0C0  }
0x72: {  	[hbm4b:s9+s22] =	stream.strided.scatter [tilespmem:s20], [sflag:$0x8], $0x1F40, s23, s22, $0x38;
	[tilespmem:$0x1B940] =	vst v63  }
0x73: {  	_ =	swait.ge @!p1 [sflag:s1], $0x1F40  }
0x74: {  	[sflag:s1] =	ssyncset.done @!p1 $0x0  }
0x75: {  	[sflag:s1] =	ssyncadd.s32 @!p1 $0xFFFFE0C0;
	s1 =	simm.s32 @!p1 $0x8  }
0x76: {  	_ =	swait.ge @!p1 [sflag:s1], $0x1F40  }
0x77: {  	s7 =	sshra.s32 s6, $0x2;
	[sflag:s1] =	ssyncset.done @!p1 $0x0  }
0x78: {  	s15 =	sadd.s32 $0x80, s7;
	[sflag:s1] =	ssyncadd.s32 @!p1 $0xFFFFE0C0  }
0x79: {  	[tilespmem:s19], [sflag:$0x2] =	stream.indirect.gather [spmem:s3], $0x40, s15, s16, $0xb8;
	[tilespmem:$0x1B940] =	vst v63  }
0x7a: {  	s7 =	sadd.s32 $0x5080, s7  }
0x7b: {  	[tilespmem:s20], [sflag:$0x4] =	stream.indirect.gather [spmem:s3], $0x40, s7, s16, $0xb8;
	[tilespmem:$0x1B940] =	vst v63  }
0x7c: {  	_ =	swait.ge [sflag:s21], $0x1F40  }
0x7d: {  	[sflag:s21] =	ssyncset.done $0x0  }
0x7e: {  	s8 =	sadd.s32 s4, s11;
	[sflag:s21] =	ssyncadd.s32 $0xFFFFE0C0  }
0x7f: {  	[hbm4b:s8+s22] =	stream.strided.scatter [tilespmem:s17], [sflag:$0x5], $0x1F40, s23, s22, $0x38;
	[tilespmem:$0x1B940] =	vst v63  }
0x80: {  	_ =	swait.ge [sflag:s24], $0x1F40  }
0x81: {  	[sflag:s24] =	ssyncset.done $0x0  }
0x82: {  	s9 =	sadd.s32 s0, s11;
	[sflag:s24] =	ssyncadd.s32 $0xFFFFE0C0  }
0x83: {  	[hbm4b:s9+s22] =	stream.strided.scatter [tilespmem:s18], [sflag:$0x7], $0x1F40, s23, s22, $0x38;
	[tilespmem:$0x1B940] =	vst v63  }
0x84: {  	_ =	swait.ge [sflag:s25], $0x1F40  }
0x85: {  	p0 =	seq.s32 s6, $0x13C00;
	[sflag:s25] =	ssyncset.done $0x0  }
0x86: {  	s1 =	simm.s32 @p0 $0x7;
	[sflag:s25] =	ssyncadd.s32 $0xFFFFE0C0  }
0x87: {  	s6 =	sshra.s32 @!p0 s6, $0x2;
	_ =	swait.ge @p0 [sflag:s1], $0x1F40  }
0x88: {  	s7 =	sadd.s32 @!p0 $0x100, s6;
	s8 =	simm.s32 @!p0 $0x7;
	[sflag:s1] =	ssyncset.done @p0 $0x0  }
0x89: {  	s9 =	simm.s32 @!p0 $0xA000;
	[sflag:s1] =	ssyncadd.s32 @p0 $0xFFFFE0C0;
	s1 =	simm.s32 @!p0 $0x7D  }
0x8a: {  	[tilespmem:s9], [sflag:$0x1] =	stream.indirect.gather @!p0 [spmem:s3], $0x40, s7, s1, $0xb8;
	[tilespmem:$0x1B940] =	vst v63  }
0x8b: {  	_ =	swait.ge @!p0 [sflag:s8], $0x1F40  }
0x8c: {  	[sflag:s8] =	ssyncset.done @!p0 $0x0  }
0x8d: {  	s6 =	sadd.s32 @!p0 $0x5100, s6;
	s7 =	simm.s32 @!p0 $0xDE80;
	[sflag:s8] =	ssyncadd.s32 @!p0 $0xFFFFE0C0  }
0x8e: {  	[tilespmem:s7], [sflag:$0x3] =	stream.indirect.gather @!p0 [spmem:s3], $0x40, s6, s1, $0xb8;
	[tilespmem:$0x1B940] =	vst v63  }
0x8f: {  	_ =	swait.ge [sflag:s26], $0x1F40  }
0x90: {  	[sflag:s26] =	ssyncset.done $0x0  }
0x91: {  	s10 =	sadd.s32 s4, s12;
	[sflag:s26] =	ssyncadd.s32 $0xFFFFE0C0  }
0x92: {  	[hbm4b:s10+s22] =	stream.strided.scatter [tilespmem:s19], [sflag:$0x6], $0x1F40, s23, s22, $0x38;
	[tilespmem:$0x1B940] =	vst v63  }
0x93: {  	_ =	swait.ge [sflag:s28], $0x1F40  }
0x94: {  	[sflag:s28] =	ssyncset.done $0x0  }
0x95: {  	s13 =	sadd.s32 s0, s12;
	[sflag:s28] =	ssyncadd.s32 $0xFFFFE0C0  }
0x96: {  	[hbm4b:s13+s22] =	stream.strided.scatter [tilespmem:s20], [sflag:$0x8], $0x1F40, s23, s22, $0x38;
	[tilespmem:$0x1B940] =	vst v63  }
0x97: {  	_ =	swait.ge [sflag:s29], $0x1F40  }
0x98: {  	[sflag:s29] =	ssyncset.done $0x0  }
0x99: {  	[sflag:s29] =	ssyncadd.s32 $0xFFFFE0C0  }
0x9a: {  	_ =	swait.ge [sflag:s30], $0x1F40  }
0x9b: {  	s31 =	sadd.s32 $0x1, s31;
	s15 =	rddreg [dreg:$0x9]  }
0x9c: {  	p0 =	sne.s32 s31, s15  }
.Ltmp1:
0x9d: {  	_ = 	snop;
	(pc) =	sbr.rel @p0 .LBB2_1-.Ltmp1, $3  }
0x9e: {  	_ =	sdelay $0x1  }
0x9f: {  	[sflag:s30] =	ssyncset.done $0x0  }
0xa0: {  	[sflag:s30] =	ssyncadd.s32 $0xFFFFE0C0  }
0xa1: {  	_ =	sfence.sel $0x180000  }
0xa2: {  	[bflag:$0x0] =	sbarrier.arrive $0xFFFF  }
0xa3: {  	_ =	strace $0x9000004A  }
0xa4: {  	s0 =	stileid.u32;
	[bflag:$0x2] =	sbarrier.arrive $0xFFFF  }
0xa5: {  	p0 =	sne.s32 s0, $0x0;
	s0 =	rddreg [dreg:$0x4]  }
0xa6: {  	s0 =	sadd.s32 @!p0 $0x100000, s0  }
0xa7: {  	[sflag:s0] =	ssyncadd.tile.s32 @!p0 $0x1;
	_ =	shalt  }
.Lfunc_end2:
_tile_overlayer_lowered:
.L_overlay_start_2:
0xa8: {  	(tag) =	ssettag $0x2  }
0xa9: {  	s0 =	rddreg [dreg:$0x0];
	s2 =	stileid.u32  }
0xaa: {  	s1 =	rddreg [dreg:$0x1];
	p0 =	sne.s32 s2, $0x0  }
0xab: {  	s3 =	rddreg [dreg:$0x2];
	[bflag:$0x3] =	sbarrier.arrive $0xFFFF;
	s2 =	simm.s32 @!p0 $0x1C09  }
0xac: {  	[timem:s3], [sflag:s2] =	dma.local @!p0 [hbm:s0], s1  }
0xad: {  	s0 =	simm.s32 @!p0 $0x9  }
0xae: {  	_ =	swait.ge @!p0 [sflag:s0], s1  }
0xaf: {  	s1 =	ssub.s32 @!p0 $0x0, s1;
	[sflag:s0] =	ssyncset.done @!p0 $0x0  }
0xb0: {  	[sflag:s0] =	ssyncadd.s32 @!p0 s1  }
0xb1: {  	[bflag:$0x3] =	sbarrier.arrive $0xFFFF  }
0xb2: {  	_ =	shalt  }

</sc_bundles>
